<compile_context>
chip_gen: v7x
topology: tpu7x:2x2x1
jax: 0.10.2.dev20260603
libtpu: 0.0.44.dev20260713+nightly
codegen_flags: <defaults>
</compile_context>

<pallas_src>
import functools

import jax
import jax.numpy as jnp
from jax import lax
from jax.experimental import pallas as pl
from jax.experimental.pallas import tpu as pltpu
from jax.experimental.pallas import tpu_sc as plsc

ROWS = 16384
COLS = 2048
NC = 2
NS = 16
L = 16
NW = NC * NS
RPW = ROWS // NW
CHUNK = 8
STEPS = CHUNK * COLS // (16 * L)
NACC = 8
NSLOTS = 3


def _chunk_sum(eb, ob, accs):

    def step(s, accs):
        r = s // (STEPS // CHUNK)
        cb = s % (STEPS // CHUNK)
        accs = list(accs)
        for k in range(16):
            off = cb * 256 + k * L
            ve = eb[r, pl.ds(off, L)]
            vo = ob[r, pl.ds(off, L)]
            d = ve - vo
            accs[k % NACC] = accs[k % NACC] + d * d
        return tuple(accs)

    return lax.fori_loop(0, STEPS, step, tuple(accs))


def _sc_body(e_hbm, o_hbm, m_hbm, out_hbm,
             m_v, lane_v, idx_v, e0, o0, e1, o1, e2, o2, res_v,
             sem0, sem1, sem2):
    cid = lax.axis_index("c")
    sid = lax.axis_index("s")
    wid = sid * NC + cid
    base = wid * RPW

    pltpu.sync_copy(m_hbm.at[pl.ds(base, RPW)], m_v)

    sent = jnp.full((L,), base, jnp.int32)

    REG = RPW // L
    DUMP = RPW
    lane_id = lax.iota(jnp.int32, L)
    lane_base = lane_id * REG

    def compact(j, cnt):
        mb = m_v[pl.ds(j * L, L)] > 0
        rows = base + j * L + lane_id
        pos = jnp.where(mb, lane_base + cnt, DUMP)
        plsc.store_scatter(lane_v, [pos], rows)
        return cnt + jnp.where(mb, 1, 0)

    cnt = lax.fori_loop(0, RPW // L, compact, jnp.zeros((L,), jnp.int32))

    n = jnp.int32(0)
    off = jnp.zeros((L,), jnp.int32)
    for l in range(L):
        cl = cnt[l]
        off = off + jnp.where(lane_id > l, cl, 0)
        n = n + cl

    def merge(t, _):
        v = plsc.load_gather(lane_v, [lane_base + t])
        dst = jnp.where(t < cnt, off + t, DUMP)
        plsc.store_scatter(idx_v, [dst], v)
        return 0

    lax.fori_loop(0, REG, merge, 0)

    plsc.store_scatter(idx_v, [n + lane_id], sent)
    plsc.store_scatter(idx_v, [n + L + lane_id], sent)

    ngroups = (n + NSLOTS * CHUNK - 1) // (NSLOTS * CHUNK)
    nch = ngroups * NSLOTS

    slots = ((e0, o0, sem0), (e1, o1, sem1), (e2, o2, sem2))[:NSLOTS]

    def fire(g, eb, ob, sem):
        iv = idx_v.at[pl.ds(g * CHUNK, CHUNK)]
        pltpu.make_async_copy(e_hbm.at[iv], eb, sem).start()
        pltpu.make_async_copy(o_hbm.at[iv], ob, sem).start()

    def drain(eb, ob, sem):
        iv = idx_v.at[pl.ds(0, CHUNK)]
        pltpu.make_async_copy(e_hbm.at[iv], eb, sem).wait()
        pltpu.make_async_copy(o_hbm.at[iv], ob, sem).wait()

    for s in range(NSLOTS):
        @pl.when(s < nch)
        def _prime(s=s):
            fire(s, *slots[s])

    zero = jnp.zeros((L,), jnp.float32)
    accs0 = tuple(zero for _ in range(NACC))

    def group_body(p, accs):
        for s in range(NSLOTS):
            eb, ob, sem = slots[s]
            g = NSLOTS * p + s
            drain(eb, ob, sem)
            accs = _chunk_sum(eb, ob, accs)

            @pl.when(g + NSLOTS < nch)
            def _refire():
                fire(g + NSLOTS, eb, ob, sem)

        return accs

    accs = lax.fori_loop(0, ngroups, group_body, accs0)
    tot_v = accs[0]
    for a in accs[1:]:
        tot_v = tot_v + a

    pltpu.sync_copy(e_hbm.at[base], e0.at[0])
    pltpu.sync_copy(o_hbm.at[base], o0.at[0])

    def srow_step(s, acc):
        for k in range(16):
            off2 = s * 256 + k * L
            d = e0[0, pl.ds(off2, L)] - o0[0, pl.ds(off2, L)]
            acc = acc + d * d
        return acc

    sacc = lax.fori_loop(0, COLS // (16 * L), srow_step, zero)
    npad = nch * CHUNK - n
    tot_v = tot_v - sacc * npad.astype(jnp.float32)

    res_v[0, :] = tot_v
    res_v[1, :] = jnp.full((L,), n.astype(jnp.float32))
    pltpu.sync_copy(res_v, out_hbm.at[wid])


@functools.lru_cache(maxsize=1)
def _build_sc_loss():
    return functools.partial(
        pl.kernel,
        out_type=jax.ShapeDtypeStruct((NW, 2, L), jnp.float32),
        mesh=plsc.VectorSubcoreMesh(core_axis_name="c", subcore_axis_name="s",
                                    num_cores=NC, num_subcores=NS),
        compiler_params=pltpu.CompilerParams(needs_layout_passes=False),
        scratch_types=[
            pltpu.VMEM((RPW,), jnp.int32),
            pltpu.VMEM((RPW + 8,), jnp.int32),
            pltpu.VMEM((RPW + 2 * L,), jnp.int32),
            pltpu.VMEM((CHUNK, COLS), jnp.float32),
            pltpu.VMEM((CHUNK, COLS), jnp.float32),
            pltpu.VMEM((CHUNK, COLS), jnp.float32),
            pltpu.VMEM((CHUNK, COLS), jnp.float32),
            pltpu.VMEM((CHUNK, COLS), jnp.float32),
            pltpu.VMEM((CHUNK, COLS), jnp.float32),
            pltpu.VMEM((2, L), jnp.float32),
            pltpu.SemaphoreType.DMA,
            pltpu.SemaphoreType.DMA,
            pltpu.SemaphoreType.DMA,
        ],
    )(_sc_body)


@jax.jit
def _masked_mse(e2, o2, m1):
    parts = _build_sc_loss()(e2, o2, m1)
    total = jnp.sum(parts[:, 0, :])
    count = jnp.sum(parts[:, 1, 0])
    return total / jnp.maximum(count * float(COLS), 1.0)


def kernel(estimate, output, mask):
    e2 = estimate.reshape(ROWS, COLS)
    o2 = output.reshape(ROWS, COLS)
    m1 = mask.reshape(ROWS).astype(jnp.int32)
    return _masked_mse(e2, o2, m1)

# --- scband reference (transcript-rebuilt; emitter-appended) ---
"""Pipeline reference for scband-masked-loss-22110491639976 (READ-ONLY COPY).

The authoritative reference and input builder live on the scoring server;
editing this copy changes nothing except your own understanding.
"""

import jax, jax.numpy as jnp
import numpy as np


def setup_inputs(seed: int = 0) -> dict:
    key = jax.random.key(seed)
    k1, k2, k3 = jax.random.split(key, 3)
    estimate = jax.random.normal(k1, (2, 8192, 2048), dtype=jnp.float32)
    output = jax.random.normal(k2, (2, 8192, 2048), dtype=jnp.float32)
    mask = jax.random.randint(k3, (2, 8192, 1), 0, 2).astype(jnp.bool_)
    return {"estimate": estimate, "output": output, "mask": mask}


def reference(estimate, output, mask):
    # _MaskedLoss with a concrete self._loss = nn.MSELoss() (mean reduction).
    # torch: feature_mask = mask.expand_as(estimate); mse(estimate[fm], output[fm])
    # Equivalent dense form (jit-friendly, same math and same gradients):
    # sum of squared diffs over masked positions / number of masked positions.
    feature_mask = jnp.broadcast_to(mask, estimate.shape)
    m = feature_mask.astype(estimate.dtype)
    sq = (estimate - output) ** 2
    denom = jnp.maximum(jnp.sum(m), 1.0)
    return jnp.sum(sq * m) / denom

if __name__ == "__main__":
    import jax
    _d = setup_inputs()
    print(jax.jit(kernel)(*tuple(_d.values())))

</pallas_src>

<mosaic_0001>
#map = affine_map<(d0, d1) -> (0, 0)>
#map1 = affine_map<(d0, d1) -> (0)>
#map2 = affine_map<(d0, d1) -> (0, 0, 0)>
module attributes {stable_mosaic.version = 14 : i64} {
  func.func @_sc_body(%arg0: i32, %arg1: i32, %arg2: memref<16384x2048xf32, #tpu.memory_space<hbm>>, %arg3: memref<16384x2048xf32, #tpu.memory_space<hbm>>, %arg4: memref<16384xi32, #tpu.memory_space<hbm>>, %arg5: memref<32x2x16xf32, #tpu.memory_space<hbm>>, %arg6: memref<512xi32, #tpu.memory_space<vmem>>, %arg7: memref<520xi32, #tpu.memory_space<vmem>>, %arg8: memref<544xi32, #tpu.memory_space<vmem>>, %arg9: memref<8x2048xf32, #tpu.memory_space<vmem>>, %arg10: memref<8x2048xf32, #tpu.memory_space<vmem>>, %arg11: memref<8x2048xf32, #tpu.memory_space<vmem>>, %arg12: memref<8x2048xf32, #tpu.memory_space<vmem>>, %arg13: memref<8x2048xf32, #tpu.memory_space<vmem>>, %arg14: memref<8x2048xf32, #tpu.memory_space<vmem>>, %arg15: memref<2x16xf32, #tpu.memory_space<vmem>>, %arg16: memref<!tpu.dma_semaphore, #tpu.memory_space<semaphore_mem>>, %arg17: memref<!tpu.dma_semaphore, #tpu.memory_space<semaphore_mem>>, %arg18: memref<!tpu.dma_semaphore, #tpu.memory_space<semaphore_mem>>) attributes {dimension_semantics = [#tpu.dimension_semantics<core_parallel>, #tpu.dimension_semantics<subcore_parallel>], iteration_bounds = array<i64: 2, 16>, scalar_prefetch = 0 : i64, scratch_operands = 13 : i64, tpu.core_type = #tpu.core_type<sc_vector_subcore>, window_params = [{transform_indices = #map}, {transform_indices = #map}, {transform_indices = #map1}, {transform_indices = #map2}]} {
    %mul3A = arith.constant 2 : i32
    %mul3A_0 = arith.muli %arg1, %mul3A : i32
    %add3A = arith.addi %mul3A_0, %arg0 : i32
    %mul3A_1 = arith.constant 512 : i32
    %mul3A_2 = arith.muli %add3A, %mul3A_1 : i32
    "tpu.region"() ({
      %run_scoped3A_279 = tpu.sem_alloc : memref<!tpu.dma_semaphore, #tpu.memory_space<semaphore_mem>>
      %dma_start3A = tpu.memref_slice %arg4[%mul3A_2] : memref<16384xi32, #tpu.memory_space<hbm>> -> memref<512xi32, #tpu.memory_space<hbm>>
      %dma_start3A_280 = tpu.memref_slice %arg4[%mul3A_2] : memref<16384xi32, #tpu.memory_space<hbm>> -> memref<512xi32, #tpu.memory_space<hbm>>
      tpu.enqueue_dma source(%dma_start3A_280 : memref<512xi32, #tpu.memory_space<hbm>>) target(%arg6 : memref<512xi32, #tpu.memory_space<vmem>>) target_semaphore(%run_scoped3A_279 : memref<!tpu.dma_semaphore, #tpu.memory_space<semaphore_mem>>)
      %dma_wait3A = tpu.memref_slice %arg4[%mul3A_2] : memref<16384xi32, #tpu.memory_space<hbm>> -> memref<512xi32, #tpu.memory_space<hbm>>
      %dma_wait3A_281 = tpu.memref_slice %arg4[%mul3A_2] : memref<16384xi32, #tpu.memory_space<hbm>> -> memref<512xi32, #tpu.memory_space<hbm>>
      tpu.wait_dma2 semaphore(%run_scoped3A_279 : memref<!tpu.dma_semaphore, #tpu.memory_space<semaphore_mem>>) src(%dma_wait3A_281 : memref<512xi32, #tpu.memory_space<hbm>>) dst(%arg6 : memref<512xi32, #tpu.memory_space<vmem>>)
      tpu.yield
    }) : () -> ()
    %broadcast_in_dim3A = vector.broadcast %mul3A_2 : i32 to vector<16xi32>
    %iota3A = tpu.iota {dimensions = array<i32: 0>} : vector<16xi32>
    %mul3A_3 = arith.constant 32 : i32
    %mul3A_4 = vector.broadcast %mul3A_3 : i32 to vector<16xi32>
    %mul3A_5 = arith.muli %iota3A, %mul3A_4 : vector<16xi32>
    %broadcast_in_dim3A_6 = arith.constant 0 : i32
    %broadcast_in_dim3A_7 = vector.broadcast %broadcast_in_dim3A_6 : i32 to vector<16xi32>
    %scan3A = arith.constant 0 : i32
    %scan3A_8 = arith.constant 32 : i32
    %scan3A_9 = arith.addi %scan3A, %scan3A_8 : i32
    %scan3A_10 = arith.constant 1 : i32
    %scan3A_11 = scf.for %scan3A_279 = %scan3A to %scan3A_9 step %scan3A_10 iter_args(%scan3A_280 = %broadcast_in_dim3A_7) -> (vector<16xi32>)  : i32 {
      %mul3A_281 = arith.constant 16 : i32
      %mul3A_282 = arith.muli %scan3A_279, %mul3A_281 : i32
      %get3A = arith.index_cast %mul3A_282 : i32 to index
      %get3A_283 = tpu.vector_load %arg6[%get3A] {strides = array<i32>} : memref<512xi32, #tpu.memory_space<vmem>>, vector<16xi32>,
      %gt3A_284 = arith.constant 0 : i32
      %gt3A_285 = vector.broadcast %gt3A_284 : i32 to vector<16xi32>
      %gt3A_286 = arith.cmpi sgt, %get3A_283, %gt3A_285 : vector<16xi32>
      %mul3A_287 = arith.constant 16 : i32
      %mul3A_288 = arith.muli %scan3A_279, %mul3A_287 : i32
      %add3A_289 = arith.addi %mul3A_2, %mul3A_288 : i32
      %add3A_290 = vector.broadcast %add3A_289 : i32 to vector<16xi32>
      %add3A_291 = arith.addi %add3A_290, %iota3A : vector<16xi32>
      %add3A_292 = arith.addi %mul3A_5, %scan3A_280 : vector<16xi32>
      %jit3A_293 = arith.constant 512 : i32
      %broadcast_in_dim3A_294 = vector.broadcast %jit3A_293 : i32 to vector<16xi32>
      %select_n3A_295 = arith.select %gt3A_286, %add3A_292, %broadcast_in_dim3A_294 : vector<16xi1>, vector<16xi32>
      tpu.vector_store_idx %arg7[%select_n3A_295], %add3A_291 : memref<520xi32, #tpu.memory_space<vmem>>[vector<16xi32>], vector<16xi32>,
      %jit3A_296 = arith.constant 1 : i32
      %jit3A_297 = arith.constant 0 : i32
      %broadcast_in_dim3A_298 = vector.broadcast %jit3A_296 : i32 to vector<16xi32>
      %broadcast_in_dim3A_299 = vector.broadcast %jit3A_297 : i32 to vector<16xi32>
      %select_n3A_300 = arith.select %gt3A_286, %broadcast_in_dim3A_298, %broadcast_in_dim3A_299 : vector<16xi1>, vector<16xi32>
      %add3A_301 = arith.addi %scan3A_280, %select_n3A_300 : vector<16xi32>
      scf.yield %add3A_301 : vector<16xi32>
    }
    %scan3A_12 = arith.constant 32 : i32
    %broadcast_in_dim3A_13 = arith.constant 0 : i32
    %broadcast_in_dim3A_14 = vector.broadcast %broadcast_in_dim3A_13 : i32 to vector<16xi32>
    %slice3A = vector.extract_strided_slice %scan3A_11 {offsets = [0], sizes = [1], strides = [1]} : vector<16xi32> to vector<1xi32>
    %squeeze3A = vector.extract %slice3A[0] : i32 from vector<1xi32>
    %gt3A = arith.constant 0 : i32
    %gt3A_15 = vector.broadcast %gt3A : i32 to vector<16xi32>
    %gt3A_16 = arith.cmpi sgt, %iota3A, %gt3A_15 : vector<16xi32>
    %jit3A = arith.constant 0 : i32
    %broadcast_in_dim3A_17 = vector.broadcast %squeeze3A : i32 to vector<16xi32>
    %broadcast_in_dim3A_18 = vector.broadcast %jit3A : i32 to vector<16xi32>
    %select_n3A = arith.select %gt3A_16, %broadcast_in_dim3A_17, %broadcast_in_dim3A_18 : vector<16xi1>, vector<16xi32>
    %add3A_19 = arith.addi %broadcast_in_dim3A_14, %select_n3A : vector<16xi32>
    %add3A_20 = arith.constant 0 : i32
    %add3A_21 = arith.addi %add3A_20, %squeeze3A : i32
    %slice3A_22 = vector.extract_strided_slice %scan3A_11 {offsets = [1], sizes = [1], strides = [1]} : vector<16xi32> to vector<1xi32>
    %squeeze3A_23 = vector.extract %slice3A_22[0] : i32 from vector<1xi32>
    %gt3A_24 = arith.constant 1 : i32
    %gt3A_25 = vector.broadcast %gt3A_24 : i32 to vector<16xi32>
    %gt3A_26 = arith.cmpi sgt, %iota3A, %gt3A_25 : vector<16xi32>
    %jit3A_27 = arith.constant 0 : i32
    %broadcast_in_dim3A_28 = vector.broadcast %squeeze3A_23 : i32 to vector<16xi32>
    %broadcast_in_dim3A_29 = vector.broadcast %jit3A_27 : i32 to vector<16xi32>
    %select_n3A_30 = arith.select %gt3A_26, %broadcast_in_dim3A_28, %broadcast_in_dim3A_29 : vector<16xi1>, vector<16xi32>
    %add3A_31 = arith.addi %add3A_19, %select_n3A_30 : vector<16xi32>
    %add3A_32 = arith.addi %add3A_21, %squeeze3A_23 : i32
    %slice3A_33 = vector.extract_strided_slice %scan3A_11 {offsets = [2], sizes = [1], strides = [1]} : vector<16xi32> to vector<1xi32>
    %squeeze3A_34 = vector.extract %slice3A_33[0] : i32 from vector<1xi32>
    %gt3A_35 = arith.constant 2 : i32
    %gt3A_36 = vector.broadcast %gt3A_35 : i32 to vector<16xi32>
    %gt3A_37 = arith.cmpi sgt, %iota3A, %gt3A_36 : vector<16xi32>
    %jit3A_38 = arith.constant 0 : i32
    %broadcast_in_dim3A_39 = vector.broadcast %squeeze3A_34 : i32 to vector<16xi32>
    %broadcast_in_dim3A_40 = vector.broadcast %jit3A_38 : i32 to vector<16xi32>
    %select_n3A_41 = arith.select %gt3A_37, %broadcast_in_dim3A_39, %broadcast_in_dim3A_40 : vector<16xi1>, vector<16xi32>
    %add3A_42 = arith.addi %add3A_31, %select_n3A_41 : vector<16xi32>
    %add3A_43 = arith.addi %add3A_32, %squeeze3A_34 : i32
    %slice3A_44 = vector.extract_strided_slice %scan3A_11 {offsets = [3], sizes = [1], strides = [1]} : vector<16xi32> to vector<1xi32>
    %squeeze3A_45 = vector.extract %slice3A_44[0] : i32 from vector<1xi32>
    %gt3A_46 = arith.constant 3 : i32
    %gt3A_47 = vector.broadcast %gt3A_46 : i32 to vector<16xi32>
    %gt3A_48 = arith.cmpi sgt, %iota3A, %gt3A_47 : vector<16xi32>
    %jit3A_49 = arith.constant 0 : i32
    %broadcast_in_dim3A_50 = vector.broadcast %squeeze3A_45 : i32 to vector<16xi32>
    %broadcast_in_dim3A_51 = vector.broadcast %jit3A_49 : i32 to vector<16xi32>
    %select_n3A_52 = arith.select %gt3A_48, %broadcast_in_dim3A_50, %broadcast_in_dim3A_51 : vector<16xi1>, vector<16xi32>
    %add3A_53 = arith.addi %add3A_42, %select_n3A_52 : vector<16xi32>
    %add3A_54 = arith.addi %add3A_43, %squeeze3A_45 : i32
    %slice3A_55 = vector.extract_strided_slice %scan3A_11 {offsets = [4], sizes = [1], strides = [1]} : vector<16xi32> to vector<1xi32>
    %squeeze3A_56 = vector.extract %slice3A_55[0] : i32 from vector<1xi32>
    %gt3A_57 = arith.constant 4 : i32
    %gt3A_58 = vector.broadcast %gt3A_57 : i32 to vector<16xi32>
    %gt3A_59 = arith.cmpi sgt, %iota3A, %gt3A_58 : vector<16xi32>
    %jit3A_60 = arith.constant 0 : i32
    %broadcast_in_dim3A_61 = vector.broadcast %squeeze3A_56 : i32 to vector<16xi32>
    %broadcast_in_dim3A_62 = vector.broadcast %jit3A_60 : i32 to vector<16xi32>
    %select_n3A_63 = arith.select %gt3A_59, %broadcast_in_dim3A_61, %broadcast_in_dim3A_62 : vector<16xi1>, vector<16xi32>
    %add3A_64 = arith.addi %add3A_53, %select_n3A_63 : vector<16xi32>
    %add3A_65 = arith.addi %add3A_54, %squeeze3A_56 : i32
    %slice3A_66 = vector.extract_strided_slice %scan3A_11 {offsets = [5], sizes = [1], strides = [1]} : vector<16xi32> to vector<1xi32>
    %squeeze3A_67 = vector.extract %slice3A_66[0] : i32 from vector<1xi32>
    %gt3A_68 = arith.constant 5 : i32
    %gt3A_69 = vector.broadcast %gt3A_68 : i32 to vector<16xi32>
    %gt3A_70 = arith.cmpi sgt, %iota3A, %gt3A_69 : vector<16xi32>
    %jit3A_71 = arith.constant 0 : i32
    %broadcast_in_dim3A_72 = vector.broadcast %squeeze3A_67 : i32 to vector<16xi32>
    %broadcast_in_dim3A_73 = vector.broadcast %jit3A_71 : i32 to vector<16xi32>
    %select_n3A_74 = arith.select %gt3A_70, %broadcast_in_dim3A_72, %broadcast_in_dim3A_73 : vector<16xi1>, vector<16xi32>
    %add3A_75 = arith.addi %add3A_64, %select_n3A_74 : vector<16xi32>
    %add3A_76 = arith.addi %add3A_65, %squeeze3A_67 : i32
    %slice3A_77 = vector.extract_strided_slice %scan3A_11 {offsets = [6], sizes = [1], strides = [1]} : vector<16xi32> to vector<1xi32>
    %squeeze3A_78 = vector.extract %slice3A_77[0] : i32 from vector<1xi32>
    %gt3A_79 = arith.constant 6 : i32
    %gt3A_80 = vector.broadcast %gt3A_79 : i32 to vector<16xi32>
    %gt3A_81 = arith.cmpi sgt, %iota3A, %gt3A_80 : vector<16xi32>
    %jit3A_82 = arith.constant 0 : i32
    %broadcast_in_dim3A_83 = vector.broadcast %squeeze3A_78 : i32 to vector<16xi32>
    %broadcast_in_dim3A_84 = vector.broadcast %jit3A_82 : i32 to vector<16xi32>
    %select_n3A_85 = arith.select %gt3A_81, %broadcast_in_dim3A_83, %broadcast_in_dim3A_84 : vector<16xi1>, vector<16xi32>
    %add3A_86 = arith.addi %add3A_75, %select_n3A_85 : vector<16xi32>
    %add3A_87 = arith.addi %add3A_76, %squeeze3A_78 : i32
    %slice3A_88 = vector.extract_strided_slice %scan3A_11 {offsets = [7], sizes = [1], strides = [1]} : vector<16xi32> to vector<1xi32>
    %squeeze3A_89 = vector.extract %slice3A_88[0] : i32 from vector<1xi32>
    %gt3A_90 = arith.constant 7 : i32
    %gt3A_91 = vector.broadcast %gt3A_90 : i32 to vector<16xi32>
    %gt3A_92 = arith.cmpi sgt, %iota3A, %gt3A_91 : vector<16xi32>
    %jit3A_93 = arith.constant 0 : i32
    %broadcast_in_dim3A_94 = vector.broadcast %squeeze3A_89 : i32 to vector<16xi32>
    %broadcast_in_dim3A_95 = vector.broadcast %jit3A_93 : i32 to vector<16xi32>
    %select_n3A_96 = arith.select %gt3A_92, %broadcast_in_dim3A_94, %broadcast_in_dim3A_95 : vector<16xi1>, vector<16xi32>
    %add3A_97 = arith.addi %add3A_86, %select_n3A_96 : vector<16xi32>
    %add3A_98 = arith.addi %add3A_87, %squeeze3A_89 : i32
    %slice3A_99 = vector.extract_strided_slice %scan3A_11 {offsets = [8], sizes = [1], strides = [1]} : vector<16xi32> to vector<1xi32>
    %squeeze3A_100 = vector.extract %slice3A_99[0] : i32 from vector<1xi32>
    %gt3A_101 = arith.constant 8 : i32
    %gt3A_102 = vector.broadcast %gt3A_101 : i32 to vector<16xi32>
    %gt3A_103 = arith.cmpi sgt, %iota3A, %gt3A_102 : vector<16xi32>
    %jit3A_104 = arith.constant 0 : i32
    %broadcast_in_dim3A_105 = vector.broadcast %squeeze3A_100 : i32 to vector<16xi32>
    %broadcast_in_dim3A_106 = vector.broadcast %jit3A_104 : i32 to vector<16xi32>
    %select_n3A_107 = arith.select %gt3A_103, %broadcast_in_dim3A_105, %broadcast_in_dim3A_106 : vector<16xi1>, vector<16xi32>
    %add3A_108 = arith.addi %add3A_97, %select_n3A_107 : vector<16xi32>
    %add3A_109 = arith.addi %add3A_98, %squeeze3A_100 : i32
    %slice3A_110 = vector.extract_strided_slice %scan3A_11 {offsets = [9], sizes = [1], strides = [1]} : vector<16xi32> to vector<1xi32>
    %squeeze3A_111 = vector.extract %slice3A_110[0] : i32 from vector<1xi32>
    %gt3A_112 = arith.constant 9 : i32
    %gt3A_113 = vector.broadcast %gt3A_112 : i32 to vector<16xi32>
    %gt3A_114 = arith.cmpi sgt, %iota3A, %gt3A_113 : vector<16xi32>
    %jit3A_115 = arith.constant 0 : i32
    %broadcast_in_dim3A_116 = vector.broadcast %squeeze3A_111 : i32 to vector<16xi32>
    %broadcast_in_dim3A_117 = vector.broadcast %jit3A_115 : i32 to vector<16xi32>
    %select_n3A_118 = arith.select %gt3A_114, %broadcast_in_dim3A_116, %broadcast_in_dim3A_117 : vector<16xi1>, vector<16xi32>
    %add3A_119 = arith.addi %add3A_108, %select_n3A_118 : vector<16xi32>
    %add3A_120 = arith.addi %add3A_109, %squeeze3A_111 : i32
    %slice3A_121 = vector.extract_strided_slice %scan3A_11 {offsets = [10], sizes = [1], strides = [1]} : vector<16xi32> to vector<1xi32>
    %squeeze3A_122 = vector.extract %slice3A_121[0] : i32 from vector<1xi32>
    %gt3A_123 = arith.constant 10 : i32
    %gt3A_124 = vector.broadcast %gt3A_123 : i32 to vector<16xi32>
    %gt3A_125 = arith.cmpi sgt, %iota3A, %gt3A_124 : vector<16xi32>
    %jit3A_126 = arith.constant 0 : i32
    %broadcast_in_dim3A_127 = vector.broadcast %squeeze3A_122 : i32 to vector<16xi32>
    %broadcast_in_dim3A_128 = vector.broadcast %jit3A_126 : i32 to vector<16xi32>
    %select_n3A_129 = arith.select %gt3A_125, %broadcast_in_dim3A_127, %broadcast_in_dim3A_128 : vector<16xi1>, vector<16xi32>
    %add3A_130 = arith.addi %add3A_119, %select_n3A_129 : vector<16xi32>
    %add3A_131 = arith.addi %add3A_120, %squeeze3A_122 : i32
    %slice3A_132 = vector.extract_strided_slice %scan3A_11 {offsets = [11], sizes = [1], strides = [1]} : vector<16xi32> to vector<1xi32>
    %squeeze3A_133 = vector.extract %slice3A_132[0] : i32 from vector<1xi32>
    %gt3A_134 = arith.constant 11 : i32
    %gt3A_135 = vector.broadcast %gt3A_134 : i32 to vector<16xi32>
    %gt3A_136 = arith.cmpi sgt, %iota3A, %gt3A_135 : vector<16xi32>
    %jit3A_137 = arith.constant 0 : i32
    %broadcast_in_dim3A_138 = vector.broadcast %squeeze3A_133 : i32 to vector<16xi32>
    %broadcast_in_dim3A_139 = vector.broadcast %jit3A_137 : i32 to vector<16xi32>
    %select_n3A_140 = arith.select %gt3A_136, %broadcast_in_dim3A_138, %broadcast_in_dim3A_139 : vector<16xi1>, vector<16xi32>
    %add3A_141 = arith.addi %add3A_130, %select_n3A_140 : vector<16xi32>
    %add3A_142 = arith.addi %add3A_131, %squeeze3A_133 : i32
    %slice3A_143 = vector.extract_strided_slice %scan3A_11 {offsets = [12], sizes = [1], strides = [1]} : vector<16xi32> to vector<1xi32>
    %squeeze3A_144 = vector.extract %slice3A_143[0] : i32 from vector<1xi32>
    %gt3A_145 = arith.constant 12 : i32
    %gt3A_146 = vector.broadcast %gt3A_145 : i32 to vector<16xi32>
    %gt3A_147 = arith.cmpi sgt, %iota3A, %gt3A_146 : vector<16xi32>
    %jit3A_148 = arith.constant 0 : i32
    %broadcast_in_dim3A_149 = vector.broadcast %squeeze3A_144 : i32 to vector<16xi32>
    %broadcast_in_dim3A_150 = vector.broadcast %jit3A_148 : i32 to vector<16xi32>
    %select_n3A_151 = arith.select %gt3A_147, %broadcast_in_dim3A_149, %broadcast_in_dim3A_150 : vector<16xi1>, vector<16xi32>
    %add3A_152 = arith.addi %add3A_141, %select_n3A_151 : vector<16xi32>
    %add3A_153 = arith.addi %add3A_142, %squeeze3A_144 : i32
    %slice3A_154 = vector.extract_strided_slice %scan3A_11 {offsets = [13], sizes = [1], strides = [1]} : vector<16xi32> to vector<1xi32>
    %squeeze3A_155 = vector.extract %slice3A_154[0] : i32 from vector<1xi32>
    %gt3A_156 = arith.constant 13 : i32
    %gt3A_157 = vector.broadcast %gt3A_156 : i32 to vector<16xi32>
    %gt3A_158 = arith.cmpi sgt, %iota3A, %gt3A_157 : vector<16xi32>
    %jit3A_159 = arith.constant 0 : i32
    %broadcast_in_dim3A_160 = vector.broadcast %squeeze3A_155 : i32 to vector<16xi32>
    %broadcast_in_dim3A_161 = vector.broadcast %jit3A_159 : i32 to vector<16xi32>
    %select_n3A_162 = arith.select %gt3A_158, %broadcast_in_dim3A_160, %broadcast_in_dim3A_161 : vector<16xi1>, vector<16xi32>
    %add3A_163 = arith.addi %add3A_152, %select_n3A_162 : vector<16xi32>
    %add3A_164 = arith.addi %add3A_153, %squeeze3A_155 : i32
    %slice3A_165 = vector.extract_strided_slice %scan3A_11 {offsets = [14], sizes = [1], strides = [1]} : vector<16xi32> to vector<1xi32>
    %squeeze3A_166 = vector.extract %slice3A_165[0] : i32 from vector<1xi32>
    %gt3A_167 = arith.constant 14 : i32
    %gt3A_168 = vector.broadcast %gt3A_167 : i32 to vector<16xi32>
    %gt3A_169 = arith.cmpi sgt, %iota3A, %gt3A_168 : vector<16xi32>
    %jit3A_170 = arith.constant 0 : i32
    %broadcast_in_dim3A_171 = vector.broadcast %squeeze3A_166 : i32 to vector<16xi32>
    %broadcast_in_dim3A_172 = vector.broadcast %jit3A_170 : i32 to vector<16xi32>
    %select_n3A_173 = arith.select %gt3A_169, %broadcast_in_dim3A_171, %broadcast_in_dim3A_172 : vector<16xi1>, vector<16xi32>
    %add3A_174 = arith.addi %add3A_163, %select_n3A_173 : vector<16xi32>
    %add3A_175 = arith.addi %add3A_164, %squeeze3A_166 : i32
    %slice3A_176 = vector.extract_strided_slice %scan3A_11 {offsets = [15], sizes = [1], strides = [1]} : vector<16xi32> to vector<1xi32>
    %squeeze3A_177 = vector.extract %slice3A_176[0] : i32 from vector<1xi32>
    %gt3A_178 = arith.constant 15 : i32
    %gt3A_179 = vector.broadcast %gt3A_178 : i32 to vector<16xi32>
    %gt3A_180 = arith.cmpi sgt, %iota3A, %gt3A_179 : vector<16xi32>
    %jit3A_181 = arith.constant 0 : i32
    %broadcast_in_dim3A_182 = vector.broadcast %squeeze3A_177 : i32 to vector<16xi32>
    %broadcast_in_dim3A_183 = vector.broadcast %jit3A_181 : i32 to vector<16xi32>
    %select_n3A_184 = arith.select %gt3A_180, %broadcast_in_dim3A_182, %broadcast_in_dim3A_183 : vector<16xi1>, vector<16xi32>
    %add3A_185 = arith.addi %add3A_174, %select_n3A_184 : vector<16xi32>
    %add3A_186 = arith.addi %add3A_175, %squeeze3A_177 : i32
    %scan3A_187 = arith.constant 0 : i32
    %scan3A_188 = arith.constant 0 : i32
    %scan3A_189 = arith.constant 32 : i32
    %scan3A_190 = arith.addi %scan3A_188, %scan3A_189 : i32
    %scan3A_191 = arith.constant 1 : i32
    %scan3A_192 = scf.for %scan3A_279 = %scan3A_188 to %scan3A_190 step %scan3A_191 iter_args(%scan3A_280 = %scan3A_187) -> (i32)  : i32 {
      %add3A_281 = vector.broadcast %scan3A_279 : i32 to vector<16xi32>
      %add3A_282 = arith.addi %mul3A_5, %add3A_281 : vector<16xi32>
      %gather3A = tpu.vector_load_idx %arg7[%add3A_282] : memref<520xi32, #tpu.memory_space<vmem>>[vector<16xi32>], vector<16xi32>,
      %lt3A = vector.broadcast %scan3A_279 : i32 to vector<16xi32>
      %lt3A_283 = arith.cmpi slt, %lt3A, %scan3A_11 : vector<16xi32>
      %add3A_284 = vector.broadcast %scan3A_279 : i32 to vector<16xi32>
      %add3A_285 = arith.addi %add3A_185, %add3A_284 : vector<16xi32>
      %jit3A_286 = arith.constant 512 : i32
      %broadcast_in_dim3A_287 = vector.broadcast %jit3A_286 : i32 to vector<16xi32>
      %select_n3A_288 = arith.select %lt3A_283, %add3A_285, %broadcast_in_dim3A_287 : vector<16xi1>, vector<16xi32>
      tpu.vector_store_idx %arg8[%select_n3A_288], %gather3A : memref<544xi32, #tpu.memory_space<vmem>>[vector<16xi32>], vector<16xi32>,
      %scan3A_289 = arith.constant 0 : i32
      scf.yield %scan3A_289 : i32
    }
    %scan3A_193 = arith.constant 32 : i32
    %add3A_194 = vector.broadcast %add3A_186 : i32 to vector<16xi32>
    %add3A_195 = arith.addi %add3A_194, %iota3A : vector<16xi32>
    tpu.vector_store_idx %arg8[%add3A_195], %broadcast_in_dim3A : memref<544xi32, #tpu.memory_space<vmem>>[vector<16xi32>], vector<16xi32>,
    %add3A_196 = arith.constant 16 : i32
    %add3A_197 = arith.addi %add3A_186, %add3A_196 : i32
    %add3A_198 = vector.broadcast %add3A_197 : i32 to vector<16xi32>
    %add3A_199 = arith.addi %add3A_198, %iota3A : vector<16xi32>
    tpu.vector_store_idx %arg8[%add3A_199], %broadcast_in_dim3A : memref<544xi32, #tpu.memory_space<vmem>>[vector<16xi32>], vector<16xi32>,
    %add3A_200 = arith.constant 24 : i32
    %add3A_201 = arith.addi %add3A_186, %add3A_200 : i32
    %sub3A = arith.constant 1 : i32
    %sub3A_202 = arith.subi %add3A_201, %sub3A : i32
    %jit3A_203 = arith.constant 24 : i32
    %div3A = arith.divsi %sub3A_202, %jit3A_203 : i32
    %sign3A = arith.constant 0 : i32
    %sign3A_204 = arith.cmpi sgt, %sub3A_202, %sign3A : i32
    %sign3A_205 = arith.extui %sign3A_204 : i1 to i32
    %sign3A_206 = arith.constant 0 : i32
    %sign3A_207 = arith.cmpi slt, %sub3A_202, %sign3A_206 : i32
    %sign3A_208 = arith.extui %sign3A_207 : i1 to i32
    %sign3A_209 = arith.subi %sign3A_205, %sign3A_208 : i32
    %sign3A_210 = arith.constant 0 : i32
    %sign3A_211 = arith.cmpi sgt, %jit3A_203, %sign3A_210 : i32
    %sign3A_212 = arith.extui %sign3A_211 : i1 to i32
    %sign3A_213 = arith.constant 0 : i32
    %sign3A_214 = arith.cmpi slt, %jit3A_203, %sign3A_213 : i32
    %sign3A_215 = arith.extui %sign3A_214 : i1 to i32
    %sign3A_216 = arith.subi %sign3A_212, %sign3A_215 : i32
    %ne3A = arith.cmpi ne, %sign3A_209, %sign3A_216 : i32
    %rem3A = arith.remsi %sub3A_202, %jit3A_203 : i32
    %ne3A_217 = arith.constant 0 : i32
    %ne3A_218 = arith.cmpi ne, %rem3A, %ne3A_217 : i32
    %and3A = arith.andi %ne3A, %ne3A_218 : i1
    %sub3A_219 = arith.constant 1 : i32
    %sub3A_220 = arith.subi %div3A, %sub3A_219 : i32
    %select_n3A_221 = arith.select %and3A, %sub3A_220, %div3A : i32
    %mul3A_222 = arith.constant 3 : i32
    %mul3A_223 = arith.muli %select_n3A_221, %mul3A_222 : i32
    %gt3A_224 = arith.constant 0 : i32
    %gt3A_225 = arith.cmpi sgt, %mul3A_223, %gt3A_224 : i32
    %convert_element_type3A = arith.extui %gt3A_225 : i1 to i32
    %cond3A = arith.constant 0 : i32
    %cond3A_226 = arith.cmpi ne, %convert_element_type3A, %cond3A : i32
    scf.if %cond3A_226 {
      %dma_start3A = arith.constant 0 : i32
      %dma_start3A_279 = tpu.memref_slice %arg8[%dma_start3A] : memref<544xi32, #tpu.memory_space<vmem>> -> memref<8xi32, #tpu.memory_space<vmem>>
      %dma_start3A_280 = arith.constant 0 : i32
      %dma_start3A_281 = arith.constant 0 : i32
      %dma_start3A_282 = tpu.memref_slice %arg2[%dma_start3A_280, %dma_start3A_281] : memref<16384x2048xf32, #tpu.memory_space<hbm>> -> memref<16384x2048xf32, #tpu.memory_space<hbm>>
      tpu.enqueue_indirect_dma source(%dma_start3A_282 : memref<16384x2048xf32, #tpu.memory_space<hbm>>) target(%arg9 : memref<8x2048xf32, #tpu.memory_space<vmem>>) offsets(%dma_start3A_279 : memref<8xi32, #tpu.memory_space<vmem>>) semaphore(%arg16 : memref<!tpu.dma_semaphore, #tpu.memory_space<semaphore_mem>>)
      %dma_start3A_283 = arith.constant 0 : i32
      %dma_start3A_284 = tpu.memref_slice %arg8[%dma_start3A_283] : memref<544xi32, #tpu.memory_space<vmem>> -> memref<8xi32, #tpu.memory_space<vmem>>
      %dma_start3A_285 = arith.constant 0 : i32
      %dma_start3A_286 = arith.constant 0 : i32
      %dma_start3A_287 = tpu.memref_slice %arg3[%dma_start3A_285, %dma_start3A_286] : memref<16384x2048xf32, #tpu.memory_space<hbm>> -> memref<16384x2048xf32, #tpu.memory_space<hbm>>
      tpu.enqueue_indirect_dma source(%dma_start3A_287 : memref<16384x2048xf32, #tpu.memory_space<hbm>>) target(%arg10 : memref<8x2048xf32, #tpu.memory_space<vmem>>) offsets(%dma_start3A_284 : memref<8xi32, #tpu.memory_space<vmem>>) semaphore(%arg16 : memref<!tpu.dma_semaphore, #tpu.memory_space<semaphore_mem>>)
    } else {
    }
    %gt3A_227 = arith.constant 1 : i32
    %gt3A_228 = arith.cmpi sgt, %mul3A_223, %gt3A_227 : i32
    %convert_element_type3A_229 = arith.extui %gt3A_228 : i1 to i32
    %cond3A_230 = arith.constant 0 : i32
    %cond3A_231 = arith.cmpi ne, %convert_element_type3A_229, %cond3A_230 : i32
    scf.if %cond3A_231 {
      %dma_start3A = arith.constant 8 : i32
      %dma_start3A_279 = tpu.memref_slice %arg8[%dma_start3A] : memref<544xi32, #tpu.memory_space<vmem>> -> memref<8xi32, #tpu.memory_space<vmem>>
      %dma_start3A_280 = arith.constant 0 : i32
      %dma_start3A_281 = arith.constant 0 : i32
      %dma_start3A_282 = tpu.memref_slice %arg2[%dma_start3A_280, %dma_start3A_281] : memref<16384x2048xf32, #tpu.memory_space<hbm>> -> memref<16384x2048xf32, #tpu.memory_space<hbm>>
      tpu.enqueue_indirect_dma source(%dma_start3A_282 : memref<16384x2048xf32, #tpu.memory_space<hbm>>) target(%arg11 : memref<8x2048xf32, #tpu.memory_space<vmem>>) offsets(%dma_start3A_279 : memref<8xi32, #tpu.memory_space<vmem>>) semaphore(%arg17 : memref<!tpu.dma_semaphore, #tpu.memory_space<semaphore_mem>>)
      %dma_start3A_283 = arith.constant 8 : i32
      %dma_start3A_284 = tpu.memref_slice %arg8[%dma_start3A_283] : memref<544xi32, #tpu.memory_space<vmem>> -> memref<8xi32, #tpu.memory_space<vmem>>
      %dma_start3A_285 = arith.constant 0 : i32
      %dma_start3A_286 = arith.constant 0 : i32
      %dma_start3A_287 = tpu.memref_slice %arg3[%dma_start3A_285, %dma_start3A_286] : memref<16384x2048xf32, #tpu.memory_space<hbm>> -> memref<16384x2048xf32, #tpu.memory_space<hbm>>
      tpu.enqueue_indirect_dma source(%dma_start3A_287 : memref<16384x2048xf32, #tpu.memory_space<hbm>>) target(%arg12 : memref<8x2048xf32, #tpu.memory_space<vmem>>) offsets(%dma_start3A_284 : memref<8xi32, #tpu.memory_space<vmem>>) semaphore(%arg17 : memref<!tpu.dma_semaphore, #tpu.memory_space<semaphore_mem>>)
    } else {
    }
    %gt3A_232 = arith.constant 2 : i32
    %gt3A_233 = arith.cmpi sgt, %mul3A_223, %gt3A_232 : i32
    %convert_element_type3A_234 = arith.extui %gt3A_233 : i1 to i32
    %cond3A_235 = arith.constant 0 : i32
    %cond3A_236 = arith.cmpi ne, %convert_element_type3A_234, %cond3A_235 : i32
    scf.if %cond3A_236 {
      %dma_start3A = arith.constant 16 : i32
      %dma_start3A_279 = tpu.memref_slice %arg8[%dma_start3A] : memref<544xi32, #tpu.memory_space<vmem>> -> memref<8xi32, #tpu.memory_space<vmem>>
      %dma_start3A_280 = arith.constant 0 : i32
      %dma_start3A_281 = arith.constant 0 : i32
      %dma_start3A_282 = tpu.memref_slice %arg2[%dma_start3A_280, %dma_start3A_281] : memref<16384x2048xf32, #tpu.memory_space<hbm>> -> memref<16384x2048xf32, #tpu.memory_space<hbm>>
      tpu.enqueue_indirect_dma source(%dma_start3A_282 : memref<16384x2048xf32, #tpu.memory_space<hbm>>) target(%arg13 : memref<8x2048xf32, #tpu.memory_space<vmem>>) offsets(%dma_start3A_279 : memref<8xi32, #tpu.memory_space<vmem>>) semaphore(%arg18 : memref<!tpu.dma_semaphore, #tpu.memory_space<semaphore_mem>>)
      %dma_start3A_283 = arith.constant 16 : i32
      %dma_start3A_284 = tpu.memref_slice %arg8[%dma_start3A_283] : memref<544xi32, #tpu.memory_space<vmem>> -> memref<8xi32, #tpu.memory_space<vmem>>
      %dma_start3A_285 = arith.constant 0 : i32
      %dma_start3A_286 = arith.constant 0 : i32
      %dma_start3A_287 = tpu.memref_slice %arg3[%dma_start3A_285, %dma_start3A_286] : memref<16384x2048xf32, #tpu.memory_space<hbm>> -> memref<16384x2048xf32, #tpu.memory_space<hbm>>
      tpu.enqueue_indirect_dma source(%dma_start3A_287 : memref<16384x2048xf32, #tpu.memory_space<hbm>>) target(%arg14 : memref<8x2048xf32, #tpu.memory_space<vmem>>) offsets(%dma_start3A_284 : memref<8xi32, #tpu.memory_space<vmem>>) semaphore(%arg18 : memref<!tpu.dma_semaphore, #tpu.memory_space<semaphore_mem>>)
    } else {
    }
    %broadcast_in_dim3A_237 = arith.constant 0.000000e+00 : f32
    %broadcast_in_dim3A_238 = vector.broadcast %broadcast_in_dim3A_237 : f32 to vector<16xf32>
    %while3A = arith.constant 0 : i32
    %while3A_239 = arith.subi %select_n3A_221, %while3A : i32
    %while3A_240 = arith.addi %while3A, %while3A_239 : i32
    %while3A_241 = arith.constant 1 : i32
    %while3A_242 = arith.divsi %while3A_239, %while3A_241 : i32
    %while3A_243 = arith.muli %while3A_242, %while3A_241 : i32
    %while3A_244 = arith.addi %while3A, %while3A_243 : i32
    %while3A_245 = arith.constant 1 : i32
    %while3A_246:8 = scf.for %while3A_279 = %while3A to %while3A_244 step %while3A_245 iter_args(%while3A_280 = %broadcast_in_dim3A_238, %while3A_281 = %broadcast_in_dim3A_238, %while3A_282 = %broadcast_in_dim3A_238, %while3A_283 = %broadcast_in_dim3A_238, %while3A_284 = %broadcast_in_dim3A_238, %while3A_285 = %broadcast_in_dim3A_238, %while3A_286 = %broadcast_in_dim3A_238, %while3A_287 = %broadcast_in_dim3A_238) -> (vector<16xf32>, vector<16xf32>, vector<16xf32>, vector<16xf32>, vector<16xf32>, vector<16xf32>, vector<16xf32>, vector<16xf32>)  : i32 {
      %mul3A_288 = arith.constant 3 : i32
      %mul3A_289 = arith.muli %mul3A_288, %while3A_279 : i32
      %add3A_290 = arith.constant 0 : i32
      %add3A_291 = arith.addi %mul3A_289, %add3A_290 : i32
      %dma_wait3A = arith.constant 0 : i32
      %dma_wait3A_292 = tpu.memref_slice %arg8[%dma_wait3A] : memref<544xi32, #tpu.memory_space<vmem>> -> memref<8xi32, #tpu.memory_space<vmem>>
      %dma_wait3A_293 = arith.constant 0 : i32
      %dma_wait3A_294 = arith.constant 0 : i32
      %dma_wait3A_295 = tpu.memref_slice %arg2[%dma_wait3A_293, %dma_wait3A_294] : memref<16384x2048xf32, #tpu.memory_space<hbm>> -> memref<16384x2048xf32, #tpu.memory_space<hbm>>
      tpu.wait_indirect_dma semaphore(%arg16 : memref<!tpu.dma_semaphore, #tpu.memory_space<semaphore_mem>>) src(%dma_wait3A_295 : memref<16384x2048xf32, #tpu.memory_space<hbm>>) dst(%arg9 : memref<8x2048xf32, #tpu.memory_space<vmem>>)
      %dma_wait3A_296 = arith.constant 0 : i32
      %dma_wait3A_297 = tpu.memref_slice %arg8[%dma_wait3A_296] : memref<544xi32, #tpu.memory_space<vmem>> -> memref<8xi32, #tpu.memory_space<vmem>>
      %dma_wait3A_298 = arith.constant 0 : i32
      %dma_wait3A_299 = arith.constant 0 : i32
      %dma_wait3A_300 = tpu.memref_slice %arg3[%dma_wait3A_298, %dma_wait3A_299] : memref<16384x2048xf32, #tpu.memory_space<hbm>> -> memref<16384x2048xf32, #tpu.memory_space<hbm>>
      tpu.wait_indirect_dma semaphore(%arg16 : memref<!tpu.dma_semaphore, #tpu.memory_space<semaphore_mem>>) src(%dma_wait3A_300 : memref<16384x2048xf32, #tpu.memory_space<hbm>>) dst(%arg10 : memref<8x2048xf32, #tpu.memory_space<vmem>>)
      %scan3A_301 = arith.constant 0 : i32
      %scan3A_302 = arith.constant 64 : i32
      %scan3A_303 = arith.addi %scan3A_301, %scan3A_302 : i32
      %scan3A_304 = arith.constant 1 : i32
      %scan3A_305:8 = scf.for %scan3A_364 = %scan3A_301 to %scan3A_303 step %scan3A_304 iter_args(%scan3A_365 = %while3A_280, %scan3A_366 = %while3A_281, %scan3A_367 = %while3A_282, %scan3A_368 = %while3A_283, %scan3A_369 = %while3A_284, %scan3A_370 = %while3A_285, %scan3A_371 = %while3A_286, %scan3A_372 = %while3A_287) -> (vector<16xf32>, vector<16xf32>, vector<16xf32>, vector<16xf32>, vector<16xf32>, vector<16xf32>, vector<16xf32>, vector<16xf32>)  : i32 {
        %jit3A_373 = arith.constant 8 : i32
        %div3A_374 = arith.divsi %scan3A_364, %jit3A_373 : i32
        %sign3A_375 = arith.constant 0 : i32
        %sign3A_376 = arith.cmpi sgt, %scan3A_364, %sign3A_375 : i32
        %sign3A_377 = arith.extui %sign3A_376 : i1 to i32
        %sign3A_378 = arith.constant 0 : i32
        %sign3A_379 = arith.cmpi slt, %scan3A_364, %sign3A_378 : i32
        %sign3A_380 = arith.extui %sign3A_379 : i1 to i32
        %sign3A_381 = arith.subi %sign3A_377, %sign3A_380 : i32
        %sign3A_382 = arith.constant 0 : i32
        %sign3A_383 = arith.cmpi sgt, %jit3A_373, %sign3A_382 : i32
        %sign3A_384 = arith.extui %sign3A_383 : i1 to i32
        %sign3A_385 = arith.constant 0 : i32
        %sign3A_386 = arith.cmpi slt, %jit3A_373, %sign3A_385 : i32
        %sign3A_387 = arith.extui %sign3A_386 : i1 to i32
        %sign3A_388 = arith.subi %sign3A_384, %sign3A_387 : i32
        %ne3A_389 = arith.cmpi ne, %sign3A_381, %sign3A_388 : i32
        %rem3A_390 = arith.remsi %scan3A_364, %jit3A_373 : i32
        %ne3A_391 = arith.constant 0 : i32
        %ne3A_392 = arith.cmpi ne, %rem3A_390, %ne3A_391 : i32
        %and3A_393 = arith.andi %ne3A_389, %ne3A_392 : i1
        %sub3A_394 = arith.constant 1 : i32
        %sub3A_395 = arith.subi %div3A_374, %sub3A_394 : i32
        %select_n3A_396 = arith.select %and3A_393, %sub3A_395, %div3A_374 : i32
        %jit3A_397 = arith.constant 8 : i32
        %eq3A = arith.constant 0 : i32
        %eq3A_398 = arith.cmpi eq, %jit3A_397, %eq3A : i32
        %jit3A_399 = arith.constant 1 : i32
        %select_n3A_400 = arith.select %eq3A_398, %jit3A_399, %jit3A_397 : i32
        %rem3A_401 = arith.remsi %scan3A_364, %select_n3A_400 : i32
        %ne3A_402 = arith.constant 0 : i32
        %ne3A_403 = arith.cmpi ne, %rem3A_401, %ne3A_402 : i32
        %lt3A_404 = arith.constant 0 : i32
        %lt3A_405 = arith.cmpi slt, %rem3A_401, %lt3A_404 : i32
        %lt3A_406 = arith.constant 0 : i32
        %lt3A_407 = arith.cmpi slt, %select_n3A_400, %lt3A_406 : i32
        %ne3A_408 = arith.xori %lt3A_405, %lt3A_407 : i1
        %and3A_409 = arith.andi %ne3A_408, %ne3A_403 : i1
        %add3A_410 = arith.addi %rem3A_401, %select_n3A_400 : i32
        %select_n3A_411 = arith.select %and3A_409, %add3A_410, %rem3A_401 : i32
        %mul3A_412 = arith.constant 256 : i32
        %mul3A_413 = arith.muli %select_n3A_411, %mul3A_412 : i32
        %add3A_414 = arith.constant 0 : i32
        %add3A_415 = arith.addi %mul3A_413, %add3A_414 : i32
        %get3A = arith.index_cast %select_n3A_396 : i32 to index
        %get3A_416 = arith.index_cast %add3A_415 : i32 to index
        %get3A_417 = tpu.vector_load %arg9[%get3A, %get3A_416] {strides = array<i32>} : memref<8x2048xf32, #tpu.memory_space<vmem>>, vector<16xf32>,
        %get3A_418 = arith.index_cast %select_n3A_396 : i32 to index
        %get3A_419 = arith.index_cast %add3A_415 : i32 to index
        %get3A_420 = tpu.vector_load %arg10[%get3A_418, %get3A_419] {strides = array<i32>} : memref<8x2048xf32, #tpu.memory_space<vmem>>, vector<16xf32>,
        %sub3A_421 = arith.subf %get3A_417, %get3A_420 : vector<16xf32>
        %mul3A_422 = arith.mulf %sub3A_421, %sub3A_421 : vector<16xf32>
        %add3A_423 = arith.addf %scan3A_365, %mul3A_422 : vector<16xf32>
        %mul3A_424 = arith.constant 256 : i32
        %mul3A_425 = arith.muli %select_n3A_411, %mul3A_424 : i32
        %add3A_426 = arith.constant 16 : i32
        %add3A_427 = arith.addi %mul3A_425, %add3A_426 : i32
        %get3A_428 = arith.index_cast %select_n3A_396 : i32 to index
        %get3A_429 = arith.index_cast %add3A_427 : i32 to index
        %get3A_430 = tpu.vector_load %arg9[%get3A_428, %get3A_429] {strides = array<i32>} : memref<8x2048xf32, #tpu.memory_space<vmem>>, vector<16xf32>,
        %get3A_431 = arith.index_cast %select_n3A_396 : i32 to index
        %get3A_432 = arith.index_cast %add3A_427 : i32 to index
        %get3A_433 = tpu.vector_load %arg10[%get3A_431, %get3A_432] {strides = array<i32>} : memref<8x2048xf32, #tpu.memory_space<vmem>>, vector<16xf32>,
        %sub3A_434 = arith.subf %get3A_430, %get3A_433 : vector<16xf32>
        %mul3A_435 = arith.mulf %sub3A_434, %sub3A_434 : vector<16xf32>
        %add3A_436 = arith.addf %scan3A_366, %mul3A_435 : vector<16xf32>
        %mul3A_437 = arith.constant 256 : i32
        %mul3A_438 = arith.muli %select_n3A_411, %mul3A_437 : i32
        %add3A_439 = arith.constant 32 : i32
        %add3A_440 = arith.addi %mul3A_438, %add3A_439 : i32
        %get3A_441 = arith.index_cast %select_n3A_396 : i32 to index
        %get3A_442 = arith.index_cast %add3A_440 : i32 to index
        %get3A_443 = tpu.vector_load %arg9[%get3A_441, %get3A_442] {strides = array<i32>} : memref<8x2048xf32, #tpu.memory_space<vmem>>, vector<16xf32>,
        %get3A_444 = arith.index_cast %select_n3A_396 : i32 to index
        %get3A_445 = arith.index_cast %add3A_440 : i32 to index
        %get3A_446 = tpu.vector_load %arg10[%get3A_444, %get3A_445] {strides = array<i32>} : memref<8x2048xf32, #tpu.memory_space<vmem>>, vector<16xf32>,
        %sub3A_447 = arith.subf %get3A_443, %get3A_446 : vector<16xf32>
        %mul3A_448 = arith.mulf %sub3A_447, %sub3A_447 : vector<16xf32>
        %add3A_449 = arith.addf %scan3A_367, %mul3A_448 : vector<16xf32>
        %mul3A_450 = arith.constant 256 : i32
        %mul3A_451 = arith.muli %select_n3A_411, %mul3A_450 : i32
        %add3A_452 = arith.constant 48 : i32
        %add3A_453 = arith.addi %mul3A_451, %add3A_452 : i32
        %get3A_454 = arith.index_cast %select_n3A_396 : i32 to index
        %get3A_455 = arith.index_cast %add3A_453 : i32 to index
        %get3A_456 = tpu.vector_load %arg9[%get3A_454, %get3A_455] {strides = array<i32>} : memref<8x2048xf32, #tpu.memory_space<vmem>>, vector<16xf32>,
        %get3A_457 = arith.index_cast %select_n3A_396 : i32 to index
        %get3A_458 = arith.index_cast %add3A_453 : i32 to index
        %get3A_459 = tpu.vector_load %arg10[%get3A_457, %get3A_458] {strides = array<i32>} : memref<8x2048xf32, #tpu.memory_space<vmem>>, vector<16xf32>,
        %sub3A_460 = arith.subf %get3A_456, %get3A_459 : vector<16xf32>
        %mul3A_461 = arith.mulf %sub3A_460, %sub3A_460 : vector<16xf32>
        %add3A_462 = arith.addf %scan3A_368, %mul3A_461 : vector<16xf32>
        %mul3A_463 = arith.constant 256 : i32
        %mul3A_464 = arith.muli %select_n3A_411, %mul3A_463 : i32
        %add3A_465 = arith.constant 64 : i32
        %add3A_466 = arith.addi %mul3A_464, %add3A_465 : i32
        %get3A_467 = arith.index_cast %select_n3A_396 : i32 to index
        %get3A_468 = arith.index_cast %add3A_466 : i32 to index
        %get3A_469 = tpu.vector_load %arg9[%get3A_467, %get3A_468] {strides = array<i32>} : memref<8x2048xf32, #tpu.memory_space<vmem>>, vector<16xf32>,
        %get3A_470 = arith.index_cast %select_n3A_396 : i32 to index
        %get3A_471 = arith.index_cast %add3A_466 : i32 to index
        %get3A_472 = tpu.vector_load %arg10[%get3A_470, %get3A_471] {strides = array<i32>} : memref<8x2048xf32, #tpu.memory_space<vmem>>, vector<16xf32>,
        %sub3A_473 = arith.subf %get3A_469, %get3A_472 : vector<16xf32>
        %mul3A_474 = arith.mulf %sub3A_473, %sub3A_473 : vector<16xf32>
        %add3A_475 = arith.addf %scan3A_369, %mul3A_474 : vector<16xf32>
        %mul3A_476 = arith.constant 256 : i32
        %mul3A_477 = arith.muli %select_n3A_411, %mul3A_476 : i32
        %add3A_478 = arith.constant 80 : i32
        %add3A_479 = arith.addi %mul3A_477, %add3A_478 : i32
        %get3A_480 = arith.index_cast %select_n3A_396 : i32 to index
        %get3A_481 = arith.index_cast %add3A_479 : i32 to index
        %get3A_482 = tpu.vector_load %arg9[%get3A_480, %get3A_481] {strides = array<i32>} : memref<8x2048xf32, #tpu.memory_space<vmem>>, vector<16xf32>,
        %get3A_483 = arith.index_cast %select_n3A_396 : i32 to index
        %get3A_484 = arith.index_cast %add3A_479 : i32 to index
        %get3A_485 = tpu.vector_load %arg10[%get3A_483, %get3A_484] {strides = array<i32>} : memref<8x2048xf32, #tpu.memory_space<vmem>>, vector<16xf32>,
        %sub3A_486 = arith.subf %get3A_482, %get3A_485 : vector<16xf32>
        %mul3A_487 = arith.mulf %sub3A_486, %sub3A_486 : vector<16xf32>
        %add3A_488 = arith.addf %scan3A_370, %mul3A_487 : vector<16xf32>
        %mul3A_489 = arith.constant 256 : i32
        %mul3A_490 = arith.muli %select_n3A_411, %mul3A_489 : i32
        %add3A_491 = arith.constant 96 : i32
        %add3A_492 = arith.addi %mul3A_490, %add3A_491 : i32
        %get3A_493 = arith.index_cast %select_n3A_396 : i32 to index
        %get3A_494 = arith.index_cast %add3A_492 : i32 to index
        %get3A_495 = tpu.vector_load %arg9[%get3A_493, %get3A_494] {strides = array<i32>} : memref<8x2048xf32, #tpu.memory_space<vmem>>, vector<16xf32>,
        %get3A_496 = arith.index_cast %select_n3A_396 : i32 to index
        %get3A_497 = arith.index_cast %add3A_492 : i32 to index
        %get3A_498 = tpu.vector_load %arg10[%get3A_496, %get3A_497] {strides = array<i32>} : memref<8x2048xf32, #tpu.memory_space<vmem>>, vector<16xf32>,
        %sub3A_499 = arith.subf %get3A_495, %get3A_498 : vector<16xf32>
        %mul3A_500 = arith.mulf %sub3A_499, %sub3A_499 : vector<16xf32>
        %add3A_501 = arith.addf %scan3A_371, %mul3A_500 : vector<16xf32>
        %mul3A_502 = arith.constant 256 : i32
        %mul3A_503 = arith.muli %select_n3A_411, %mul3A_502 : i32
        %add3A_504 = arith.constant 112 : i32
        %add3A_505 = arith.addi %mul3A_503, %add3A_504 : i32
        %get3A_506 = arith.index_cast %select_n3A_396 : i32 to index
        %get3A_507 = arith.index_cast %add3A_505 : i32 to index
        %get3A_508 = tpu.vector_load %arg9[%get3A_506, %get3A_507] {strides = array<i32>} : memref<8x2048xf32, #tpu.memory_space<vmem>>, vector<16xf32>,
        %get3A_509 = arith.index_cast %select_n3A_396 : i32 to index
        %get3A_510 = arith.index_cast %add3A_505 : i32 to index
        %get3A_511 = tpu.vector_load %arg10[%get3A_509, %get3A_510] {strides = array<i32>} : memref<8x2048xf32, #tpu.memory_space<vmem>>, vector<16xf32>,
        %sub3A_512 = arith.subf %get3A_508, %get3A_511 : vector<16xf32>
        %mul3A_513 = arith.mulf %sub3A_512, %sub3A_512 : vector<16xf32>
        %add3A_514 = arith.addf %scan3A_372, %mul3A_513 : vector<16xf32>
        %mul3A_515 = arith.constant 256 : i32
        %mul3A_516 = arith.muli %select_n3A_411, %mul3A_515 : i32
        %add3A_517 = arith.constant 128 : i32
        %add3A_518 = arith.addi %mul3A_516, %add3A_517 : i32
        %get3A_519 = arith.index_cast %select_n3A_396 : i32 to index
        %get3A_520 = arith.index_cast %add3A_518 : i32 to index
        %get3A_521 = tpu.vector_load %arg9[%get3A_519, %get3A_520] {strides = array<i32>} : memref<8x2048xf32, #tpu.memory_space<vmem>>, vector<16xf32>,
        %get3A_522 = arith.index_cast %select_n3A_396 : i32 to index
        %get3A_523 = arith.index_cast %add3A_518 : i32 to index
        %get3A_524 = tpu.vector_load %arg10[%get3A_522, %get3A_523] {strides = array<i32>} : memref<8x2048xf32, #tpu.memory_space<vmem>>, vector<16xf32>,
        %sub3A_525 = arith.subf %get3A_521, %get3A_524 : vector<16xf32>
        %mul3A_526 = arith.mulf %sub3A_525, %sub3A_525 : vector<16xf32>
        %add3A_527 = arith.addf %add3A_423, %mul3A_526 : vector<16xf32>
        %mul3A_528 = arith.constant 256 : i32
        %mul3A_529 = arith.muli %select_n3A_411, %mul3A_528 : i32
        %add3A_530 = arith.constant 144 : i32
        %add3A_531 = arith.addi %mul3A_529, %add3A_530 : i32
        %get3A_532 = arith.index_cast %select_n3A_396 : i32 to index
        %get3A_533 = arith.index_cast %add3A_531 : i32 to index
        %get3A_534 = tpu.vector_load %arg9[%get3A_532, %get3A_533] {strides = array<i32>} : memref<8x2048xf32, #tpu.memory_space<vmem>>, vector<16xf32>,
        %get3A_535 = arith.index_cast %select_n3A_396 : i32 to index
        %get3A_536 = arith.index_cast %add3A_531 : i32 to index
        %get3A_537 = tpu.vector_load %arg10[%get3A_535, %get3A_536] {strides = array<i32>} : memref<8x2048xf32, #tpu.memory_space<vmem>>, vector<16xf32>,
        %sub3A_538 = arith.subf %get3A_534, %get3A_537 : vector<16xf32>
        %mul3A_539 = arith.mulf %sub3A_538, %sub3A_538 : vector<16xf32>
        %add3A_540 = arith.addf %add3A_436, %mul3A_539 : vector<16xf32>
        %mul3A_541 = arith.constant 256 : i32
        %mul3A_542 = arith.muli %select_n3A_411, %mul3A_541 : i32
        %add3A_543 = arith.constant 160 : i32
        %add3A_544 = arith.addi %mul3A_542, %add3A_543 : i32
        %get3A_545 = arith.index_cast %select_n3A_396 : i32 to index
        %get3A_546 = arith.index_cast %add3A_544 : i32 to index
        %get3A_547 = tpu.vector_load %arg9[%get3A_545, %get3A_546] {strides = array<i32>} : memref<8x2048xf32, #tpu.memory_space<vmem>>, vector<16xf32>,
        %get3A_548 = arith.index_cast %select_n3A_396 : i32 to index
        %get3A_549 = arith.index_cast %add3A_544 : i32 to index
        %get3A_550 = tpu.vector_load %arg10[%get3A_548, %get3A_549] {strides = array<i32>} : memref<8x2048xf32, #tpu.memory_space<vmem>>, vector<16xf32>,
        %sub3A_551 = arith.subf %get3A_547, %get3A_550 : vector<16xf32>
        %mul3A_552 = arith.mulf %sub3A_551, %sub3A_551 : vector<16xf32>
        %add3A_553 = arith.addf %add3A_449, %mul3A_552 : vector<16xf32>
        %mul3A_554 = arith.constant 256 : i32
        %mul3A_555 = arith.muli %select_n3A_411, %mul3A_554 : i32
        %add3A_556 = arith.constant 176 : i32
        %add3A_557 = arith.addi %mul3A_555, %add3A_556 : i32
        %get3A_558 = arith.index_cast %select_n3A_396 : i32 to index
        %get3A_559 = arith.index_cast %add3A_557 : i32 to index
        %get3A_560 = tpu.vector_load %arg9[%get3A_558, %get3A_559] {strides = array<i32>} : memref<8x2048xf32, #tpu.memory_space<vmem>>, vector<16xf32>,
        %get3A_561 = arith.index_cast %select_n3A_396 : i32 to index
        %get3A_562 = arith.index_cast %add3A_557 : i32 to index
        %get3A_563 = tpu.vector_load %arg10[%get3A_561, %get3A_562] {strides = array<i32>} : memref<8x2048xf32, #tpu.memory_space<vmem>>, vector<16xf32>,
        %sub3A_564 = arith.subf %get3A_560, %get3A_563 : vector<16xf32>
        %mul3A_565 = arith.mulf %sub3A_564, %sub3A_564 : vector<16xf32>
        %add3A_566 = arith.addf %add3A_462, %mul3A_565 : vector<16xf32>
        %mul3A_567 = arith.constant 256 : i32
        %mul3A_568 = arith.muli %select_n3A_411, %mul3A_567 : i32
        %add3A_569 = arith.constant 192 : i32
        %add3A_570 = arith.addi %mul3A_568, %add3A_569 : i32
        %get3A_571 = arith.index_cast %select_n3A_396 : i32 to index
        %get3A_572 = arith.index_cast %add3A_570 : i32 to index
        %get3A_573 = tpu.vector_load %arg9[%get3A_571, %get3A_572] {strides = array<i32>} : memref<8x2048xf32, #tpu.memory_space<vmem>>, vector<16xf32>,
        %get3A_574 = arith.index_cast %select_n3A_396 : i32 to index
        %get3A_575 = arith.index_cast %add3A_570 : i32 to index
        %get3A_576 = tpu.vector_load %arg10[%get3A_574, %get3A_575] {strides = array<i32>} : memref<8x2048xf32, #tpu.memory_space<vmem>>, vector<16xf32>,
        %sub3A_577 = arith.subf %get3A_573, %get3A_576 : vector<16xf32>
        %mul3A_578 = arith.mulf %sub3A_577, %sub3A_577 : vector<16xf32>
        %add3A_579 = arith.addf %add3A_475, %mul3A_578 : vector<16xf32>
        %mul3A_580 = arith.constant 256 : i32
        %mul3A_581 = arith.muli %select_n3A_411, %mul3A_580 : i32
        %add3A_582 = arith.constant 208 : i32
        %add3A_583 = arith.addi %mul3A_581, %add3A_582 : i32
        %get3A_584 = arith.index_cast %select_n3A_396 : i32 to index
        %get3A_585 = arith.index_cast %add3A_583 : i32 to index
        %get3A_586 = tpu.vector_load %arg9[%get3A_584, %get3A_585] {strides = array<i32>} : memref<8x2048xf32, #tpu.memory_space<vmem>>, vector<16xf32>,
        %get3A_587 = arith.index_cast %select_n3A_396 : i32 to index
        %get3A_588 = arith.index_cast %add3A_583 : i32 to index
        %get3A_589 = tpu.vector_load %arg10[%get3A_587, %get3A_588] {strides = array<i32>} : memref<8x2048xf32, #tpu.memory_space<vmem>>, vector<16xf32>,
        %sub3A_590 = arith.subf %get3A_586, %get3A_589 : vector<16xf32>
        %mul3A_591 = arith.mulf %sub3A_590, %sub3A_590 : vector<16xf32>
        %add3A_592 = arith.addf %add3A_488, %mul3A_591 : vector<16xf32>
        %mul3A_593 = arith.constant 256 : i32
        %mul3A_594 = arith.muli %select_n3A_411, %mul3A_593 : i32
        %add3A_595 = arith.constant 224 : i32
        %add3A_596 = arith.addi %mul3A_594, %add3A_595 : i32
        %get3A_597 = arith.index_cast %select_n3A_396 : i32 to index
        %get3A_598 = arith.index_cast %add3A_596 : i32 to index
        %get3A_599 = tpu.vector_load %arg9[%get3A_597, %get3A_598] {strides = array<i32>} : memref<8x2048xf32, #tpu.memory_space<vmem>>, vector<16xf32>,
        %get3A_600 = arith.index_cast %select_n3A_396 : i32 to index
        %get3A_601 = arith.index_cast %add3A_596 : i32 to index
        %get3A_602 = tpu.vector_load %arg10[%get3A_600, %get3A_601] {strides = array<i32>} : memref<8x2048xf32, #tpu.memory_space<vmem>>, vector<16xf32>,
        %sub3A_603 = arith.subf %get3A_599, %get3A_602 : vector<16xf32>
        %mul3A_604 = arith.mulf %sub3A_603, %sub3A_603 : vector<16xf32>
        %add3A_605 = arith.addf %add3A_501, %mul3A_604 : vector<16xf32>
        %mul3A_606 = arith.constant 256 : i32
        %mul3A_607 = arith.muli %select_n3A_411, %mul3A_606 : i32
        %add3A_608 = arith.constant 240 : i32
        %add3A_609 = arith.addi %mul3A_607, %add3A_608 : i32
        %get3A_610 = arith.index_cast %select_n3A_396 : i32 to index
        %get3A_611 = arith.index_cast %add3A_609 : i32 to index
        %get3A_612 = tpu.vector_load %arg9[%get3A_610, %get3A_611] {strides = array<i32>} : memref<8x2048xf32, #tpu.memory_space<vmem>>, vector<16xf32>,
        %get3A_613 = arith.index_cast %select_n3A_396 : i32 to index
        %get3A_614 = arith.index_cast %add3A_609 : i32 to index
        %get3A_615 = tpu.vector_load %arg10[%get3A_613, %get3A_614] {strides = array<i32>} : memref<8x2048xf32, #tpu.memory_space<vmem>>, vector<16xf32>,
        %sub3A_616 = arith.subf %get3A_612, %get3A_615 : vector<16xf32>
        %mul3A_617 = arith.mulf %sub3A_616, %sub3A_616 : vector<16xf32>
        %add3A_618 = arith.addf %add3A_514, %mul3A_617 : vector<16xf32>
        scf.yield %add3A_527, %add3A_540, %add3A_553, %add3A_566, %add3A_579, %add3A_592, %add3A_605, %add3A_618 : vector<16xf32>, vector<16xf32>, vector<16xf32>, vector<16xf32>, vector<16xf32>, vector<16xf32>, vector<16xf32>, vector<16xf32>
      }
      %scan3A_306 = arith.constant 64 : i32
      %add3A_307 = arith.constant 3 : i32
      %add3A_308 = arith.addi %add3A_291, %add3A_307 : i32
      %lt3A = arith.cmpi slt, %add3A_308, %mul3A_223 : i32
      %convert_element_type3A_309 = arith.extui %lt3A : i1 to i32
      %cond3A_310 = arith.constant 0 : i32
      %cond3A_311 = arith.cmpi ne, %convert_element_type3A_309, %cond3A_310 : i32
      scf.if %cond3A_311 {
        %add3A_364 = arith.constant 3 : i32
        %add3A_365 = arith.addi %add3A_291, %add3A_364 : i32
        %mul3A_366 = arith.constant 8 : i32
        %mul3A_367 = arith.muli %add3A_365, %mul3A_366 : i32
        %dma_start3A = tpu.memref_slice %arg8[%mul3A_367] : memref<544xi32, #tpu.memory_space<vmem>> -> memref<8xi32, #tpu.memory_space<vmem>>
        %dma_start3A_368 = arith.constant 0 : i32
        %dma_start3A_369 = arith.constant 0 : i32
        %dma_start3A_370 = tpu.memref_slice %arg2[%dma_start3A_368, %dma_start3A_369] : memref<16384x2048xf32, #tpu.memory_space<hbm>> -> memref<16384x2048xf32, #tpu.memory_space<hbm>>
        tpu.enqueue_indirect_dma source(%dma_start3A_370 : memref<16384x2048xf32, #tpu.memory_space<hbm>>) target(%arg9 : memref<8x2048xf32, #tpu.memory_space<vmem>>) offsets(%dma_start3A : memref<8xi32, #tpu.memory_space<vmem>>) semaphore(%arg16 : memref<!tpu.dma_semaphore, #tpu.memory_space<semaphore_mem>>)
        %dma_start3A_371 = tpu.memref_slice %arg8[%mul3A_367] : memref<544xi32, #tpu.memory_space<vmem>> -> memref<8xi32, #tpu.memory_space<vmem>>
        %dma_start3A_372 = arith.constant 0 : i32
        %dma_start3A_373 = arith.constant 0 : i32
        %dma_start3A_374 = tpu.memref_slice %arg3[%dma_start3A_372, %dma_start3A_373] : memref<16384x2048xf32, #tpu.memory_space<hbm>> -> memref<16384x2048xf32, #tpu.memory_space<hbm>>
        tpu.enqueue_indirect_dma source(%dma_start3A_374 : memref<16384x2048xf32, #tpu.memory_space<hbm>>) target(%arg10 : memref<8x2048xf32, #tpu.memory_space<vmem>>) offsets(%dma_start3A_371 : memref<8xi32, #tpu.memory_space<vmem>>) semaphore(%arg16 : memref<!tpu.dma_semaphore, #tpu.memory_space<semaphore_mem>>)
      } else {
      }
      %mul3A_312 = arith.constant 3 : i32
      %mul3A_313 = arith.muli %mul3A_312, %while3A_279 : i32
      %add3A_314 = arith.constant 1 : i32
      %add3A_315 = arith.addi %mul3A_313, %add3A_314 : i32
      %dma_wait3A_316 = arith.constant 0 : i32
      %dma_wait3A_317 = tpu.memref_slice %arg8[%dma_wait3A_316] : memref<544xi32, #tpu.memory_space<vmem>> -> memref<8xi32, #tpu.memory_space<vmem>>
      %dma_wait3A_318 = arith.constant 0 : i32
      %dma_wait3A_319 = arith.constant 0 : i32
      %dma_wait3A_320 = tpu.memref_slice %arg2[%dma_wait3A_318, %dma_wait3A_319] : memref<16384x2048xf32, #tpu.memory_space<hbm>> -> memref<16384x2048xf32, #tpu.memory_space<hbm>>
      tpu.wait_indirect_dma semaphore(%arg17 : memref<!tpu.dma_semaphore, #tpu.memory_space<semaphore_mem>>) src(%dma_wait3A_320 : memref<16384x2048xf32, #tpu.memory_space<hbm>>) dst(%arg11 : memref<8x2048xf32, #tpu.memory_space<vmem>>)
      %dma_wait3A_321 = arith.constant 0 : i32
      %dma_wait3A_322 = tpu.memref_slice %arg8[%dma_wait3A_321] : memref<544xi32, #tpu.memory_space<vmem>> -> memref<8xi32, #tpu.memory_space<vmem>>
      %dma_wait3A_323 = arith.constant 0 : i32
      %dma_wait3A_324 = arith.constant 0 : i32
      %dma_wait3A_325 = tpu.memref_slice %arg3[%dma_wait3A_323, %dma_wait3A_324] : memref<16384x2048xf32, #tpu.memory_space<hbm>> -> memref<16384x2048xf32, #tpu.memory_space<hbm>>
      tpu.wait_indirect_dma semaphore(%arg17 : memref<!tpu.dma_semaphore, #tpu.memory_space<semaphore_mem>>) src(%dma_wait3A_325 : memref<16384x2048xf32, #tpu.memory_space<hbm>>) dst(%arg12 : memref<8x2048xf32, #tpu.memory_space<vmem>>)
      %scan3A_326 = arith.constant 0 : i32
      %scan3A_327 = arith.constant 64 : i32
      %scan3A_328 = arith.addi %scan3A_326, %scan3A_327 : i32
      %scan3A_329 = arith.constant 1 : i32
      %scan3A_330:8 = scf.for %scan3A_364 = %scan3A_326 to %scan3A_328 step %scan3A_329 iter_args(%scan3A_365 = %scan3A_305#0, %scan3A_366 = %scan3A_305#1, %scan3A_367 = %scan3A_305#2, %scan3A_368 = %scan3A_305#3, %scan3A_369 = %scan3A_305#4, %scan3A_370 = %scan3A_305#5, %scan3A_371 = %scan3A_305#6, %scan3A_372 = %scan3A_305#7) -> (vector<16xf32>, vector<16xf32>, vector<16xf32>, vector<16xf32>, vector<16xf32>, vector<16xf32>, vector<16xf32>, vector<16xf32>)  : i32 {
        %jit3A_373 = arith.constant 8 : i32
        %div3A_374 = arith.divsi %scan3A_364, %jit3A_373 : i32
        %sign3A_375 = arith.constant 0 : i32
        %sign3A_376 = arith.cmpi sgt, %scan3A_364, %sign3A_375 : i32
        %sign3A_377 = arith.extui %sign3A_376 : i1 to i32
        %sign3A_378 = arith.constant 0 : i32
        %sign3A_379 = arith.cmpi slt, %scan3A_364, %sign3A_378 : i32
        %sign3A_380 = arith.extui %sign3A_379 : i1 to i32
        %sign3A_381 = arith.subi %sign3A_377, %sign3A_380 : i32
        %sign3A_382 = arith.constant 0 : i32
        %sign3A_383 = arith.cmpi sgt, %jit3A_373, %sign3A_382 : i32
        %sign3A_384 = arith.extui %sign3A_383 : i1 to i32
        %sign3A_385 = arith.constant 0 : i32
        %sign3A_386 = arith.cmpi slt, %jit3A_373, %sign3A_385 : i32
        %sign3A_387 = arith.extui %sign3A_386 : i1 to i32
        %sign3A_388 = arith.subi %sign3A_384, %sign3A_387 : i32
        %ne3A_389 = arith.cmpi ne, %sign3A_381, %sign3A_388 : i32
        %rem3A_390 = arith.remsi %scan3A_364, %jit3A_373 : i32
        %ne3A_391 = arith.constant 0 : i32
        %ne3A_392 = arith.cmpi ne, %rem3A_390, %ne3A_391 : i32
        %and3A_393 = arith.andi %ne3A_389, %ne3A_392 : i1
        %sub3A_394 = arith.constant 1 : i32
        %sub3A_395 = arith.subi %div3A_374, %sub3A_394 : i32
        %select_n3A_396 = arith.select %and3A_393, %sub3A_395, %div3A_374 : i32
        %jit3A_397 = arith.constant 8 : i32
        %eq3A = arith.constant 0 : i32
        %eq3A_398 = arith.cmpi eq, %jit3A_397, %eq3A : i32
        %jit3A_399 = arith.constant 1 : i32
        %select_n3A_400 = arith.select %eq3A_398, %jit3A_399, %jit3A_397 : i32
        %rem3A_401 = arith.remsi %scan3A_364, %select_n3A_400 : i32
        %ne3A_402 = arith.constant 0 : i32
        %ne3A_403 = arith.cmpi ne, %rem3A_401, %ne3A_402 : i32
        %lt3A_404 = arith.constant 0 : i32
        %lt3A_405 = arith.cmpi slt, %rem3A_401, %lt3A_404 : i32
        %lt3A_406 = arith.constant 0 : i32
        %lt3A_407 = arith.cmpi slt, %select_n3A_400, %lt3A_406 : i32
        %ne3A_408 = arith.xori %lt3A_405, %lt3A_407 : i1
        %and3A_409 = arith.andi %ne3A_408, %ne3A_403 : i1
        %add3A_410 = arith.addi %rem3A_401, %select_n3A_400 : i32
        %select_n3A_411 = arith.select %and3A_409, %add3A_410, %rem3A_401 : i32
        %mul3A_412 = arith.constant 256 : i32
        %mul3A_413 = arith.muli %select_n3A_411, %mul3A_412 : i32
        %add3A_414 = arith.constant 0 : i32
        %add3A_415 = arith.addi %mul3A_413, %add3A_414 : i32
        %get3A = arith.index_cast %select_n3A_396 : i32 to index
        %get3A_416 = arith.index_cast %add3A_415 : i32 to index
        %get3A_417 = tpu.vector_load %arg11[%get3A, %get3A_416] {strides = array<i32>} : memref<8x2048xf32, #tpu.memory_space<vmem>>, vector<16xf32>,
        %get3A_418 = arith.index_cast %select_n3A_396 : i32 to index
        %get3A_419 = arith.index_cast %add3A_415 : i32 to index
        %get3A_420 = tpu.vector_load %arg12[%get3A_418, %get3A_419] {strides = array<i32>} : memref<8x2048xf32, #tpu.memory_space<vmem>>, vector<16xf32>,
        %sub3A_421 = arith.subf %get3A_417, %get3A_420 : vector<16xf32>
        %mul3A_422 = arith.mulf %sub3A_421, %sub3A_421 : vector<16xf32>
        %add3A_423 = arith.addf %scan3A_365, %mul3A_422 : vector<16xf32>
        %mul3A_424 = arith.constant 256 : i32
        %mul3A_425 = arith.muli %select_n3A_411, %mul3A_424 : i32
        %add3A_426 = arith.constant 16 : i32
        %add3A_427 = arith.addi %mul3A_425, %add3A_426 : i32
        %get3A_428 = arith.index_cast %select_n3A_396 : i32 to index
        %get3A_429 = arith.index_cast %add3A_427 : i32 to index
        %get3A_430 = tpu.vector_load %arg11[%get3A_428, %get3A_429] {strides = array<i32>} : memref<8x2048xf32, #tpu.memory_space<vmem>>, vector<16xf32>,
        %get3A_431 = arith.index_cast %select_n3A_396 : i32 to index
        %get3A_432 = arith.index_cast %add3A_427 : i32 to index
        %get3A_433 = tpu.vector_load %arg12[%get3A_431, %get3A_432] {strides = array<i32>} : memref<8x2048xf32, #tpu.memory_space<vmem>>, vector<16xf32>,
        %sub3A_434 = arith.subf %get3A_430, %get3A_433 : vector<16xf32>
        %mul3A_435 = arith.mulf %sub3A_434, %sub3A_434 : vector<16xf32>
        %add3A_436 = arith.addf %scan3A_366, %mul3A_435 : vector<16xf32>
        %mul3A_437 = arith.constant 256 : i32
        %mul3A_438 = arith.muli %select_n3A_411, %mul3A_437 : i32
        %add3A_439 = arith.constant 32 : i32
        %add3A_440 = arith.addi %mul3A_438, %add3A_439 : i32
        %get3A_441 = arith.index_cast %select_n3A_396 : i32 to index
        %get3A_442 = arith.index_cast %add3A_440 : i32 to index
        %get3A_443 = tpu.vector_load %arg11[%get3A_441, %get3A_442] {strides = array<i32>} : memref<8x2048xf32, #tpu.memory_space<vmem>>, vector<16xf32>,
        %get3A_444 = arith.index_cast %select_n3A_396 : i32 to index
        %get3A_445 = arith.index_cast %add3A_440 : i32 to index
        %get3A_446 = tpu.vector_load %arg12[%get3A_444, %get3A_445] {strides = array<i32>} : memref<8x2048xf32, #tpu.memory_space<vmem>>, vector<16xf32>,
        %sub3A_447 = arith.subf %get3A_443, %get3A_446 : vector<16xf32>
        %mul3A_448 = arith.mulf %sub3A_447, %sub3A_447 : vector<16xf32>
        %add3A_449 = arith.addf %scan3A_367, %mul3A_448 : vector<16xf32>
        %mul3A_450 = arith.constant 256 : i32
        %mul3A_451 = arith.muli %select_n3A_411, %mul3A_450 : i32
        %add3A_452 = arith.constant 48 : i32
        %add3A_453 = arith.addi %mul3A_451, %add3A_452 : i32
        %get3A_454 = arith.index_cast %select_n3A_396 : i32 to index
        %get3A_455 = arith.index_cast %add3A_453 : i32 to index
        %get3A_456 = tpu.vector_load %arg11[%get3A_454, %get3A_455] {strides = array<i32>} : memref<8x2048xf32, #tpu.memory_space<vmem>>, vector<16xf32>,
        %get3A_457 = arith.index_cast %select_n3A_396 : i32 to index
        %get3A_458 = arith.index_cast %add3A_453 : i32 to index
        %get3A_459 = tpu.vector_load %arg12[%get3A_457, %get3A_458] {strides = array<i32>} : memref<8x2048xf32, #tpu.memory_space<vmem>>, vector<16xf32>,
        %sub3A_460 = arith.subf %get3A_456, %get3A_459 : vector<16xf32>
        %mul3A_461 = arith.mulf %sub3A_460, %sub3A_460 : vector<16xf32>
        %add3A_462 = arith.addf %scan3A_368, %mul3A_461 : vector<16xf32>
        %mul3A_463 = arith.constant 256 : i32
        %mul3A_464 = arith.muli %select_n3A_411, %mul3A_463 : i32
        %add3A_465 = arith.constant 64 : i32
        %add3A_466 = arith.addi %mul3A_464, %add3A_465 : i32
        %get3A_467 = arith.index_cast %select_n3A_396 : i32 to index
        %get3A_468 = arith.index_cast %add3A_466 : i32 to index
        %get3A_469 = tpu.vector_load %arg11[%get3A_467, %get3A_468] {strides = array<i32>} : memref<8x2048xf32, #tpu.memory_space<vmem>>, vector<16xf32>,
        %get3A_470 = arith.index_cast %select_n3A_396 : i32 to index
        %get3A_471 = arith.index_cast %add3A_466 : i32 to index
        %get3A_472 = tpu.vector_load %arg12[%get3A_470, %get3A_471] {strides = array<i32>} : memref<8x2048xf32, #tpu.memory_space<vmem>>, vector<16xf32>,
        %sub3A_473 = arith.subf %get3A_469, %get3A_472 : vector<16xf32>
        %mul3A_474 = arith.mulf %sub3A_473, %sub3A_473 : vector<16xf32>
        %add3A_475 = arith.addf %scan3A_369, %mul3A_474 : vector<16xf32>
        %mul3A_476 = arith.constant 256 : i32
        %mul3A_477 = arith.muli %select_n3A_411, %mul3A_476 : i32
        %add3A_478 = arith.constant 80 : i32
        %add3A_479 = arith.addi %mul3A_477, %add3A_478 : i32
        %get3A_480 = arith.index_cast %select_n3A_396 : i32 to index
        %get3A_481 = arith.index_cast %add3A_479 : i32 to index
        %get3A_482 = tpu.vector_load %arg11[%get3A_480, %get3A_481] {strides = array<i32>} : memref<8x2048xf32, #tpu.memory_space<vmem>>, vector<16xf32>,
        %get3A_483 = arith.index_cast %select_n3A_396 : i32 to index
        %get3A_484 = arith.index_cast %add3A_479 : i32 to index
        %get3A_485 = tpu.vector_load %arg12[%get3A_483, %get3A_484] {strides = array<i32>} : memref<8x2048xf32, #tpu.memory_space<vmem>>, vector<16xf32>,
        %sub3A_486 = arith.subf %get3A_482, %get3A_485 : vector<16xf32>
        %mul3A_487 = arith.mulf %sub3A_486, %sub3A_486 : vector<16xf32>
        %add3A_488 = arith.addf %scan3A_370, %mul3A_487 : vector<16xf32>
        %mul3A_489 = arith.constant 256 : i32
        %mul3A_490 = arith.muli %select_n3A_411, %mul3A_489 : i32
        %add3A_491 = arith.constant 96 : i32
        %add3A_492 = arith.addi %mul3A_490, %add3A_491 : i32
        %get3A_493 = arith.index_cast %select_n3A_396 : i32 to index
        %get3A_494 = arith.index_cast %add3A_492 : i32 to index
        %get3A_495 = tpu.vector_load %arg11[%get3A_493, %get3A_494] {strides = array<i32>} : memref<8x2048xf32, #tpu.memory_space<vmem>>, vector<16xf32>,
        %get3A_496 = arith.index_cast %select_n3A_396 : i32 to index
        %get3A_497 = arith.index_cast %add3A_492 : i32 to index
        %get3A_498 = tpu.vector_load %arg12[%get3A_496, %get3A_497] {strides = array<i32>} : memref<8x2048xf32, #tpu.memory_space<vmem>>, vector<16xf32>,
        %sub3A_499 = arith.subf %get3A_495, %get3A_498 : vector<16xf32>
        %mul3A_500 = arith.mulf %sub3A_499, %sub3A_499 : vector<16xf32>
        %add3A_501 = arith.addf %scan3A_371, %mul3A_500 : vector<16xf32>
        %mul3A_502 = arith.constant 256 : i32
        %mul3A_503 = arith.muli %select_n3A_411, %mul3A_502 : i32
        %add3A_504 = arith.constant 112 : i32
        %add3A_505 = arith.addi %mul3A_503, %add3A_504 : i32
        %get3A_506 = arith.index_cast %select_n3A_396 : i32 to index
        %get3A_507 = arith.index_cast %add3A_505 : i32 to index
        %get3A_508 = tpu.vector_load %arg11[%get3A_506, %get3A_507] {strides = array<i32>} : memref<8x2048xf32, #tpu.memory_space<vmem>>, vector<16xf32>,
        %get3A_509 = arith.index_cast %select_n3A_396 : i32 to index
        %get3A_510 = arith.index_cast %add3A_505 : i32 to index
        %get3A_511 = tpu.vector_load %arg12[%get3A_509, %get3A_510] {strides = array<i32>} : memref<8x2048xf32, #tpu.memory_space<vmem>>, vector<16xf32>,
        %sub3A_512 = arith.subf %get3A_508, %get3A_511 : vector<16xf32>
        %mul3A_513 = arith.mulf %sub3A_512, %sub3A_512 : vector<16xf32>
        %add3A_514 = arith.addf %scan3A_372, %mul3A_513 : vector<16xf32>
        %mul3A_515 = arith.constant 256 : i32
        %mul3A_516 = arith.muli %select_n3A_411, %mul3A_515 : i32
        %add3A_517 = arith.constant 128 : i32
        %add3A_518 = arith.addi %mul3A_516, %add3A_517 : i32
        %get3A_519 = arith.index_cast %select_n3A_396 : i32 to index
        %get3A_520 = arith.index_cast %add3A_518 : i32 to index
        %get3A_521 = tpu.vector_load %arg11[%get3A_519, %get3A_520] {strides = array<i32>} : memref<8x2048xf32, #tpu.memory_space<vmem>>, vector<16xf32>,
        %get3A_522 = arith.index_cast %select_n3A_396 : i32 to index
        %get3A_523 = arith.index_cast %add3A_518 : i32 to index
        %get3A_524 = tpu.vector_load %arg12[%get3A_522, %get3A_523] {strides = array<i32>} : memref<8x2048xf32, #tpu.memory_space<vmem>>, vector<16xf32>,
        %sub3A_525 = arith.subf %get3A_521, %get3A_524 : vector<16xf32>
        %mul3A_526 = arith.mulf %sub3A_525, %sub3A_525 : vector<16xf32>
        %add3A_527 = arith.addf %add3A_423, %mul3A_526 : vector<16xf32>
        %mul3A_528 = arith.constant 256 : i32
        %mul3A_529 = arith.muli %select_n3A_411, %mul3A_528 : i32
        %add3A_530 = arith.constant 144 : i32
        %add3A_531 = arith.addi %mul3A_529, %add3A_530 : i32
        %get3A_532 = arith.index_cast %select_n3A_396 : i32 to index
        %get3A_533 = arith.index_cast %add3A_531 : i32 to index
        %get3A_534 = tpu.vector_load %arg11[%get3A_532, %get3A_533] {strides = array<i32>} : memref<8x2048xf32, #tpu.memory_space<vmem>>, vector<16xf32>,
        %get3A_535 = arith.index_cast %select_n3A_396 : i32 to index
        %get3A_536 = arith.index_cast %add3A_531 : i32 to index
        %get3A_537 = tpu.vector_load %arg12[%get3A_535, %get3A_536] {strides = array<i32>} : memref<8x2048xf32, #tpu.memory_space<vmem>>, vector<16xf32>,
        %sub3A_538 = arith.subf %get3A_534, %get3A_537 : vector<16xf32>
        %mul3A_539 = arith.mulf %sub3A_538, %sub3A_538 : vector<16xf32>
        %add3A_540 = arith.addf %add3A_436, %mul3A_539 : vector<16xf32>
        %mul3A_541 = arith.constant 256 : i32
        %mul3A_542 = arith.muli %select_n3A_411, %mul3A_541 : i32
        %add3A_543 = arith.constant 160 : i32
        %add3A_544 = arith.addi %mul3A_542, %add3A_543 : i32
        %get3A_545 = arith.index_cast %select_n3A_396 : i32 to index
        %get3A_546 = arith.index_cast %add3A_544 : i32 to index
        %get3A_547 = tpu.vector_load %arg11[%get3A_545, %get3A_546] {strides = array<i32>} : memref<8x2048xf32, #tpu.memory_space<vmem>>, vector<16xf32>,
        %get3A_548 = arith.index_cast %select_n3A_396 : i32 to index
        %get3A_549 = arith.index_cast %add3A_544 : i32 to index
        %get3A_550 = tpu.vector_load %arg12[%get3A_548, %get3A_549] {strides = array<i32>} : memref<8x2048xf32, #tpu.memory_space<vmem>>, vector<16xf32>,
        %sub3A_551 = arith.subf %get3A_547, %get3A_550 : vector<16xf32>
        %mul3A_552 = arith.mulf %sub3A_551, %sub3A_551 : vector<16xf32>
        %add3A_553 = arith.addf %add3A_449, %mul3A_552 : vector<16xf32>
        %mul3A_554 = arith.constant 256 : i32
        %mul3A_555 = arith.muli %select_n3A_411, %mul3A_554 : i32
        %add3A_556 = arith.constant 176 : i32
        %add3A_557 = arith.addi %mul3A_555, %add3A_556 : i32
        %get3A_558 = arith.index_cast %select_n3A_396 : i32 to index
        %get3A_559 = arith.index_cast %add3A_557 : i32 to index
        %get3A_560 = tpu.vector_load %arg11[%get3A_558, %get3A_559] {strides = array<i32>} : memref<8x2048xf32, #tpu.memory_space<vmem>>, vector<16xf32>,
        %get3A_561 = arith.index_cast %select_n3A_396 : i32 to index
        %get3A_562 = arith.index_cast %add3A_557 : i32 to index
        %get3A_563 = tpu.vector_load %arg12[%get3A_561, %get3A_562] {strides = array<i32>} : memref<8x2048xf32, #tpu.memory_space<vmem>>, vector<16xf32>,
        %sub3A_564 = arith.subf %get3A_560, %get3A_563 : vector<16xf32>
        %mul3A_565 = arith.mulf %sub3A_564, %sub3A_564 : vector<16xf32>
        %add3A_566 = arith.addf %add3A_462, %mul3A_565 : vector<16xf32>
        %mul3A_567 = arith.constant 256 : i32
        %mul3A_568 = arith.muli %select_n3A_411, %mul3A_567 : i32
        %add3A_569 = arith.constant 192 : i32
        %add3A_570 = arith.addi %mul3A_568, %add3A_569 : i32
        %get3A_571 = arith.index_cast %select_n3A_396 : i32 to index
        %get3A_572 = arith.index_cast %add3A_570 : i32 to index
        %get3A_573 = tpu.vector_load %arg11[%get3A_571, %get3A_572] {strides = array<i32>} : memref<8x2048xf32, #tpu.memory_space<vmem>>, vector<16xf32>,
        %get3A_574 = arith.index_cast %select_n3A_396 : i32 to index
        %get3A_575 = arith.index_cast %add3A_570 : i32 to index
        %get3A_576 = tpu.vector_load %arg12[%get3A_574, %get3A_575] {strides = array<i32>} : memref<8x2048xf32, #tpu.memory_space<vmem>>, vector<16xf32>,
        %sub3A_577 = arith.subf %get3A_573, %get3A_576 : vector<16xf32>
        %mul3A_578 = arith.mulf %sub3A_577, %sub3A_577 : vector<16xf32>
        %add3A_579 = arith.addf %add3A_475, %mul3A_578 : vector<16xf32>
        %mul3A_580 = arith.constant 256 : i32
        %mul3A_581 = arith.muli %select_n3A_411, %mul3A_580 : i32
        %add3A_582 = arith.constant 208 : i32
        %add3A_583 = arith.addi %mul3A_581, %add3A_582 : i32
        %get3A_584 = arith.index_cast %select_n3A_396 : i32 to index
        %get3A_585 = arith.index_cast %add3A_583 : i32 to index
        %get3A_586 = tpu.vector_load %arg11[%get3A_584, %get3A_585] {strides = array<i32>} : memref<8x2048xf32, #tpu.memory_space<vmem>>, vector<16xf32>,
        %get3A_587 = arith.index_cast %select_n3A_396 : i32 to index
        %get3A_588 = arith.index_cast %add3A_583 : i32 to index
        %get3A_589 = tpu.vector_load %arg12[%get3A_587, %get3A_588] {strides = array<i32>} : memref<8x2048xf32, #tpu.memory_space<vmem>>, vector<16xf32>,
        %sub3A_590 = arith.subf %get3A_586, %get3A_589 : vector<16xf32>
        %mul3A_591 = arith.mulf %sub3A_590, %sub3A_590 : vector<16xf32>
        %add3A_592 = arith.addf %add3A_488, %mul3A_591 : vector<16xf32>
        %mul3A_593 = arith.constant 256 : i32
        %mul3A_594 = arith.muli %select_n3A_411, %mul3A_593 : i32
        %add3A_595 = arith.constant 224 : i32
        %add3A_596 = arith.addi %mul3A_594, %add3A_595 : i32
        %get3A_597 = arith.index_cast %select_n3A_396 : i32 to index
        %get3A_598 = arith.index_cast %add3A_596 : i32 to index
        %get3A_599 = tpu.vector_load %arg11[%get3A_597, %get3A_598] {strides = array<i32>} : memref<8x2048xf32, #tpu.memory_space<vmem>>, vector<16xf32>,
        %get3A_600 = arith.index_cast %select_n3A_396 : i32 to index
        %get3A_601 = arith.index_cast %add3A_596 : i32 to index
        %get3A_602 = tpu.vector_load %arg12[%get3A_600, %get3A_601] {strides = array<i32>} : memref<8x2048xf32, #tpu.memory_space<vmem>>, vector<16xf32>,
        %sub3A_603 = arith.subf %get3A_599, %get3A_602 : vector<16xf32>
        %mul3A_604 = arith.mulf %sub3A_603, %sub3A_603 : vector<16xf32>
        %add3A_605 = arith.addf %add3A_501, %mul3A_604 : vector<16xf32>
        %mul3A_606 = arith.constant 256 : i32
        %mul3A_607 = arith.muli %select_n3A_411, %mul3A_606 : i32
        %add3A_608 = arith.constant 240 : i32
        %add3A_609 = arith.addi %mul3A_607, %add3A_608 : i32
        %get3A_610 = arith.index_cast %select_n3A_396 : i32 to index
        %get3A_611 = arith.index_cast %add3A_609 : i32 to index
        %get3A_612 = tpu.vector_load %arg11[%get3A_610, %get3A_611] {strides = array<i32>} : memref<8x2048xf32, #tpu.memory_space<vmem>>, vector<16xf32>,
        %get3A_613 = arith.index_cast %select_n3A_396 : i32 to index
        %get3A_614 = arith.index_cast %add3A_609 : i32 to index
        %get3A_615 = tpu.vector_load %arg12[%get3A_613, %get3A_614] {strides = array<i32>} : memref<8x2048xf32, #tpu.memory_space<vmem>>, vector<16xf32>,
        %sub3A_616 = arith.subf %get3A_612, %get3A_615 : vector<16xf32>
        %mul3A_617 = arith.mulf %sub3A_616, %sub3A_616 : vector<16xf32>
        %add3A_618 = arith.addf %add3A_514, %mul3A_617 : vector<16xf32>
        scf.yield %add3A_527, %add3A_540, %add3A_553, %add3A_566, %add3A_579, %add3A_592, %add3A_605, %add3A_618 : vector<16xf32>, vector<16xf32>, vector<16xf32>, vector<16xf32>, vector<16xf32>, vector<16xf32>, vector<16xf32>, vector<16xf32>
      }
      %scan3A_331 = arith.constant 64 : i32
      %add3A_332 = arith.constant 3 : i32
      %add3A_333 = arith.addi %add3A_315, %add3A_332 : i32
      %lt3A_334 = arith.cmpi slt, %add3A_333, %mul3A_223 : i32
      %convert_element_type3A_335 = arith.extui %lt3A_334 : i1 to i32
      %cond3A_336 = arith.constant 0 : i32
      %cond3A_337 = arith.cmpi ne, %convert_element_type3A_335, %cond3A_336 : i32
      scf.if %cond3A_337 {
        %add3A_364 = arith.constant 3 : i32
        %add3A_365 = arith.addi %add3A_315, %add3A_364 : i32
        %mul3A_366 = arith.constant 8 : i32
        %mul3A_367 = arith.muli %add3A_365, %mul3A_366 : i32
        %dma_start3A = tpu.memref_slice %arg8[%mul3A_367] : memref<544xi32, #tpu.memory_space<vmem>> -> memref<8xi32, #tpu.memory_space<vmem>>
        %dma_start3A_368 = arith.constant 0 : i32
        %dma_start3A_369 = arith.constant 0 : i32
        %dma_start3A_370 = tpu.memref_slice %arg2[%dma_start3A_368, %dma_start3A_369] : memref<16384x2048xf32, #tpu.memory_space<hbm>> -> memref<16384x2048xf32, #tpu.memory_space<hbm>>
        tpu.enqueue_indirect_dma source(%dma_start3A_370 : memref<16384x2048xf32, #tpu.memory_space<hbm>>) target(%arg11 : memref<8x2048xf32, #tpu.memory_space<vmem>>) offsets(%dma_start3A : memref<8xi32, #tpu.memory_space<vmem>>) semaphore(%arg17 : memref<!tpu.dma_semaphore, #tpu.memory_space<semaphore_mem>>)
        %dma_start3A_371 = tpu.memref_slice %arg8[%mul3A_367] : memref<544xi32, #tpu.memory_space<vmem>> -> memref<8xi32, #tpu.memory_space<vmem>>
        %dma_start3A_372 = arith.constant 0 : i32
        %dma_start3A_373 = arith.constant 0 : i32
        %dma_start3A_374 = tpu.memref_slice %arg3[%dma_start3A_372, %dma_start3A_373] : memref<16384x2048xf32, #tpu.memory_space<hbm>> -> memref<16384x2048xf32, #tpu.memory_space<hbm>>
        tpu.enqueue_indirect_dma source(%dma_start3A_374 : memref<16384x2048xf32, #tpu.memory_space<hbm>>) target(%arg12 : memref<8x2048xf32, #tpu.memory_space<vmem>>) offsets(%dma_start3A_371 : memref<8xi32, #tpu.memory_space<vmem>>) semaphore(%arg17 : memref<!tpu.dma_semaphore, #tpu.memory_space<semaphore_mem>>)
      } else {
      }
      %mul3A_338 = arith.constant 3 : i32
      %mul3A_339 = arith.muli %mul3A_338, %while3A_279 : i32
      %add3A_340 = arith.constant 2 : i32
      %add3A_341 = arith.addi %mul3A_339, %add3A_340 : i32
      %dma_wait3A_342 = arith.constant 0 : i32
      %dma_wait3A_343 = tpu.memref_slice %arg8[%dma_wait3A_342] : memref<544xi32, #tpu.memory_space<vmem>> -> memref<8xi32, #tpu.memory_space<vmem>>
      %dma_wait3A_344 = arith.constant 0 : i32
      %dma_wait3A_345 = arith.constant 0 : i32
      %dma_wait3A_346 = tpu.memref_slice %arg2[%dma_wait3A_344, %dma_wait3A_345] : memref<16384x2048xf32, #tpu.memory_space<hbm>> -> memref<16384x2048xf32, #tpu.memory_space<hbm>>
      tpu.wait_indirect_dma semaphore(%arg18 : memref<!tpu.dma_semaphore, #tpu.memory_space<semaphore_mem>>) src(%dma_wait3A_346 : memref<16384x2048xf32, #tpu.memory_space<hbm>>) dst(%arg13 : memref<8x2048xf32, #tpu.memory_space<vmem>>)
      %dma_wait3A_347 = arith.constant 0 : i32
      %dma_wait3A_348 = tpu.memref_slice %arg8[%dma_wait3A_347] : memref<544xi32, #tpu.memory_space<vmem>> -> memref<8xi32, #tpu.memory_space<vmem>>
      %dma_wait3A_349 = arith.constant 0 : i32
      %dma_wait3A_350 = arith.constant 0 : i32
      %dma_wait3A_351 = tpu.memref_slice %arg3[%dma_wait3A_349, %dma_wait3A_350] : memref<16384x2048xf32, #tpu.memory_space<hbm>> -> memref<16384x2048xf32, #tpu.memory_space<hbm>>
      tpu.wait_indirect_dma semaphore(%arg18 : memref<!tpu.dma_semaphore, #tpu.memory_space<semaphore_mem>>) src(%dma_wait3A_351 : memref<16384x2048xf32, #tpu.memory_space<hbm>>) dst(%arg14 : memref<8x2048xf32, #tpu.memory_space<vmem>>)
      %scan3A_352 = arith.constant 0 : i32
      %scan3A_353 = arith.constant 64 : i32
      %scan3A_354 = arith.addi %scan3A_352, %scan3A_353 : i32
      %scan3A_355 = arith.constant 1 : i32
      %scan3A_356:8 = scf.for %scan3A_364 = %scan3A_352 to %scan3A_354 step %scan3A_355 iter_args(%scan3A_365 = %scan3A_330#0, %scan3A_366 = %scan3A_330#1, %scan3A_367 = %scan3A_330#2, %scan3A_368 = %scan3A_330#3, %scan3A_369 = %scan3A_330#4, %scan3A_370 = %scan3A_330#5, %scan3A_371 = %scan3A_330#6, %scan3A_372 = %scan3A_330#7) -> (vector<16xf32>, vector<16xf32>, vector<16xf32>, vector<16xf32>, vector<16xf32>, vector<16xf32>, vector<16xf32>, vector<16xf32>)  : i32 {
        %jit3A_373 = arith.constant 8 : i32
        %div3A_374 = arith.divsi %scan3A_364, %jit3A_373 : i32
        %sign3A_375 = arith.constant 0 : i32
        %sign3A_376 = arith.cmpi sgt, %scan3A_364, %sign3A_375 : i32
        %sign3A_377 = arith.extui %sign3A_376 : i1 to i32
        %sign3A_378 = arith.constant 0 : i32
        %sign3A_379 = arith.cmpi slt, %scan3A_364, %sign3A_378 : i32
        %sign3A_380 = arith.extui %sign3A_379 : i1 to i32
        %sign3A_381 = arith.subi %sign3A_377, %sign3A_380 : i32
        %sign3A_382 = arith.constant 0 : i32
        %sign3A_383 = arith.cmpi sgt, %jit3A_373, %sign3A_382 : i32
        %sign3A_384 = arith.extui %sign3A_383 : i1 to i32
        %sign3A_385 = arith.constant 0 : i32
        %sign3A_386 = arith.cmpi slt, %jit3A_373, %sign3A_385 : i32
        %sign3A_387 = arith.extui %sign3A_386 : i1 to i32
        %sign3A_388 = arith.subi %sign3A_384, %sign3A_387 : i32
        %ne3A_389 = arith.cmpi ne, %sign3A_381, %sign3A_388 : i32
        %rem3A_390 = arith.remsi %scan3A_364, %jit3A_373 : i32
        %ne3A_391 = arith.constant 0 : i32
        %ne3A_392 = arith.cmpi ne, %rem3A_390, %ne3A_391 : i32
        %and3A_393 = arith.andi %ne3A_389, %ne3A_392 : i1
        %sub3A_394 = arith.constant 1 : i32
        %sub3A_395 = arith.subi %div3A_374, %sub3A_394 : i32
        %select_n3A_396 = arith.select %and3A_393, %sub3A_395, %div3A_374 : i32
        %jit3A_397 = arith.constant 8 : i32
        %eq3A = arith.constant 0 : i32
        %eq3A_398 = arith.cmpi eq, %jit3A_397, %eq3A : i32
        %jit3A_399 = arith.constant 1 : i32
        %select_n3A_400 = arith.select %eq3A_398, %jit3A_399, %jit3A_397 : i32
        %rem3A_401 = arith.remsi %scan3A_364, %select_n3A_400 : i32
        %ne3A_402 = arith.constant 0 : i32
        %ne3A_403 = arith.cmpi ne, %rem3A_401, %ne3A_402 : i32
        %lt3A_404 = arith.constant 0 : i32
        %lt3A_405 = arith.cmpi slt, %rem3A_401, %lt3A_404 : i32
        %lt3A_406 = arith.constant 0 : i32
        %lt3A_407 = arith.cmpi slt, %select_n3A_400, %lt3A_406 : i32
        %ne3A_408 = arith.xori %lt3A_405, %lt3A_407 : i1
        %and3A_409 = arith.andi %ne3A_408, %ne3A_403 : i1
        %add3A_410 = arith.addi %rem3A_401, %select_n3A_400 : i32
        %select_n3A_411 = arith.select %and3A_409, %add3A_410, %rem3A_401 : i32
        %mul3A_412 = arith.constant 256 : i32
        %mul3A_413 = arith.muli %select_n3A_411, %mul3A_412 : i32
        %add3A_414 = arith.constant 0 : i32
        %add3A_415 = arith.addi %mul3A_413, %add3A_414 : i32
        %get3A = arith.index_cast %select_n3A_396 : i32 to index
        %get3A_416 = arith.index_cast %add3A_415 : i32 to index
        %get3A_417 = tpu.vector_load %arg13[%get3A, %get3A_416] {strides = array<i32>} : memref<8x2048xf32, #tpu.memory_space<vmem>>, vector<16xf32>,
        %get3A_418 = arith.index_cast %select_n3A_396 : i32 to index
        %get3A_419 = arith.index_cast %add3A_415 : i32 to index
        %get3A_420 = tpu.vector_load %arg14[%get3A_418, %get3A_419] {strides = array<i32>} : memref<8x2048xf32, #tpu.memory_space<vmem>>, vector<16xf32>,
        %sub3A_421 = arith.subf %get3A_417, %get3A_420 : vector<16xf32>
        %mul3A_422 = arith.mulf %sub3A_421, %sub3A_421 : vector<16xf32>
        %add3A_423 = arith.addf %scan3A_365, %mul3A_422 : vector<16xf32>
        %mul3A_424 = arith.constant 256 : i32
        %mul3A_425 = arith.muli %select_n3A_411, %mul3A_424 : i32
        %add3A_426 = arith.constant 16 : i32
        %add3A_427 = arith.addi %mul3A_425, %add3A_426 : i32
        %get3A_428 = arith.index_cast %select_n3A_396 : i32 to index
        %get3A_429 = arith.index_cast %add3A_427 : i32 to index
        %get3A_430 = tpu.vector_load %arg13[%get3A_428, %get3A_429] {strides = array<i32>} : memref<8x2048xf32, #tpu.memory_space<vmem>>, vector<16xf32>,
        %get3A_431 = arith.index_cast %select_n3A_396 : i32 to index
        %get3A_432 = arith.index_cast %add3A_427 : i32 to index
        %get3A_433 = tpu.vector_load %arg14[%get3A_431, %get3A_432] {strides = array<i32>} : memref<8x2048xf32, #tpu.memory_space<vmem>>, vector<16xf32>,
        %sub3A_434 = arith.subf %get3A_430, %get3A_433 : vector<16xf32>
        %mul3A_435 = arith.mulf %sub3A_434, %sub3A_434 : vector<16xf32>
        %add3A_436 = arith.addf %scan3A_366, %mul3A_435 : vector<16xf32>
        %mul3A_437 = arith.constant 256 : i32
        %mul3A_438 = arith.muli %select_n3A_411, %mul3A_437 : i32
        %add3A_439 = arith.constant 32 : i32
        %add3A_440 = arith.addi %mul3A_438, %add3A_439 : i32
        %get3A_441 = arith.index_cast %select_n3A_396 : i32 to index
        %get3A_442 = arith.index_cast %add3A_440 : i32 to index
        %get3A_443 = tpu.vector_load %arg13[%get3A_441, %get3A_442] {strides = array<i32>} : memref<8x2048xf32, #tpu.memory_space<vmem>>, vector<16xf32>,
        %get3A_444 = arith.index_cast %select_n3A_396 : i32 to index
        %get3A_445 = arith.index_cast %add3A_440 : i32 to index
        %get3A_446 = tpu.vector_load %arg14[%get3A_444, %get3A_445] {strides = array<i32>} : memref<8x2048xf32, #tpu.memory_space<vmem>>, vector<16xf32>,
        %sub3A_447 = arith.subf %get3A_443, %get3A_446 : vector<16xf32>
        %mul3A_448 = arith.mulf %sub3A_447, %sub3A_447 : vector<16xf32>
        %add3A_449 = arith.addf %scan3A_367, %mul3A_448 : vector<16xf32>
        %mul3A_450 = arith.constant 256 : i32
        %mul3A_451 = arith.muli %select_n3A_411, %mul3A_450 : i32
        %add3A_452 = arith.constant 48 : i32
        %add3A_453 = arith.addi %mul3A_451, %add3A_452 : i32
        %get3A_454 = arith.index_cast %select_n3A_396 : i32 to index
        %get3A_455 = arith.index_cast %add3A_453 : i32 to index
        %get3A_456 = tpu.vector_load %arg13[%get3A_454, %get3A_455] {strides = array<i32>} : memref<8x2048xf32, #tpu.memory_space<vmem>>, vector<16xf32>,
        %get3A_457 = arith.index_cast %select_n3A_396 : i32 to index
        %get3A_458 = arith.index_cast %add3A_453 : i32 to index
        %get3A_459 = tpu.vector_load %arg14[%get3A_457, %get3A_458] {strides = array<i32>} : memref<8x2048xf32, #tpu.memory_space<vmem>>, vector<16xf32>,
        %sub3A_460 = arith.subf %get3A_456, %get3A_459 : vector<16xf32>
        %mul3A_461 = arith.mulf %sub3A_460, %sub3A_460 : vector<16xf32>
        %add3A_462 = arith.addf %scan3A_368, %mul3A_461 : vector<16xf32>
        %mul3A_463 = arith.constant 256 : i32
        %mul3A_464 = arith.muli %select_n3A_411, %mul3A_463 : i32
        %add3A_465 = arith.constant 64 : i32
        %add3A_466 = arith.addi %mul3A_464, %add3A_465 : i32
        %get3A_467 = arith.index_cast %select_n3A_396 : i32 to index
        %get3A_468 = arith.index_cast %add3A_466 : i32 to index
        %get3A_469 = tpu.vector_load %arg13[%get3A_467, %get3A_468] {strides = array<i32>} : memref<8x2048xf32, #tpu.memory_space<vmem>>, vector<16xf32>,
        %get3A_470 = arith.index_cast %select_n3A_396 : i32 to index
        %get3A_471 = arith.index_cast %add3A_466 : i32 to index
        %get3A_472 = tpu.vector_load %arg14[%get3A_470, %get3A_471] {strides = array<i32>} : memref<8x2048xf32, #tpu.memory_space<vmem>>, vector<16xf32>,
        %sub3A_473 = arith.subf %get3A_469, %get3A_472 : vector<16xf32>
        %mul3A_474 = arith.mulf %sub3A_473, %sub3A_473 : vector<16xf32>
        %add3A_475 = arith.addf %scan3A_369, %mul3A_474 : vector<16xf32>
        %mul3A_476 = arith.constant 256 : i32
        %mul3A_477 = arith.muli %select_n3A_411, %mul3A_476 : i32
        %add3A_478 = arith.constant 80 : i32
        %add3A_479 = arith.addi %mul3A_477, %add3A_478 : i32
        %get3A_480 = arith.index_cast %select_n3A_396 : i32 to index
        %get3A_481 = arith.index_cast %add3A_479 : i32 to index
        %get3A_482 = tpu.vector_load %arg13[%get3A_480, %get3A_481] {strides = array<i32>} : memref<8x2048xf32, #tpu.memory_space<vmem>>, vector<16xf32>,
        %get3A_483 = arith.index_cast %select_n3A_396 : i32 to index
        %get3A_484 = arith.index_cast %add3A_479 : i32 to index
        %get3A_485 = tpu.vector_load %arg14[%get3A_483, %get3A_484] {strides = array<i32>} : memref<8x2048xf32, #tpu.memory_space<vmem>>, vector<16xf32>,
        %sub3A_486 = arith.subf %get3A_482, %get3A_485 : vector<16xf32>
        %mul3A_487 = arith.mulf %sub3A_486, %sub3A_486 : vector<16xf32>
        %add3A_488 = arith.addf %scan3A_370, %mul3A_487 : vector<16xf32>
        %mul3A_489 = arith.constant 256 : i32
        %mul3A_490 = arith.muli %select_n3A_411, %mul3A_489 : i32
        %add3A_491 = arith.constant 96 : i32
        %add3A_492 = arith.addi %mul3A_490, %add3A_491 : i32
        %get3A_493 = arith.index_cast %select_n3A_396 : i32 to index
        %get3A_494 = arith.index_cast %add3A_492 : i32 to index
        %get3A_495 = tpu.vector_load %arg13[%get3A_493, %get3A_494] {strides = array<i32>} : memref<8x2048xf32, #tpu.memory_space<vmem>>, vector<16xf32>,
        %get3A_496 = arith.index_cast %select_n3A_396 : i32 to index
        %get3A_497 = arith.index_cast %add3A_492 : i32 to index
        %get3A_498 = tpu.vector_load %arg14[%get3A_496, %get3A_497] {strides = array<i32>} : memref<8x2048xf32, #tpu.memory_space<vmem>>, vector<16xf32>,
        %sub3A_499 = arith.subf %get3A_495, %get3A_498 : vector<16xf32>
        %mul3A_500 = arith.mulf %sub3A_499, %sub3A_499 : vector<16xf32>
        %add3A_501 = arith.addf %scan3A_371, %mul3A_500 : vector<16xf32>
        %mul3A_502 = arith.constant 256 : i32
        %mul3A_503 = arith.muli %select_n3A_411, %mul3A_502 : i32
        %add3A_504 = arith.constant 112 : i32
        %add3A_505 = arith.addi %mul3A_503, %add3A_504 : i32
        %get3A_506 = arith.index_cast %select_n3A_396 : i32 to index
        %get3A_507 = arith.index_cast %add3A_505 : i32 to index
        %get3A_508 = tpu.vector_load %arg13[%get3A_506, %get3A_507] {strides = array<i32>} : memref<8x2048xf32, #tpu.memory_space<vmem>>, vector<16xf32>,
        %get3A_509 = arith.index_cast %select_n3A_396 : i32 to index
        %get3A_510 = arith.index_cast %add3A_505 : i32 to index
        %get3A_511 = tpu.vector_load %arg14[%get3A_509, %get3A_510] {strides = array<i32>} : memref<8x2048xf32, #tpu.memory_space<vmem>>, vector<16xf32>,
        %sub3A_512 = arith.subf %get3A_508, %get3A_511 : vector<16xf32>
        %mul3A_513 = arith.mulf %sub3A_512, %sub3A_512 : vector<16xf32>
        %add3A_514 = arith.addf %scan3A_372, %mul3A_513 : vector<16xf32>
        %mul3A_515 = arith.constant 256 : i32
        %mul3A_516 = arith.muli %select_n3A_411, %mul3A_515 : i32
        %add3A_517 = arith.constant 128 : i32
        %add3A_518 = arith.addi %mul3A_516, %add3A_517 : i32
        %get3A_519 = arith.index_cast %select_n3A_396 : i32 to index
        %get3A_520 = arith.index_cast %add3A_518 : i32 to index
        %get3A_521 = tpu.vector_load %arg13[%get3A_519, %get3A_520] {strides = array<i32>} : memref<8x2048xf32, #tpu.memory_space<vmem>>, vector<16xf32>,
        %get3A_522 = arith.index_cast %select_n3A_396 : i32 to index
        %get3A_523 = arith.index_cast %add3A_518 : i32 to index
        %get3A_524 = tpu.vector_load %arg14[%get3A_522, %get3A_523] {strides = array<i32>} : memref<8x2048xf32, #tpu.memory_space<vmem>>, vector<16xf32>,
        %sub3A_525 = arith.subf %get3A_521, %get3A_524 : vector<16xf32>
        %mul3A_526 = arith.mulf %sub3A_525, %sub3A_525 : vector<16xf32>
        %add3A_527 = arith.addf %add3A_423, %mul3A_526 : vector<16xf32>
        %mul3A_528 = arith.constant 256 : i32
        %mul3A_529 = arith.muli %select_n3A_411, %mul3A_528 : i32
        %add3A_530 = arith.constant 144 : i32
        %add3A_531 = arith.addi %mul3A_529, %add3A_530 : i32
        %get3A_532 = arith.index_cast %select_n3A_396 : i32 to index
        %get3A_533 = arith.index_cast %add3A_531 : i32 to index
        %get3A_534 = tpu.vector_load %arg13[%get3A_532, %get3A_533] {strides = array<i32>} : memref<8x2048xf32, #tpu.memory_space<vmem>>, vector<16xf32>,
        %get3A_535 = arith.index_cast %select_n3A_396 : i32 to index
        %get3A_536 = arith.index_cast %add3A_531 : i32 to index
        %get3A_537 = tpu.vector_load %arg14[%get3A_535, %get3A_536] {strides = array<i32>} : memref<8x2048xf32, #tpu.memory_space<vmem>>, vector<16xf32>,
        %sub3A_538 = arith.subf %get3A_534, %get3A_537 : vector<16xf32>
        %mul3A_539 = arith.mulf %sub3A_538, %sub3A_538 : vector<16xf32>
        %add3A_540 = arith.addf %add3A_436, %mul3A_539 : vector<16xf32>
        %mul3A_541 = arith.constant 256 : i32
        %mul3A_542 = arith.muli %select_n3A_411, %mul3A_541 : i32
        %add3A_543 = arith.constant 160 : i32
        %add3A_544 = arith.addi %mul3A_542, %add3A_543 : i32
        %get3A_545 = arith.index_cast %select_n3A_396 : i32 to index
        %get3A_546 = arith.index_cast %add3A_544 : i32 to index
        %get3A_547 = tpu.vector_load %arg13[%get3A_545, %get3A_546] {strides = array<i32>} : memref<8x2048xf32, #tpu.memory_space<vmem>>, vector<16xf32>,
        %get3A_548 = arith.index_cast %select_n3A_396 : i32 to index
        %get3A_549 = arith.index_cast %add3A_544 : i32 to index
        %get3A_550 = tpu.vector_load %arg14[%get3A_548, %get3A_549] {strides = array<i32>} : memref<8x2048xf32, #tpu.memory_space<vmem>>, vector<16xf32>,
        %sub3A_551 = arith.subf %get3A_547, %get3A_550 : vector<16xf32>
        %mul3A_552 = arith.mulf %sub3A_551, %sub3A_551 : vector<16xf32>
        %add3A_553 = arith.addf %add3A_449, %mul3A_552 : vector<16xf32>
        %mul3A_554 = arith.constant 256 : i32
        %mul3A_555 = arith.muli %select_n3A_411, %mul3A_554 : i32
        %add3A_556 = arith.constant 176 : i32
        %add3A_557 = arith.addi %mul3A_555, %add3A_556 : i32
        %get3A_558 = arith.index_cast %select_n3A_396 : i32 to index
        %get3A_559 = arith.index_cast %add3A_557 : i32 to index
        %get3A_560 = tpu.vector_load %arg13[%get3A_558, %get3A_559] {strides = array<i32>} : memref<8x2048xf32, #tpu.memory_space<vmem>>, vector<16xf32>,
        %get3A_561 = arith.index_cast %select_n3A_396 : i32 to index
        %get3A_562 = arith.index_cast %add3A_557 : i32 to index
        %get3A_563 = tpu.vector_load %arg14[%get3A_561, %get3A_562] {strides = array<i32>} : memref<8x2048xf32, #tpu.memory_space<vmem>>, vector<16xf32>,
        %sub3A_564 = arith.subf %get3A_560, %get3A_563 : vector<16xf32>
        %mul3A_565 = arith.mulf %sub3A_564, %sub3A_564 : vector<16xf32>
        %add3A_566 = arith.addf %add3A_462, %mul3A_565 : vector<16xf32>
        %mul3A_567 = arith.constant 256 : i32
        %mul3A_568 = arith.muli %select_n3A_411, %mul3A_567 : i32
        %add3A_569 = arith.constant 192 : i32
        %add3A_570 = arith.addi %mul3A_568, %add3A_569 : i32
        %get3A_571 = arith.index_cast %select_n3A_396 : i32 to index
        %get3A_572 = arith.index_cast %add3A_570 : i32 to index
        %get3A_573 = tpu.vector_load %arg13[%get3A_571, %get3A_572] {strides = array<i32>} : memref<8x2048xf32, #tpu.memory_space<vmem>>, vector<16xf32>,
        %get3A_574 = arith.index_cast %select_n3A_396 : i32 to index
        %get3A_575 = arith.index_cast %add3A_570 : i32 to index
        %get3A_576 = tpu.vector_load %arg14[%get3A_574, %get3A_575] {strides = array<i32>} : memref<8x2048xf32, #tpu.memory_space<vmem>>, vector<16xf32>,
        %sub3A_577 = arith.subf %get3A_573, %get3A_576 : vector<16xf32>
        %mul3A_578 = arith.mulf %sub3A_577, %sub3A_577 : vector<16xf32>
        %add3A_579 = arith.addf %add3A_475, %mul3A_578 : vector<16xf32>
        %mul3A_580 = arith.constant 256 : i32
        %mul3A_581 = arith.muli %select_n3A_411, %mul3A_580 : i32
        %add3A_582 = arith.constant 208 : i32
        %add3A_583 = arith.addi %mul3A_581, %add3A_582 : i32
        %get3A_584 = arith.index_cast %select_n3A_396 : i32 to index
        %get3A_585 = arith.index_cast %add3A_583 : i32 to index
        %get3A_586 = tpu.vector_load %arg13[%get3A_584, %get3A_585] {strides = array<i32>} : memref<8x2048xf32, #tpu.memory_space<vmem>>, vector<16xf32>,
        %get3A_587 = arith.index_cast %select_n3A_396 : i32 to index
        %get3A_588 = arith.index_cast %add3A_583 : i32 to index
        %get3A_589 = tpu.vector_load %arg14[%get3A_587, %get3A_588] {strides = array<i32>} : memref<8x2048xf32, #tpu.memory_space<vmem>>, vector<16xf32>,
        %sub3A_590 = arith.subf %get3A_586, %get3A_589 : vector<16xf32>
        %mul3A_591 = arith.mulf %sub3A_590, %sub3A_590 : vector<16xf32>
        %add3A_592 = arith.addf %add3A_488, %mul3A_591 : vector<16xf32>
        %mul3A_593 = arith.constant 256 : i32
        %mul3A_594 = arith.muli %select_n3A_411, %mul3A_593 : i32
        %add3A_595 = arith.constant 224 : i32
        %add3A_596 = arith.addi %mul3A_594, %add3A_595 : i32
        %get3A_597 = arith.index_cast %select_n3A_396 : i32 to index
        %get3A_598 = arith.index_cast %add3A_596 : i32 to index
        %get3A_599 = tpu.vector_load %arg13[%get3A_597, %get3A_598] {strides = array<i32>} : memref<8x2048xf32, #tpu.memory_space<vmem>>, vector<16xf32>,
        %get3A_600 = arith.index_cast %select_n3A_396 : i32 to index
        %get3A_601 = arith.index_cast %add3A_596 : i32 to index
        %get3A_602 = tpu.vector_load %arg14[%get3A_600, %get3A_601] {strides = array<i32>} : memref<8x2048xf32, #tpu.memory_space<vmem>>, vector<16xf32>,
        %sub3A_603 = arith.subf %get3A_599, %get3A_602 : vector<16xf32>
        %mul3A_604 = arith.mulf %sub3A_603, %sub3A_603 : vector<16xf32>
        %add3A_605 = arith.addf %add3A_501, %mul3A_604 : vector<16xf32>
        %mul3A_606 = arith.constant 256 : i32
        %mul3A_607 = arith.muli %select_n3A_411, %mul3A_606 : i32
        %add3A_608 = arith.constant 240 : i32
        %add3A_609 = arith.addi %mul3A_607, %add3A_608 : i32
        %get3A_610 = arith.index_cast %select_n3A_396 : i32 to index
        %get3A_611 = arith.index_cast %add3A_609 : i32 to index
        %get3A_612 = tpu.vector_load %arg13[%get3A_610, %get3A_611] {strides = array<i32>} : memref<8x2048xf32, #tpu.memory_space<vmem>>, vector<16xf32>,
        %get3A_613 = arith.index_cast %select_n3A_396 : i32 to index
        %get3A_614 = arith.index_cast %add3A_609 : i32 to index
        %get3A_615 = tpu.vector_load %arg14[%get3A_613, %get3A_614] {strides = array<i32>} : memref<8x2048xf32, #tpu.memory_space<vmem>>, vector<16xf32>,
        %sub3A_616 = arith.subf %get3A_612, %get3A_615 : vector<16xf32>
        %mul3A_617 = arith.mulf %sub3A_616, %sub3A_616 : vector<16xf32>
        %add3A_618 = arith.addf %add3A_514, %mul3A_617 : vector<16xf32>
        scf.yield %add3A_527, %add3A_540, %add3A_553, %add3A_566, %add3A_579, %add3A_592, %add3A_605, %add3A_618 : vector<16xf32>, vector<16xf32>, vector<16xf32>, vector<16xf32>, vector<16xf32>, vector<16xf32>, vector<16xf32>, vector<16xf32>
      }
      %scan3A_357 = arith.constant 64 : i32
      %add3A_358 = arith.constant 3 : i32
      %add3A_359 = arith.addi %add3A_341, %add3A_358 : i32
      %lt3A_360 = arith.cmpi slt, %add3A_359, %mul3A_223 : i32
      %convert_element_type3A_361 = arith.extui %lt3A_360 : i1 to i32
      %cond3A_362 = arith.constant 0 : i32
      %cond3A_363 = arith.cmpi ne, %convert_element_type3A_361, %cond3A_362 : i32
      scf.if %cond3A_363 {
        %add3A_364 = arith.constant 3 : i32
        %add3A_365 = arith.addi %add3A_341, %add3A_364 : i32
        %mul3A_366 = arith.constant 8 : i32
        %mul3A_367 = arith.muli %add3A_365, %mul3A_366 : i32
        %dma_start3A = tpu.memref_slice %arg8[%mul3A_367] : memref<544xi32, #tpu.memory_space<vmem>> -> memref<8xi32, #tpu.memory_space<vmem>>
        %dma_start3A_368 = arith.constant 0 : i32
        %dma_start3A_369 = arith.constant 0 : i32
        %dma_start3A_370 = tpu.memref_slice %arg2[%dma_start3A_368, %dma_start3A_369] : memref<16384x2048xf32, #tpu.memory_space<hbm>> -> memref<16384x2048xf32, #tpu.memory_space<hbm>>
        tpu.enqueue_indirect_dma source(%dma_start3A_370 : memref<16384x2048xf32, #tpu.memory_space<hbm>>) target(%arg13 : memref<8x2048xf32, #tpu.memory_space<vmem>>) offsets(%dma_start3A : memref<8xi32, #tpu.memory_space<vmem>>) semaphore(%arg18 : memref<!tpu.dma_semaphore, #tpu.memory_space<semaphore_mem>>)
        %dma_start3A_371 = tpu.memref_slice %arg8[%mul3A_367] : memref<544xi32, #tpu.memory_space<vmem>> -> memref<8xi32, #tpu.memory_space<vmem>>
        %dma_start3A_372 = arith.constant 0 : i32
        %dma_start3A_373 = arith.constant 0 : i32
        %dma_start3A_374 = tpu.memref_slice %arg3[%dma_start3A_372, %dma_start3A_373] : memref<16384x2048xf32, #tpu.memory_space<hbm>> -> memref<16384x2048xf32, #tpu.memory_space<hbm>>
        tpu.enqueue_indirect_dma source(%dma_start3A_374 : memref<16384x2048xf32, #tpu.memory_space<hbm>>) target(%arg14 : memref<8x2048xf32, #tpu.memory_space<vmem>>) offsets(%dma_start3A_371 : memref<8xi32, #tpu.memory_space<vmem>>) semaphore(%arg18 : memref<!tpu.dma_semaphore, #tpu.memory_space<semaphore_mem>>)
      } else {
      }
      scf.yield %scan3A_356#0, %scan3A_356#1, %scan3A_356#2, %scan3A_356#3, %scan3A_356#4, %scan3A_356#5, %scan3A_356#6, %scan3A_356#7 : vector<16xf32>, vector<16xf32>, vector<16xf32>, vector<16xf32>, vector<16xf32>, vector<16xf32>, vector<16xf32>, vector<16xf32>
    }
    %while3A_247 = arith.constant 1 : i32
    %while3A_248:8 = scf.for %while3A_279 = %while3A_244 to %while3A_240 step %while3A_247 iter_args(%while3A_280 = %while3A_246#0, %while3A_281 = %while3A_246#1, %while3A_282 = %while3A_246#2, %while3A_283 = %while3A_246#3, %while3A_284 = %while3A_246#4, %while3A_285 = %while3A_246#5, %while3A_286 = %while3A_246#6, %while3A_287 = %while3A_246#7) -> (vector<16xf32>, vector<16xf32>, vector<16xf32>, vector<16xf32>, vector<16xf32>, vector<16xf32>, vector<16xf32>, vector<16xf32>)  : i32 {
      %mul3A_288 = arith.constant 3 : i32
      %mul3A_289 = arith.muli %mul3A_288, %while3A_279 : i32
      %add3A_290 = arith.constant 0 : i32
      %add3A_291 = arith.addi %mul3A_289, %add3A_290 : i32
      %dma_wait3A = arith.constant 0 : i32
      %dma_wait3A_292 = tpu.memref_slice %arg8[%dma_wait3A] : memref<544xi32, #tpu.memory_space<vmem>> -> memref<8xi32, #tpu.memory_space<vmem>>
      %dma_wait3A_293 = arith.constant 0 : i32
      %dma_wait3A_294 = arith.constant 0 : i32
      %dma_wait3A_295 = tpu.memref_slice %arg2[%dma_wait3A_293, %dma_wait3A_294] : memref<16384x2048xf32, #tpu.memory_space<hbm>> -> memref<16384x2048xf32, #tpu.memory_space<hbm>>
      tpu.wait_indirect_dma semaphore(%arg16 : memref<!tpu.dma_semaphore, #tpu.memory_space<semaphore_mem>>) src(%dma_wait3A_295 : memref<16384x2048xf32, #tpu.memory_space<hbm>>) dst(%arg9 : memref<8x2048xf32, #tpu.memory_space<vmem>>)
      %dma_wait3A_296 = arith.constant 0 : i32
      %dma_wait3A_297 = tpu.memref_slice %arg8[%dma_wait3A_296] : memref<544xi32, #tpu.memory_space<vmem>> -> memref<8xi32, #tpu.memory_space<vmem>>
      %dma_wait3A_298 = arith.constant 0 : i32
      %dma_wait3A_299 = arith.constant 0 : i32
      %dma_wait3A_300 = tpu.memref_slice %arg3[%dma_wait3A_298, %dma_wait3A_299] : memref<16384x2048xf32, #tpu.memory_space<hbm>> -> memref<16384x2048xf32, #tpu.memory_space<hbm>>
      tpu.wait_indirect_dma semaphore(%arg16 : memref<!tpu.dma_semaphore, #tpu.memory_space<semaphore_mem>>) src(%dma_wait3A_300 : memref<16384x2048xf32, #tpu.memory_space<hbm>>) dst(%arg10 : memref<8x2048xf32, #tpu.memory_space<vmem>>)
      %scan3A_301 = arith.constant 0 : i32
      %scan3A_302 = arith.constant 64 : i32
      %scan3A_303 = arith.addi %scan3A_301, %scan3A_302 : i32
      %scan3A_304 = arith.constant 1 : i32
      %scan3A_305:8 = scf.for %scan3A_364 = %scan3A_301 to %scan3A_303 step %scan3A_304 iter_args(%scan3A_365 = %while3A_280, %scan3A_366 = %while3A_281, %scan3A_367 = %while3A_282, %scan3A_368 = %while3A_283, %scan3A_369 = %while3A_284, %scan3A_370 = %while3A_285, %scan3A_371 = %while3A_286, %scan3A_372 = %while3A_287) -> (vector<16xf32>, vector<16xf32>, vector<16xf32>, vector<16xf32>, vector<16xf32>, vector<16xf32>, vector<16xf32>, vector<16xf32>)  : i32 {
        %jit3A_373 = arith.constant 8 : i32
        %div3A_374 = arith.divsi %scan3A_364, %jit3A_373 : i32
        %sign3A_375 = arith.constant 0 : i32
        %sign3A_376 = arith.cmpi sgt, %scan3A_364, %sign3A_375 : i32
        %sign3A_377 = arith.extui %sign3A_376 : i1 to i32
        %sign3A_378 = arith.constant 0 : i32
        %sign3A_379 = arith.cmpi slt, %scan3A_364, %sign3A_378 : i32
        %sign3A_380 = arith.extui %sign3A_379 : i1 to i32
        %sign3A_381 = arith.subi %sign3A_377, %sign3A_380 : i32
        %sign3A_382 = arith.constant 0 : i32
        %sign3A_383 = arith.cmpi sgt, %jit3A_373, %sign3A_382 : i32
        %sign3A_384 = arith.extui %sign3A_383 : i1 to i32
        %sign3A_385 = arith.constant 0 : i32
        %sign3A_386 = arith.cmpi slt, %jit3A_373, %sign3A_385 : i32
        %sign3A_387 = arith.extui %sign3A_386 : i1 to i32
        %sign3A_388 = arith.subi %sign3A_384, %sign3A_387 : i32
        %ne3A_389 = arith.cmpi ne, %sign3A_381, %sign3A_388 : i32
        %rem3A_390 = arith.remsi %scan3A_364, %jit3A_373 : i32
        %ne3A_391 = arith.constant 0 : i32
        %ne3A_392 = arith.cmpi ne, %rem3A_390, %ne3A_391 : i32
        %and3A_393 = arith.andi %ne3A_389, %ne3A_392 : i1
        %sub3A_394 = arith.constant 1 : i32
        %sub3A_395 = arith.subi %div3A_374, %sub3A_394 : i32
        %select_n3A_396 = arith.select %and3A_393, %sub3A_395, %div3A_374 : i32
        %jit3A_397 = arith.constant 8 : i32
        %eq3A = arith.constant 0 : i32
        %eq3A_398 = arith.cmpi eq, %jit3A_397, %eq3A : i32
        %jit3A_399 = arith.constant 1 : i32
        %select_n3A_400 = arith.select %eq3A_398, %jit3A_399, %jit3A_397 : i32
        %rem3A_401 = arith.remsi %scan3A_364, %select_n3A_400 : i32
        %ne3A_402 = arith.constant 0 : i32
        %ne3A_403 = arith.cmpi ne, %rem3A_401, %ne3A_402 : i32
        %lt3A_404 = arith.constant 0 : i32
        %lt3A_405 = arith.cmpi slt, %rem3A_401, %lt3A_404 : i32
        %lt3A_406 = arith.constant 0 : i32
        %lt3A_407 = arith.cmpi slt, %select_n3A_400, %lt3A_406 : i32
        %ne3A_408 = arith.xori %lt3A_405, %lt3A_407 : i1
        %and3A_409 = arith.andi %ne3A_408, %ne3A_403 : i1
        %add3A_410 = arith.addi %rem3A_401, %select_n3A_400 : i32
        %select_n3A_411 = arith.select %and3A_409, %add3A_410, %rem3A_401 : i32
        %mul3A_412 = arith.constant 256 : i32
        %mul3A_413 = arith.muli %select_n3A_411, %mul3A_412 : i32
        %add3A_414 = arith.constant 0 : i32
        %add3A_415 = arith.addi %mul3A_413, %add3A_414 : i32
        %get3A = arith.index_cast %select_n3A_396 : i32 to index
        %get3A_416 = arith.index_cast %add3A_415 : i32 to index
        %get3A_417 = tpu.vector_load %arg9[%get3A, %get3A_416] {strides = array<i32>} : memref<8x2048xf32, #tpu.memory_space<vmem>>, vector<16xf32>,
        %get3A_418 = arith.index_cast %select_n3A_396 : i32 to index
        %get3A_419 = arith.index_cast %add3A_415 : i32 to index
        %get3A_420 = tpu.vector_load %arg10[%get3A_418, %get3A_419] {strides = array<i32>} : memref<8x2048xf32, #tpu.memory_space<vmem>>, vector<16xf32>,
        %sub3A_421 = arith.subf %get3A_417, %get3A_420 : vector<16xf32>
        %mul3A_422 = arith.mulf %sub3A_421, %sub3A_421 : vector<16xf32>
        %add3A_423 = arith.addf %scan3A_365, %mul3A_422 : vector<16xf32>
        %mul3A_424 = arith.constant 256 : i32
        %mul3A_425 = arith.muli %select_n3A_411, %mul3A_424 : i32
        %add3A_426 = arith.constant 16 : i32
        %add3A_427 = arith.addi %mul3A_425, %add3A_426 : i32
        %get3A_428 = arith.index_cast %select_n3A_396 : i32 to index
        %get3A_429 = arith.index_cast %add3A_427 : i32 to index
        %get3A_430 = tpu.vector_load %arg9[%get3A_428, %get3A_429] {strides = array<i32>} : memref<8x2048xf32, #tpu.memory_space<vmem>>, vector<16xf32>,
        %get3A_431 = arith.index_cast %select_n3A_396 : i32 to index
        %get3A_432 = arith.index_cast %add3A_427 : i32 to index
        %get3A_433 = tpu.vector_load %arg10[%get3A_431, %get3A_432] {strides = array<i32>} : memref<8x2048xf32, #tpu.memory_space<vmem>>, vector<16xf32>,
        %sub3A_434 = arith.subf %get3A_430, %get3A_433 : vector<16xf32>
        %mul3A_435 = arith.mulf %sub3A_434, %sub3A_434 : vector<16xf32>
        %add3A_436 = arith.addf %scan3A_366, %mul3A_435 : vector<16xf32>
        %mul3A_437 = arith.constant 256 : i32
        %mul3A_438 = arith.muli %select_n3A_411, %mul3A_437 : i32
        %add3A_439 = arith.constant 32 : i32
        %add3A_440 = arith.addi %mul3A_438, %add3A_439 : i32
        %get3A_441 = arith.index_cast %select_n3A_396 : i32 to index
        %get3A_442 = arith.index_cast %add3A_440 : i32 to index
        %get3A_443 = tpu.vector_load %arg9[%get3A_441, %get3A_442] {strides = array<i32>} : memref<8x2048xf32, #tpu.memory_space<vmem>>, vector<16xf32>,
        %get3A_444 = arith.index_cast %select_n3A_396 : i32 to index
        %get3A_445 = arith.index_cast %add3A_440 : i32 to index
        %get3A_446 = tpu.vector_load %arg10[%get3A_444, %get3A_445] {strides = array<i32>} : memref<8x2048xf32, #tpu.memory_space<vmem>>, vector<16xf32>,
        %sub3A_447 = arith.subf %get3A_443, %get3A_446 : vector<16xf32>
        %mul3A_448 = arith.mulf %sub3A_447, %sub3A_447 : vector<16xf32>
        %add3A_449 = arith.addf %scan3A_367, %mul3A_448 : vector<16xf32>
        %mul3A_450 = arith.constant 256 : i32
        %mul3A_451 = arith.muli %select_n3A_411, %mul3A_450 : i32
        %add3A_452 = arith.constant 48 : i32
        %add3A_453 = arith.addi %mul3A_451, %add3A_452 : i32
        %get3A_454 = arith.index_cast %select_n3A_396 : i32 to index
        %get3A_455 = arith.index_cast %add3A_453 : i32 to index
        %get3A_456 = tpu.vector_load %arg9[%get3A_454, %get3A_455] {strides = array<i32>} : memref<8x2048xf32, #tpu.memory_space<vmem>>, vector<16xf32>,
        %get3A_457 = arith.index_cast %select_n3A_396 : i32 to index
        %get3A_458 = arith.index_cast %add3A_453 : i32 to index
        %get3A_459 = tpu.vector_load %arg10[%get3A_457, %get3A_458] {strides = array<i32>} : memref<8x2048xf32, #tpu.memory_space<vmem>>, vector<16xf32>,
        %sub3A_460 = arith.subf %get3A_456, %get3A_459 : vector<16xf32>
        %mul3A_461 = arith.mulf %sub3A_460, %sub3A_460 : vector<16xf32>
        %add3A_462 = arith.addf %scan3A_368, %mul3A_461 : vector<16xf32>
        %mul3A_463 = arith.constant 256 : i32
        %mul3A_464 = arith.muli %select_n3A_411, %mul3A_463 : i32
        %add3A_465 = arith.constant 64 : i32
        %add3A_466 = arith.addi %mul3A_464, %add3A_465 : i32
        %get3A_467 = arith.index_cast %select_n3A_396 : i32 to index
        %get3A_468 = arith.index_cast %add3A_466 : i32 to index
        %get3A_469 = tpu.vector_load %arg9[%get3A_467, %get3A_468] {strides = array<i32>} : memref<8x2048xf32, #tpu.memory_space<vmem>>, vector<16xf32>,
        %get3A_470 = arith.index_cast %select_n3A_396 : i32 to index
        %get3A_471 = arith.index_cast %add3A_466 : i32 to index
        %get3A_472 = tpu.vector_load %arg10[%get3A_470, %get3A_471] {strides = array<i32>} : memref<8x2048xf32, #tpu.memory_space<vmem>>, vector<16xf32>,
        %sub3A_473 = arith.subf %get3A_469, %get3A_472 : vector<16xf32>
        %mul3A_474 = arith.mulf %sub3A_473, %sub3A_473 : vector<16xf32>
        %add3A_475 = arith.addf %scan3A_369, %mul3A_474 : vector<16xf32>
        %mul3A_476 = arith.constant 256 : i32
        %mul3A_477 = arith.muli %select_n3A_411, %mul3A_476 : i32
        %add3A_478 = arith.constant 80 : i32
        %add3A_479 = arith.addi %mul3A_477, %add3A_478 : i32
        %get3A_480 = arith.index_cast %select_n3A_396 : i32 to index
        %get3A_481 = arith.index_cast %add3A_479 : i32 to index
        %get3A_482 = tpu.vector_load %arg9[%get3A_480, %get3A_481] {strides = array<i32>} : memref<8x2048xf32, #tpu.memory_space<vmem>>, vector<16xf32>,
        %get3A_483 = arith.index_cast %select_n3A_396 : i32 to index
        %get3A_484 = arith.index_cast %add3A_479 : i32 to index
        %get3A_485 = tpu.vector_load %arg10[%get3A_483, %get3A_484] {strides = array<i32>} : memref<8x2048xf32, #tpu.memory_space<vmem>>, vector<16xf32>,
        %sub3A_486 = arith.subf %get3A_482, %get3A_485 : vector<16xf32>
        %mul3A_487 = arith.mulf %sub3A_486, %sub3A_486 : vector<16xf32>
        %add3A_488 = arith.addf %scan3A_370, %mul3A_487 : vector<16xf32>
        %mul3A_489 = arith.constant 256 : i32
        %mul3A_490 = arith.muli %select_n3A_411, %mul3A_489 : i32
        %add3A_491 = arith.constant 96 : i32
        %add3A_492 = arith.addi %mul3A_490, %add3A_491 : i32
        %get3A_493 = arith.index_cast %select_n3A_396 : i32 to index
        %get3A_494 = arith.index_cast %add3A_492 : i32 to index
        %get3A_495 = tpu.vector_load %arg9[%get3A_493, %get3A_494] {strides = array<i32>} : memref<8x2048xf32, #tpu.memory_space<vmem>>, vector<16xf32>,
        %get3A_496 = arith.index_cast %select_n3A_396 : i32 to index
        %get3A_497 = arith.index_cast %add3A_492 : i32 to index
        %get3A_498 = tpu.vector_load %arg10[%get3A_496, %get3A_497] {strides = array<i32>} : memref<8x2048xf32, #tpu.memory_space<vmem>>, vector<16xf32>,
        %sub3A_499 = arith.subf %get3A_495, %get3A_498 : vector<16xf32>
        %mul3A_500 = arith.mulf %sub3A_499, %sub3A_499 : vector<16xf32>
        %add3A_501 = arith.addf %scan3A_371, %mul3A_500 : vector<16xf32>
        %mul3A_502 = arith.constant 256 : i32
        %mul3A_503 = arith.muli %select_n3A_411, %mul3A_502 : i32
        %add3A_504 = arith.constant 112 : i32
        %add3A_505 = arith.addi %mul3A_503, %add3A_504 : i32
        %get3A_506 = arith.index_cast %select_n3A_396 : i32 to index
        %get3A_507 = arith.index_cast %add3A_505 : i32 to index
        %get3A_508 = tpu.vector_load %arg9[%get3A_506, %get3A_507] {strides = array<i32>} : memref<8x2048xf32, #tpu.memory_space<vmem>>, vector<16xf32>,
        %get3A_509 = arith.index_cast %select_n3A_396 : i32 to index
        %get3A_510 = arith.index_cast %add3A_505 : i32 to index
        %get3A_511 = tpu.vector_load %arg10[%get3A_509, %get3A_510] {strides = array<i32>} : memref<8x2048xf32, #tpu.memory_space<vmem>>, vector<16xf32>,
        %sub3A_512 = arith.subf %get3A_508, %get3A_511 : vector<16xf32>
        %mul3A_513 = arith.mulf %sub3A_512, %sub3A_512 : vector<16xf32>
        %add3A_514 = arith.addf %scan3A_372, %mul3A_513 : vector<16xf32>
        %mul3A_515 = arith.constant 256 : i32
        %mul3A_516 = arith.muli %select_n3A_411, %mul3A_515 : i32
        %add3A_517 = arith.constant 128 : i32
        %add3A_518 = arith.addi %mul3A_516, %add3A_517 : i32
        %get3A_519 = arith.index_cast %select_n3A_396 : i32 to index
        %get3A_520 = arith.index_cast %add3A_518 : i32 to index
        %get3A_521 = tpu.vector_load %arg9[%get3A_519, %get3A_520] {strides = array<i32>} : memref<8x2048xf32, #tpu.memory_space<vmem>>, vector<16xf32>,
        %get3A_522 = arith.index_cast %select_n3A_396 : i32 to index
        %get3A_523 = arith.index_cast %add3A_518 : i32 to index
        %get3A_524 = tpu.vector_load %arg10[%get3A_522, %get3A_523] {strides = array<i32>} : memref<8x2048xf32, #tpu.memory_space<vmem>>, vector<16xf32>,
        %sub3A_525 = arith.subf %get3A_521, %get3A_524 : vector<16xf32>
        %mul3A_526 = arith.mulf %sub3A_525, %sub3A_525 : vector<16xf32>
        %add3A_527 = arith.addf %add3A_423, %mul3A_526 : vector<16xf32>
        %mul3A_528 = arith.constant 256 : i32
        %mul3A_529 = arith.muli %select_n3A_411, %mul3A_528 : i32
        %add3A_530 = arith.constant 144 : i32
        %add3A_531 = arith.addi %mul3A_529, %add3A_530 : i32
        %get3A_532 = arith.index_cast %select_n3A_396 : i32 to index
        %get3A_533 = arith.index_cast %add3A_531 : i32 to index
        %get3A_534 = tpu.vector_load %arg9[%get3A_532, %get3A_533] {strides = array<i32>} : memref<8x2048xf32, #tpu.memory_space<vmem>>, vector<16xf32>,
        %get3A_535 = arith.index_cast %select_n3A_396 : i32 to index
        %get3A_536 = arith.index_cast %add3A_531 : i32 to index
        %get3A_537 = tpu.vector_load %arg10[%get3A_535, %get3A_536] {strides = array<i32>} : memref<8x2048xf32, #tpu.memory_space<vmem>>, vector<16xf32>,
        %sub3A_538 = arith.subf %get3A_534, %get3A_537 : vector<16xf32>
        %mul3A_539 = arith.mulf %sub3A_538, %sub3A_538 : vector<16xf32>
        %add3A_540 = arith.addf %add3A_436, %mul3A_539 : vector<16xf32>
        %mul3A_541 = arith.constant 256 : i32
        %mul3A_542 = arith.muli %select_n3A_411, %mul3A_541 : i32
        %add3A_543 = arith.constant 160 : i32
        %add3A_544 = arith.addi %mul3A_542, %add3A_543 : i32
        %get3A_545 = arith.index_cast %select_n3A_396 : i32 to index
        %get3A_546 = arith.index_cast %add3A_544 : i32 to index
        %get3A_547 = tpu.vector_load %arg9[%get3A_545, %get3A_546] {strides = array<i32>} : memref<8x2048xf32, #tpu.memory_space<vmem>>, vector<16xf32>,
        %get3A_548 = arith.index_cast %select_n3A_396 : i32 to index
        %get3A_549 = arith.index_cast %add3A_544 : i32 to index
        %get3A_550 = tpu.vector_load %arg10[%get3A_548, %get3A_549] {strides = array<i32>} : memref<8x2048xf32, #tpu.memory_space<vmem>>, vector<16xf32>,
        %sub3A_551 = arith.subf %get3A_547, %get3A_550 : vector<16xf32>
        %mul3A_552 = arith.mulf %sub3A_551, %sub3A_551 : vector<16xf32>
        %add3A_553 = arith.addf %add3A_449, %mul3A_552 : vector<16xf32>
        %mul3A_554 = arith.constant 256 : i32
        %mul3A_555 = arith.muli %select_n3A_411, %mul3A_554 : i32
        %add3A_556 = arith.constant 176 : i32
        %add3A_557 = arith.addi %mul3A_555, %add3A_556 : i32
        %get3A_558 = arith.index_cast %select_n3A_396 : i32 to index
        %get3A_559 = arith.index_cast %add3A_557 : i32 to index
        %get3A_560 = tpu.vector_load %arg9[%get3A_558, %get3A_559] {strides = array<i32>} : memref<8x2048xf32, #tpu.memory_space<vmem>>, vector<16xf32>,
        %get3A_561 = arith.index_cast %select_n3A_396 : i32 to index
        %get3A_562 = arith.index_cast %add3A_557 : i32 to index
        %get3A_563 = tpu.vector_load %arg10[%get3A_561, %get3A_562] {strides = array<i32>} : memref<8x2048xf32, #tpu.memory_space<vmem>>, vector<16xf32>,
        %sub3A_564 = arith.subf %get3A_560, %get3A_563 : vector<16xf32>
        %mul3A_565 = arith.mulf %sub3A_564, %sub3A_564 : vector<16xf32>
        %add3A_566 = arith.addf %add3A_462, %mul3A_565 : vector<16xf32>
        %mul3A_567 = arith.constant 256 : i32
        %mul3A_568 = arith.muli %select_n3A_411, %mul3A_567 : i32
        %add3A_569 = arith.constant 192 : i32
        %add3A_570 = arith.addi %mul3A_568, %add3A_569 : i32
        %get3A_571 = arith.index_cast %select_n3A_396 : i32 to index
        %get3A_572 = arith.index_cast %add3A_570 : i32 to index
        %get3A_573 = tpu.vector_load %arg9[%get3A_571, %get3A_572] {strides = array<i32>} : memref<8x2048xf32, #tpu.memory_space<vmem>>, vector<16xf32>,
        %get3A_574 = arith.index_cast %select_n3A_396 : i32 to index
        %get3A_575 = arith.index_cast %add3A_570 : i32 to index
        %get3A_576 = tpu.vector_load %arg10[%get3A_574, %get3A_575] {strides = array<i32>} : memref<8x2048xf32, #tpu.memory_space<vmem>>, vector<16xf32>,
        %sub3A_577 = arith.subf %get3A_573, %get3A_576 : vector<16xf32>
        %mul3A_578 = arith.mulf %sub3A_577, %sub3A_577 : vector<16xf32>
        %add3A_579 = arith.addf %add3A_475, %mul3A_578 : vector<16xf32>
        %mul3A_580 = arith.constant 256 : i32
        %mul3A_581 = arith.muli %select_n3A_411, %mul3A_580 : i32
        %add3A_582 = arith.constant 208 : i32
        %add3A_583 = arith.addi %mul3A_581, %add3A_582 : i32
        %get3A_584 = arith.index_cast %select_n3A_396 : i32 to index
        %get3A_585 = arith.index_cast %add3A_583 : i32 to index
        %get3A_586 = tpu.vector_load %arg9[%get3A_584, %get3A_585] {strides = array<i32>} : memref<8x2048xf32, #tpu.memory_space<vmem>>, vector<16xf32>,
        %get3A_587 = arith.index_cast %select_n3A_396 : i32 to index
        %get3A_588 = arith.index_cast %add3A_583 : i32 to index
        %get3A_589 = tpu.vector_load %arg10[%get3A_587, %get3A_588] {strides = array<i32>} : memref<8x2048xf32, #tpu.memory_space<vmem>>, vector<16xf32>,
        %sub3A_590 = arith.subf %get3A_586, %get3A_589 : vector<16xf32>
        %mul3A_591 = arith.mulf %sub3A_590, %sub3A_590 : vector<16xf32>
        %add3A_592 = arith.addf %add3A_488, %mul3A_591 : vector<16xf32>
        %mul3A_593 = arith.constant 256 : i32
        %mul3A_594 = arith.muli %select_n3A_411, %mul3A_593 : i32
        %add3A_595 = arith.constant 224 : i32
        %add3A_596 = arith.addi %mul3A_594, %add3A_595 : i32
        %get3A_597 = arith.index_cast %select_n3A_396 : i32 to index
        %get3A_598 = arith.index_cast %add3A_596 : i32 to index
        %get3A_599 = tpu.vector_load %arg9[%get3A_597, %get3A_598] {strides = array<i32>} : memref<8x2048xf32, #tpu.memory_space<vmem>>, vector<16xf32>,
        %get3A_600 = arith.index_cast %select_n3A_396 : i32 to index
        %get3A_601 = arith.index_cast %add3A_596 : i32 to index
        %get3A_602 = tpu.vector_load %arg10[%get3A_600, %get3A_601] {strides = array<i32>} : memref<8x2048xf32, #tpu.memory_space<vmem>>, vector<16xf32>,
        %sub3A_603 = arith.subf %get3A_599, %get3A_602 : vector<16xf32>
        %mul3A_604 = arith.mulf %sub3A_603, %sub3A_603 : vector<16xf32>
        %add3A_605 = arith.addf %add3A_501, %mul3A_604 : vector<16xf32>
        %mul3A_606 = arith.constant 256 : i32
        %mul3A_607 = arith.muli %select_n3A_411, %mul3A_606 : i32
        %add3A_608 = arith.constant 240 : i32
        %add3A_609 = arith.addi %mul3A_607, %add3A_608 : i32
        %get3A_610 = arith.index_cast %select_n3A_396 : i32 to index
        %get3A_611 = arith.index_cast %add3A_609 : i32 to index
        %get3A_612 = tpu.vector_load %arg9[%get3A_610, %get3A_611] {strides = array<i32>} : memref<8x2048xf32, #tpu.memory_space<vmem>>, vector<16xf32>,
        %get3A_613 = arith.index_cast %select_n3A_396 : i32 to index
        %get3A_614 = arith.index_cast %add3A_609 : i32 to index
        %get3A_615 = tpu.vector_load %arg10[%get3A_613, %get3A_614] {strides = array<i32>} : memref<8x2048xf32, #tpu.memory_space<vmem>>, vector<16xf32>,
        %sub3A_616 = arith.subf %get3A_612, %get3A_615 : vector<16xf32>
        %mul3A_617 = arith.mulf %sub3A_616, %sub3A_616 : vector<16xf32>
        %add3A_618 = arith.addf %add3A_514, %mul3A_617 : vector<16xf32>
        scf.yield %add3A_527, %add3A_540, %add3A_553, %add3A_566, %add3A_579, %add3A_592, %add3A_605, %add3A_618 : vector<16xf32>, vector<16xf32>, vector<16xf32>, vector<16xf32>, vector<16xf32>, vector<16xf32>, vector<16xf32>, vector<16xf32>
      }
      %scan3A_306 = arith.constant 64 : i32
      %add3A_307 = arith.constant 3 : i32
      %add3A_308 = arith.addi %add3A_291, %add3A_307 : i32
      %lt3A = arith.cmpi slt, %add3A_308, %mul3A_223 : i32
      %convert_element_type3A_309 = arith.extui %lt3A : i1 to i32
      %cond3A_310 = arith.constant 0 : i32
      %cond3A_311 = arith.cmpi ne, %convert_element_type3A_309, %cond3A_310 : i32
      scf.if %cond3A_311 {
        %add3A_364 = arith.constant 3 : i32
        %add3A_365 = arith.addi %add3A_291, %add3A_364 : i32
        %mul3A_366 = arith.constant 8 : i32
        %mul3A_367 = arith.muli %add3A_365, %mul3A_366 : i32
        %dma_start3A = tpu.memref_slice %arg8[%mul3A_367] : memref<544xi32, #tpu.memory_space<vmem>> -> memref<8xi32, #tpu.memory_space<vmem>>
        %dma_start3A_368 = arith.constant 0 : i32
        %dma_start3A_369 = arith.constant 0 : i32
        %dma_start3A_370 = tpu.memref_slice %arg2[%dma_start3A_368, %dma_start3A_369] : memref<16384x2048xf32, #tpu.memory_space<hbm>> -> memref<16384x2048xf32, #tpu.memory_space<hbm>>
        tpu.enqueue_indirect_dma source(%dma_start3A_370 : memref<16384x2048xf32, #tpu.memory_space<hbm>>) target(%arg9 : memref<8x2048xf32, #tpu.memory_space<vmem>>) offsets(%dma_start3A : memref<8xi32, #tpu.memory_space<vmem>>) semaphore(%arg16 : memref<!tpu.dma_semaphore, #tpu.memory_space<semaphore_mem>>)
        %dma_start3A_371 = tpu.memref_slice %arg8[%mul3A_367] : memref<544xi32, #tpu.memory_space<vmem>> -> memref<8xi32, #tpu.memory_space<vmem>>
        %dma_start3A_372 = arith.constant 0 : i32
        %dma_start3A_373 = arith.constant 0 : i32
        %dma_start3A_374 = tpu.memref_slice %arg3[%dma_start3A_372, %dma_start3A_373] : memref<16384x2048xf32, #tpu.memory_space<hbm>> -> memref<16384x2048xf32, #tpu.memory_space<hbm>>
        tpu.enqueue_indirect_dma source(%dma_start3A_374 : memref<16384x2048xf32, #tpu.memory_space<hbm>>) target(%arg10 : memref<8x2048xf32, #tpu.memory_space<vmem>>) offsets(%dma_start3A_371 : memref<8xi32, #tpu.memory_space<vmem>>) semaphore(%arg16 : memref<!tpu.dma_semaphore, #tpu.memory_space<semaphore_mem>>)
      } else {
      }
      %mul3A_312 = arith.constant 3 : i32
      %mul3A_313 = arith.muli %mul3A_312, %while3A_279 : i32
      %add3A_314 = arith.constant 1 : i32
      %add3A_315 = arith.addi %mul3A_313, %add3A_314 : i32
      %dma_wait3A_316 = arith.constant 0 : i32
      %dma_wait3A_317 = tpu.memref_slice %arg8[%dma_wait3A_316] : memref<544xi32, #tpu.memory_space<vmem>> -> memref<8xi32, #tpu.memory_space<vmem>>
      %dma_wait3A_318 = arith.constant 0 : i32
      %dma_wait3A_319 = arith.constant 0 : i32
      %dma_wait3A_320 = tpu.memref_slice %arg2[%dma_wait3A_318, %dma_wait3A_319] : memref<16384x2048xf32, #tpu.memory_space<hbm>> -> memref<16384x2048xf32, #tpu.memory_space<hbm>>
      tpu.wait_indirect_dma semaphore(%arg17 : memref<!tpu.dma_semaphore, #tpu.memory_space<semaphore_mem>>) src(%dma_wait3A_320 : memref<16384x2048xf32, #tpu.memory_space<hbm>>) dst(%arg11 : memref<8x2048xf32, #tpu.memory_space<vmem>>)
      %dma_wait3A_321 = arith.constant 0 : i32
      %dma_wait3A_322 = tpu.memref_slice %arg8[%dma_wait3A_321] : memref<544xi32, #tpu.memory_space<vmem>> -> memref<8xi32, #tpu.memory_space<vmem>>
      %dma_wait3A_323 = arith.constant 0 : i32
      %dma_wait3A_324 = arith.constant 0 : i32
      %dma_wait3A_325 = tpu.memref_slice %arg3[%dma_wait3A_323, %dma_wait3A_324] : memref<16384x2048xf32, #tpu.memory_space<hbm>> -> memref<16384x2048xf32, #tpu.memory_space<hbm>>
      tpu.wait_indirect_dma semaphore(%arg17 : memref<!tpu.dma_semaphore, #tpu.memory_space<semaphore_mem>>) src(%dma_wait3A_325 : memref<16384x2048xf32, #tpu.memory_space<hbm>>) dst(%arg12 : memref<8x2048xf32, #tpu.memory_space<vmem>>)
      %scan3A_326 = arith.constant 0 : i32
      %scan3A_327 = arith.constant 64 : i32
      %scan3A_328 = arith.addi %scan3A_326, %scan3A_327 : i32
      %scan3A_329 = arith.constant 1 : i32
      %scan3A_330:8 = scf.for %scan3A_364 = %scan3A_326 to %scan3A_328 step %scan3A_329 iter_args(%scan3A_365 = %scan3A_305#0, %scan3A_366 = %scan3A_305#1, %scan3A_367 = %scan3A_305#2, %scan3A_368 = %scan3A_305#3, %scan3A_369 = %scan3A_305#4, %scan3A_370 = %scan3A_305#5, %scan3A_371 = %scan3A_305#6, %scan3A_372 = %scan3A_305#7) -> (vector<16xf32>, vector<16xf32>, vector<16xf32>, vector<16xf32>, vector<16xf32>, vector<16xf32>, vector<16xf32>, vector<16xf32>)  : i32 {
        %jit3A_373 = arith.constant 8 : i32
        %div3A_374 = arith.divsi %scan3A_364, %jit3A_373 : i32
        %sign3A_375 = arith.constant 0 : i32
        %sign3A_376 = arith.cmpi sgt, %scan3A_364, %sign3A_375 : i32
        %sign3A_377 = arith.extui %sign3A_376 : i1 to i32
        %sign3A_378 = arith.constant 0 : i32
        %sign3A_379 = arith.cmpi slt, %scan3A_364, %sign3A_378 : i32
        %sign3A_380 = arith.extui %sign3A_379 : i1 to i32
        %sign3A_381 = arith.subi %sign3A_377, %sign3A_380 : i32
        %sign3A_382 = arith.constant 0 : i32
        %sign3A_383 = arith.cmpi sgt, %jit3A_373, %sign3A_382 : i32
        %sign3A_384 = arith.extui %sign3A_383 : i1 to i32
        %sign3A_385 = arith.constant 0 : i32
        %sign3A_386 = arith.cmpi slt, %jit3A_373, %sign3A_385 : i32
        %sign3A_387 = arith.extui %sign3A_386 : i1 to i32
        %sign3A_388 = arith.subi %sign3A_384, %sign3A_387 : i32
        %ne3A_389 = arith.cmpi ne, %sign3A_381, %sign3A_388 : i32
        %rem3A_390 = arith.remsi %scan3A_364, %jit3A_373 : i32
        %ne3A_391 = arith.constant 0 : i32
        %ne3A_392 = arith.cmpi ne, %rem3A_390, %ne3A_391 : i32
        %and3A_393 = arith.andi %ne3A_389, %ne3A_392 : i1
        %sub3A_394 = arith.constant 1 : i32
        %sub3A_395 = arith.subi %div3A_374, %sub3A_394 : i32
        %select_n3A_396 = arith.select %and3A_393, %sub3A_395, %div3A_374 : i32
        %jit3A_397 = arith.constant 8 : i32
        %eq3A = arith.constant 0 : i32
        %eq3A_398 = arith.cmpi eq, %jit3A_397, %eq3A : i32
        %jit3A_399 = arith.constant 1 : i32
        %select_n3A_400 = arith.select %eq3A_398, %jit3A_399, %jit3A_397 : i32
        %rem3A_401 = arith.remsi %scan3A_364, %select_n3A_400 : i32
        %ne3A_402 = arith.constant 0 : i32
        %ne3A_403 = arith.cmpi ne, %rem3A_401, %ne3A_402 : i32
        %lt3A_404 = arith.constant 0 : i32
        %lt3A_405 = arith.cmpi slt, %rem3A_401, %lt3A_404 : i32
        %lt3A_406 = arith.constant 0 : i32
        %lt3A_407 = arith.cmpi slt, %select_n3A_400, %lt3A_406 : i32
        %ne3A_408 = arith.xori %lt3A_405, %lt3A_407 : i1
        %and3A_409 = arith.andi %ne3A_408, %ne3A_403 : i1
        %add3A_410 = arith.addi %rem3A_401, %select_n3A_400 : i32
        %select_n3A_411 = arith.select %and3A_409, %add3A_410, %rem3A_401 : i32
        %mul3A_412 = arith.constant 256 : i32
        %mul3A_413 = arith.muli %select_n3A_411, %mul3A_412 : i32
        %add3A_414 = arith.constant 0 : i32
        %add3A_415 = arith.addi %mul3A_413, %add3A_414 : i32
        %get3A = arith.index_cast %select_n3A_396 : i32 to index
        %get3A_416 = arith.index_cast %add3A_415 : i32 to index
        %get3A_417 = tpu.vector_load %arg11[%get3A, %get3A_416] {strides = array<i32>} : memref<8x2048xf32, #tpu.memory_space<vmem>>, vector<16xf32>,
        %get3A_418 = arith.index_cast %select_n3A_396 : i32 to index
        %get3A_419 = arith.index_cast %add3A_415 : i32 to index
        %get3A_420 = tpu.vector_load %arg12[%get3A_418, %get3A_419] {strides = array<i32>} : memref<8x2048xf32, #tpu.memory_space<vmem>>, vector<16xf32>,
        %sub3A_421 = arith.subf %get3A_417, %get3A_420 : vector<16xf32>
        %mul3A_422 = arith.mulf %sub3A_421, %sub3A_421 : vector<16xf32>
        %add3A_423 = arith.addf %scan3A_365, %mul3A_422 : vector<16xf32>
        %mul3A_424 = arith.constant 256 : i32
        %mul3A_425 = arith.muli %select_n3A_411, %mul3A_424 : i32
        %add3A_426 = arith.constant 16 : i32
        %add3A_427 = arith.addi %mul3A_425, %add3A_426 : i32
        %get3A_428 = arith.index_cast %select_n3A_396 : i32 to index
        %get3A_429 = arith.index_cast %add3A_427 : i32 to index
        %get3A_430 = tpu.vector_load %arg11[%get3A_428, %get3A_429] {strides = array<i32>} : memref<8x2048xf32, #tpu.memory_space<vmem>>, vector<16xf32>,
        %get3A_431 = arith.index_cast %select_n3A_396 : i32 to index
        %get3A_432 = arith.index_cast %add3A_427 : i32 to index
        %get3A_433 = tpu.vector_load %arg12[%get3A_431, %get3A_432] {strides = array<i32>} : memref<8x2048xf32, #tpu.memory_space<vmem>>, vector<16xf32>,
        %sub3A_434 = arith.subf %get3A_430, %get3A_433 : vector<16xf32>
        %mul3A_435 = arith.mulf %sub3A_434, %sub3A_434 : vector<16xf32>
        %add3A_436 = arith.addf %scan3A_366, %mul3A_435 : vector<16xf32>
        %mul3A_437 = arith.constant 256 : i32
        %mul3A_438 = arith.muli %select_n3A_411, %mul3A_437 : i32
        %add3A_439 = arith.constant 32 : i32
        %add3A_440 = arith.addi %mul3A_438, %add3A_439 : i32
        %get3A_441 = arith.index_cast %select_n3A_396 : i32 to index
        %get3A_442 = arith.index_cast %add3A_440 : i32 to index
        %get3A_443 = tpu.vector_load %arg11[%get3A_441, %get3A_442] {strides = array<i32>} : memref<8x2048xf32, #tpu.memory_space<vmem>>, vector<16xf32>,
        %get3A_444 = arith.index_cast %select_n3A_396 : i32 to index
        %get3A_445 = arith.index_cast %add3A_440 : i32 to index
        %get3A_446 = tpu.vector_load %arg12[%get3A_444, %get3A_445] {strides = array<i32>} : memref<8x2048xf32, #tpu.memory_space<vmem>>, vector<16xf32>,
        %sub3A_447 = arith.subf %get3A_443, %get3A_446 : vector<16xf32>
        %mul3A_448 = arith.mulf %sub3A_447, %sub3A_447 : vector<16xf32>
        %add3A_449 = arith.addf %scan3A_367, %mul3A_448 : vector<16xf32>
        %mul3A_450 = arith.constant 256 : i32
        %mul3A_451 = arith.muli %select_n3A_411, %mul3A_450 : i32
        %add3A_452 = arith.constant 48 : i32
        %add3A_453 = arith.addi %mul3A_451, %add3A_452 : i32
        %get3A_454 = arith.index_cast %select_n3A_396 : i32 to index
        %get3A_455 = arith.index_cast %add3A_453 : i32 to index
        %get3A_456 = tpu.vector_load %arg11[%get3A_454, %get3A_455] {strides = array<i32>} : memref<8x2048xf32, #tpu.memory_space<vmem>>, vector<16xf32>,
        %get3A_457 = arith.index_cast %select_n3A_396 : i32 to index
        %get3A_458 = arith.index_cast %add3A_453 : i32 to index
        %get3A_459 = tpu.vector_load %arg12[%get3A_457, %get3A_458] {strides = array<i32>} : memref<8x2048xf32, #tpu.memory_space<vmem>>, vector<16xf32>,
        %sub3A_460 = arith.subf %get3A_456, %get3A_459 : vector<16xf32>
        %mul3A_461 = arith.mulf %sub3A_460, %sub3A_460 : vector<16xf32>
        %add3A_462 = arith.addf %scan3A_368, %mul3A_461 : vector<16xf32>
        %mul3A_463 = arith.constant 256 : i32
        %mul3A_464 = arith.muli %select_n3A_411, %mul3A_463 : i32
        %add3A_465 = arith.constant 64 : i32
        %add3A_466 = arith.addi %mul3A_464, %add3A_465 : i32
        %get3A_467 = arith.index_cast %select_n3A_396 : i32 to index
        %get3A_468 = arith.index_cast %add3A_466 : i32 to index
        %get3A_469 = tpu.vector_load %arg11[%get3A_467, %get3A_468] {strides = array<i32>} : memref<8x2048xf32, #tpu.memory_space<vmem>>, vector<16xf32>,
        %get3A_470 = arith.index_cast %select_n3A_396 : i32 to index
        %get3A_471 = arith.index_cast %add3A_466 : i32 to index
        %get3A_472 = tpu.vector_load %arg12[%get3A_470, %get3A_471] {strides = array<i32>} : memref<8x2048xf32, #tpu.memory_space<vmem>>, vector<16xf32>,
        %sub3A_473 = arith.subf %get3A_469, %get3A_472 : vector<16xf32>
        %mul3A_474 = arith.mulf %sub3A_473, %sub3A_473 : vector<16xf32>
        %add3A_475 = arith.addf %scan3A_369, %mul3A_474 : vector<16xf32>
        %mul3A_476 = arith.constant 256 : i32
        %mul3A_477 = arith.muli %select_n3A_411, %mul3A_476 : i32
        %add3A_478 = arith.constant 80 : i32
        %add3A_479 = arith.addi %mul3A_477, %add3A_478 : i32
        %get3A_480 = arith.index_cast %select_n3A_396 : i32 to index
        %get3A_481 = arith.index_cast %add3A_479 : i32 to index
        %get3A_482 = tpu.vector_load %arg11[%get3A_480, %get3A_481] {strides = array<i32>} : memref<8x2048xf32, #tpu.memory_space<vmem>>, vector<16xf32>,
        %get3A_483 = arith.index_cast %select_n3A_396 : i32 to index
        %get3A_484 = arith.index_cast %add3A_479 : i32 to index
        %get3A_485 = tpu.vector_load %arg12[%get3A_483, %get3A_484] {strides = array<i32>} : memref<8x2048xf32, #tpu.memory_space<vmem>>, vector<16xf32>,
        %sub3A_486 = arith.subf %get3A_482, %get3A_485 : vector<16xf32>
        %mul3A_487 = arith.mulf %sub3A_486, %sub3A_486 : vector<16xf32>
        %add3A_488 = arith.addf %scan3A_370, %mul3A_487 : vector<16xf32>
        %mul3A_489 = arith.constant 256 : i32
        %mul3A_490 = arith.muli %select_n3A_411, %mul3A_489 : i32
        %add3A_491 = arith.constant 96 : i32
        %add3A_492 = arith.addi %mul3A_490, %add3A_491 : i32
        %get3A_493 = arith.index_cast %select_n3A_396 : i32 to index
        %get3A_494 = arith.index_cast %add3A_492 : i32 to index
        %get3A_495 = tpu.vector_load %arg11[%get3A_493, %get3A_494] {strides = array<i32>} : memref<8x2048xf32, #tpu.memory_space<vmem>>, vector<16xf32>,
        %get3A_496 = arith.index_cast %select_n3A_396 : i32 to index
        %get3A_497 = arith.index_cast %add3A_492 : i32 to index
        %get3A_498 = tpu.vector_load %arg12[%get3A_496, %get3A_497] {strides = array<i32>} : memref<8x2048xf32, #tpu.memory_space<vmem>>, vector<16xf32>,
        %sub3A_499 = arith.subf %get3A_495, %get3A_498 : vector<16xf32>
        %mul3A_500 = arith.mulf %sub3A_499, %sub3A_499 : vector<16xf32>
        %add3A_501 = arith.addf %scan3A_371, %mul3A_500 : vector<16xf32>
        %mul3A_502 = arith.constant 256 : i32
        %mul3A_503 = arith.muli %select_n3A_411, %mul3A_502 : i32
        %add3A_504 = arith.constant 112 : i32
        %add3A_505 = arith.addi %mul3A_503, %add3A_504 : i32
        %get3A_506 = arith.index_cast %select_n3A_396 : i32 to index
        %get3A_507 = arith.index_cast %add3A_505 : i32 to index
        %get3A_508 = tpu.vector_load %arg11[%get3A_506, %get3A_507] {strides = array<i32>} : memref<8x2048xf32, #tpu.memory_space<vmem>>, vector<16xf32>,
        %get3A_509 = arith.index_cast %select_n3A_396 : i32 to index
        %get3A_510 = arith.index_cast %add3A_505 : i32 to index
        %get3A_511 = tpu.vector_load %arg12[%get3A_509, %get3A_510] {strides = array<i32>} : memref<8x2048xf32, #tpu.memory_space<vmem>>, vector<16xf32>,
        %sub3A_512 = arith.subf %get3A_508, %get3A_511 : vector<16xf32>
        %mul3A_513 = arith.mulf %sub3A_512, %sub3A_512 : vector<16xf32>
        %add3A_514 = arith.addf %scan3A_372, %mul3A_513 : vector<16xf32>
        %mul3A_515 = arith.constant 256 : i32
        %mul3A_516 = arith.muli %select_n3A_411, %mul3A_515 : i32
        %add3A_517 = arith.constant 128 : i32
        %add3A_518 = arith.addi %mul3A_516, %add3A_517 : i32
        %get3A_519 = arith.index_cast %select_n3A_396 : i32 to index
        %get3A_520 = arith.index_cast %add3A_518 : i32 to index
        %get3A_521 = tpu.vector_load %arg11[%get3A_519, %get3A_520] {strides = array<i32>} : memref<8x2048xf32, #tpu.memory_space<vmem>>, vector<16xf32>,
        %get3A_522 = arith.index_cast %select_n3A_396 : i32 to index
        %get3A_523 = arith.index_cast %add3A_518 : i32 to index
        %get3A_524 = tpu.vector_load %arg12[%get3A_522, %get3A_523] {strides = array<i32>} : memref<8x2048xf32, #tpu.memory_space<vmem>>, vector<16xf32>,
        %sub3A_525 = arith.subf %get3A_521, %get3A_524 : vector<16xf32>
        %mul3A_526 = arith.mulf %sub3A_525, %sub3A_525 : vector<16xf32>
        %add3A_527 = arith.addf %add3A_423, %mul3A_526 : vector<16xf32>
        %mul3A_528 = arith.constant 256 : i32
        %mul3A_529 = arith.muli %select_n3A_411, %mul3A_528 : i32
        %add3A_530 = arith.constant 144 : i32
        %add3A_531 = arith.addi %mul3A_529, %add3A_530 : i32
        %get3A_532 = arith.index_cast %select_n3A_396 : i32 to index
        %get3A_533 = arith.index_cast %add3A_531 : i32 to index
        %get3A_534 = tpu.vector_load %arg11[%get3A_532, %get3A_533] {strides = array<i32>} : memref<8x2048xf32, #tpu.memory_space<vmem>>, vector<16xf32>,
        %get3A_535 = arith.index_cast %select_n3A_396 : i32 to index
        %get3A_536 = arith.index_cast %add3A_531 : i32 to index
        %get3A_537 = tpu.vector_load %arg12[%get3A_535, %get3A_536] {strides = array<i32>} : memref<8x2048xf32, #tpu.memory_space<vmem>>, vector<16xf32>,
        %sub3A_538 = arith.subf %get3A_534, %get3A_537 : vector<16xf32>
        %mul3A_539 = arith.mulf %sub3A_538, %sub3A_538 : vector<16xf32>
        %add3A_540 = arith.addf %add3A_436, %mul3A_539 : vector<16xf32>
        %mul3A_541 = arith.constant 256 : i32
        %mul3A_542 = arith.muli %select_n3A_411, %mul3A_541 : i32
        %add3A_543 = arith.constant 160 : i32
        %add3A_544 = arith.addi %mul3A_542, %add3A_543 : i32
        %get3A_545 = arith.index_cast %select_n3A_396 : i32 to index
        %get3A_546 = arith.index_cast %add3A_544 : i32 to index
        %get3A_547 = tpu.vector_load %arg11[%get3A_545, %get3A_546] {strides = array<i32>} : memref<8x2048xf32, #tpu.memory_space<vmem>>, vector<16xf32>,
        %get3A_548 = arith.index_cast %select_n3A_396 : i32 to index
        %get3A_549 = arith.index_cast %add3A_544 : i32 to index
        %get3A_550 = tpu.vector_load %arg12[%get3A_548, %get3A_549] {strides = array<i32>} : memref<8x2048xf32, #tpu.memory_space<vmem>>, vector<16xf32>,
        %sub3A_551 = arith.subf %get3A_547, %get3A_550 : vector<16xf32>
        %mul3A_552 = arith.mulf %sub3A_551, %sub3A_551 : vector<16xf32>
        %add3A_553 = arith.addf %add3A_449, %mul3A_552 : vector<16xf32>
        %mul3A_554 = arith.constant 256 : i32
        %mul3A_555 = arith.muli %select_n3A_411, %mul3A_554 : i32
        %add3A_556 = arith.constant 176 : i32
        %add3A_557 = arith.addi %mul3A_555, %add3A_556 : i32
        %get3A_558 = arith.index_cast %select_n3A_396 : i32 to index
        %get3A_559 = arith.index_cast %add3A_557 : i32 to index
        %get3A_560 = tpu.vector_load %arg11[%get3A_558, %get3A_559] {strides = array<i32>} : memref<8x2048xf32, #tpu.memory_space<vmem>>, vector<16xf32>,
        %get3A_561 = arith.index_cast %select_n3A_396 : i32 to index
        %get3A_562 = arith.index_cast %add3A_557 : i32 to index
        %get3A_563 = tpu.vector_load %arg12[%get3A_561, %get3A_562] {strides = array<i32>} : memref<8x2048xf32, #tpu.memory_space<vmem>>, vector<16xf32>,
        %sub3A_564 = arith.subf %get3A_560, %get3A_563 : vector<16xf32>
        %mul3A_565 = arith.mulf %sub3A_564, %sub3A_564 : vector<16xf32>
        %add3A_566 = arith.addf %add3A_462, %mul3A_565 : vector<16xf32>
        %mul3A_567 = arith.constant 256 : i32
        %mul3A_568 = arith.muli %select_n3A_411, %mul3A_567 : i32
        %add3A_569 = arith.constant 192 : i32
        %add3A_570 = arith.addi %mul3A_568, %add3A_569 : i32
        %get3A_571 = arith.index_cast %select_n3A_396 : i32 to index
        %get3A_572 = arith.index_cast %add3A_570 : i32 to index
        %get3A_573 = tpu.vector_load %arg11[%get3A_571, %get3A_572] {strides = array<i32>} : memref<8x2048xf32, #tpu.memory_space<vmem>>, vector<16xf32>,
        %get3A_574 = arith.index_cast %select_n3A_396 : i32 to index
        %get3A_575 = arith.index_cast %add3A_570 : i32 to index
        %get3A_576 = tpu.vector_load %arg12[%get3A_574, %get3A_575] {strides = array<i32>} : memref<8x2048xf32, #tpu.memory_space<vmem>>, vector<16xf32>,
        %sub3A_577 = arith.subf %get3A_573, %get3A_576 : vector<16xf32>
        %mul3A_578 = arith.mulf %sub3A_577, %sub3A_577 : vector<16xf32>
        %add3A_579 = arith.addf %add3A_475, %mul3A_578 : vector<16xf32>
        %mul3A_580 = arith.constant 256 : i32
        %mul3A_581 = arith.muli %select_n3A_411, %mul3A_580 : i32
        %add3A_582 = arith.constant 208 : i32
        %add3A_583 = arith.addi %mul3A_581, %add3A_582 : i32
        %get3A_584 = arith.index_cast %select_n3A_396 : i32 to index
        %get3A_585 = arith.index_cast %add3A_583 : i32 to index
        %get3A_586 = tpu.vector_load %arg11[%get3A_584, %get3A_585] {strides = array<i32>} : memref<8x2048xf32, #tpu.memory_space<vmem>>, vector<16xf32>,
        %get3A_587 = arith.index_cast %select_n3A_396 : i32 to index
        %get3A_588 = arith.index_cast %add3A_583 : i32 to index
        %get3A_589 = tpu.vector_load %arg12[%get3A_587, %get3A_588] {strides = array<i32>} : memref<8x2048xf32, #tpu.memory_space<vmem>>, vector<16xf32>,
        %sub3A_590 = arith.subf %get3A_586, %get3A_589 : vector<16xf32>
        %mul3A_591 = arith.mulf %sub3A_590, %sub3A_590 : vector<16xf32>
        %add3A_592 = arith.addf %add3A_488, %mul3A_591 : vector<16xf32>
        %mul3A_593 = arith.constant 256 : i32
        %mul3A_594 = arith.muli %select_n3A_411, %mul3A_593 : i32
        %add3A_595 = arith.constant 224 : i32
        %add3A_596 = arith.addi %mul3A_594, %add3A_595 : i32
        %get3A_597 = arith.index_cast %select_n3A_396 : i32 to index
        %get3A_598 = arith.index_cast %add3A_596 : i32 to index
        %get3A_599 = tpu.vector_load %arg11[%get3A_597, %get3A_598] {strides = array<i32>} : memref<8x2048xf32, #tpu.memory_space<vmem>>, vector<16xf32>,
        %get3A_600 = arith.index_cast %select_n3A_396 : i32 to index
        %get3A_601 = arith.index_cast %add3A_596 : i32 to index
        %get3A_602 = tpu.vector_load %arg12[%get3A_600, %get3A_601] {strides = array<i32>} : memref<8x2048xf32, #tpu.memory_space<vmem>>, vector<16xf32>,
        %sub3A_603 = arith.subf %get3A_599, %get3A_602 : vector<16xf32>
        %mul3A_604 = arith.mulf %sub3A_603, %sub3A_603 : vector<16xf32>
        %add3A_605 = arith.addf %add3A_501, %mul3A_604 : vector<16xf32>
        %mul3A_606 = arith.constant 256 : i32
        %mul3A_607 = arith.muli %select_n3A_411, %mul3A_606 : i32
        %add3A_608 = arith.constant 240 : i32
        %add3A_609 = arith.addi %mul3A_607, %add3A_608 : i32
        %get3A_610 = arith.index_cast %select_n3A_396 : i32 to index
        %get3A_611 = arith.index_cast %add3A_609 : i32 to index
        %get3A_612 = tpu.vector_load %arg11[%get3A_610, %get3A_611] {strides = array<i32>} : memref<8x2048xf32, #tpu.memory_space<vmem>>, vector<16xf32>,
        %get3A_613 = arith.index_cast %select_n3A_396 : i32 to index
        %get3A_614 = arith.index_cast %add3A_609 : i32 to index
        %get3A_615 = tpu.vector_load %arg12[%get3A_613, %get3A_614] {strides = array<i32>} : memref<8x2048xf32, #tpu.memory_space<vmem>>, vector<16xf32>,
        %sub3A_616 = arith.subf %get3A_612, %get3A_615 : vector<16xf32>
        %mul3A_617 = arith.mulf %sub3A_616, %sub3A_616 : vector<16xf32>
        %add3A_618 = arith.addf %add3A_514, %mul3A_617 : vector<16xf32>
        scf.yield %add3A_527, %add3A_540, %add3A_553, %add3A_566, %add3A_579, %add3A_592, %add3A_605, %add3A_618 : vector<16xf32>, vector<16xf32>, vector<16xf32>, vector<16xf32>, vector<16xf32>, vector<16xf32>, vector<16xf32>, vector<16xf32>
      }
      %scan3A_331 = arith.constant 64 : i32
      %add3A_332 = arith.constant 3 : i32
      %add3A_333 = arith.addi %add3A_315, %add3A_332 : i32
      %lt3A_334 = arith.cmpi slt, %add3A_333, %mul3A_223 : i32
      %convert_element_type3A_335 = arith.extui %lt3A_334 : i1 to i32
      %cond3A_336 = arith.constant 0 : i32
      %cond3A_337 = arith.cmpi ne, %convert_element_type3A_335, %cond3A_336 : i32
      scf.if %cond3A_337 {
        %add3A_364 = arith.constant 3 : i32
        %add3A_365 = arith.addi %add3A_315, %add3A_364 : i32
        %mul3A_366 = arith.constant 8 : i32
        %mul3A_367 = arith.muli %add3A_365, %mul3A_366 : i32
        %dma_start3A = tpu.memref_slice %arg8[%mul3A_367] : memref<544xi32, #tpu.memory_space<vmem>> -> memref<8xi32, #tpu.memory_space<vmem>>
        %dma_start3A_368 = arith.constant 0 : i32
        %dma_start3A_369 = arith.constant 0 : i32
        %dma_start3A_370 = tpu.memref_slice %arg2[%dma_start3A_368, %dma_start3A_369] : memref<16384x2048xf32, #tpu.memory_space<hbm>> -> memref<16384x2048xf32, #tpu.memory_space<hbm>>
        tpu.enqueue_indirect_dma source(%dma_start3A_370 : memref<16384x2048xf32, #tpu.memory_space<hbm>>) target(%arg11 : memref<8x2048xf32, #tpu.memory_space<vmem>>) offsets(%dma_start3A : memref<8xi32, #tpu.memory_space<vmem>>) semaphore(%arg17 : memref<!tpu.dma_semaphore, #tpu.memory_space<semaphore_mem>>)
        %dma_start3A_371 = tpu.memref_slice %arg8[%mul3A_367] : memref<544xi32, #tpu.memory_space<vmem>> -> memref<8xi32, #tpu.memory_space<vmem>>
        %dma_start3A_372 = arith.constant 0 : i32
        %dma_start3A_373 = arith.constant 0 : i32
        %dma_start3A_374 = tpu.memref_slice %arg3[%dma_start3A_372, %dma_start3A_373] : memref<16384x2048xf32, #tpu.memory_space<hbm>> -> memref<16384x2048xf32, #tpu.memory_space<hbm>>
        tpu.enqueue_indirect_dma source(%dma_start3A_374 : memref<16384x2048xf32, #tpu.memory_space<hbm>>) target(%arg12 : memref<8x2048xf32, #tpu.memory_space<vmem>>) offsets(%dma_start3A_371 : memref<8xi32, #tpu.memory_space<vmem>>) semaphore(%arg17 : memref<!tpu.dma_semaphore, #tpu.memory_space<semaphore_mem>>)
      } else {
      }
      %mul3A_338 = arith.constant 3 : i32
      %mul3A_339 = arith.muli %mul3A_338, %while3A_279 : i32
      %add3A_340 = arith.constant 2 : i32
      %add3A_341 = arith.addi %mul3A_339, %add3A_340 : i32
      %dma_wait3A_342 = arith.constant 0 : i32
      %dma_wait3A_343 = tpu.memref_slice %arg8[%dma_wait3A_342] : memref<544xi32, #tpu.memory_space<vmem>> -> memref<8xi32, #tpu.memory_space<vmem>>
      %dma_wait3A_344 = arith.constant 0 : i32
      %dma_wait3A_345 = arith.constant 0 : i32
      %dma_wait3A_346 = tpu.memref_slice %arg2[%dma_wait3A_344, %dma_wait3A_345] : memref<16384x2048xf32, #tpu.memory_space<hbm>> -> memref<16384x2048xf32, #tpu.memory_space<hbm>>
      tpu.wait_indirect_dma semaphore(%arg18 : memref<!tpu.dma_semaphore, #tpu.memory_space<semaphore_mem>>) src(%dma_wait3A_346 : memref<16384x2048xf32, #tpu.memory_space<hbm>>) dst(%arg13 : memref<8x2048xf32, #tpu.memory_space<vmem>>)
      %dma_wait3A_347 = arith.constant 0 : i32
      %dma_wait3A_348 = tpu.memref_slice %arg8[%dma_wait3A_347] : memref<544xi32, #tpu.memory_space<vmem>> -> memref<8xi32, #tpu.memory_space<vmem>>
      %dma_wait3A_349 = arith.constant 0 : i32
      %dma_wait3A_350 = arith.constant 0 : i32
      %dma_wait3A_351 = tpu.memref_slice %arg3[%dma_wait3A_349, %dma_wait3A_350] : memref<16384x2048xf32, #tpu.memory_space<hbm>> -> memref<16384x2048xf32, #tpu.memory_space<hbm>>
      tpu.wait_indirect_dma semaphore(%arg18 : memref<!tpu.dma_semaphore, #tpu.memory_space<semaphore_mem>>) src(%dma_wait3A_351 : memref<16384x2048xf32, #tpu.memory_space<hbm>>) dst(%arg14 : memref<8x2048xf32, #tpu.memory_space<vmem>>)
      %scan3A_352 = arith.constant 0 : i32
      %scan3A_353 = arith.constant 64 : i32
      %scan3A_354 = arith.addi %scan3A_352, %scan3A_353 : i32
      %scan3A_355 = arith.constant 1 : i32
      %scan3A_356:8 = scf.for %scan3A_364 = %scan3A_352 to %scan3A_354 step %scan3A_355 iter_args(%scan3A_365 = %scan3A_330#0, %scan3A_366 = %scan3A_330#1, %scan3A_367 = %scan3A_330#2, %scan3A_368 = %scan3A_330#3, %scan3A_369 = %scan3A_330#4, %scan3A_370 = %scan3A_330#5, %scan3A_371 = %scan3A_330#6, %scan3A_372 = %scan3A_330#7) -> (vector<16xf32>, vector<16xf32>, vector<16xf32>, vector<16xf32>, vector<16xf32>, vector<16xf32>, vector<16xf32>, vector<16xf32>)  : i32 {
        %jit3A_373 = arith.constant 8 : i32
        %div3A_374 = arith.divsi %scan3A_364, %jit3A_373 : i32
        %sign3A_375 = arith.constant 0 : i32
        %sign3A_376 = arith.cmpi sgt, %scan3A_364, %sign3A_375 : i32
        %sign3A_377 = arith.extui %sign3A_376 : i1 to i32
        %sign3A_378 = arith.constant 0 : i32
        %sign3A_379 = arith.cmpi slt, %scan3A_364, %sign3A_378 : i32
        %sign3A_380 = arith.extui %sign3A_379 : i1 to i32
        %sign3A_381 = arith.subi %sign3A_377, %sign3A_380 : i32
        %sign3A_382 = arith.constant 0 : i32
        %sign3A_383 = arith.cmpi sgt, %jit3A_373, %sign3A_382 : i32
        %sign3A_384 = arith.extui %sign3A_383 : i1 to i32
        %sign3A_385 = arith.constant 0 : i32
        %sign3A_386 = arith.cmpi slt, %jit3A_373, %sign3A_385 : i32
        %sign3A_387 = arith.extui %sign3A_386 : i1 to i32
        %sign3A_388 = arith.subi %sign3A_384, %sign3A_387 : i32
        %ne3A_389 = arith.cmpi ne, %sign3A_381, %sign3A_388 : i32
        %rem3A_390 = arith.remsi %scan3A_364, %jit3A_373 : i32
        %ne3A_391 = arith.constant 0 : i32
        %ne3A_392 = arith.cmpi ne, %rem3A_390, %ne3A_391 : i32
        %and3A_393 = arith.andi %ne3A_389, %ne3A_392 : i1
        %sub3A_394 = arith.constant 1 : i32
        %sub3A_395 = arith.subi %div3A_374, %sub3A_394 : i32
        %select_n3A_396 = arith.select %and3A_393, %sub3A_395, %div3A_374 : i32
        %jit3A_397 = arith.constant 8 : i32
        %eq3A = arith.constant 0 : i32
        %eq3A_398 = arith.cmpi eq, %jit3A_397, %eq3A : i32
        %jit3A_399 = arith.constant 1 : i32
        %select_n3A_400 = arith.select %eq3A_398, %jit3A_399, %jit3A_397 : i32
        %rem3A_401 = arith.remsi %scan3A_364, %select_n3A_400 : i32
        %ne3A_402 = arith.constant 0 : i32
        %ne3A_403 = arith.cmpi ne, %rem3A_401, %ne3A_402 : i32
        %lt3A_404 = arith.constant 0 : i32
        %lt3A_405 = arith.cmpi slt, %rem3A_401, %lt3A_404 : i32
        %lt3A_406 = arith.constant 0 : i32
        %lt3A_407 = arith.cmpi slt, %select_n3A_400, %lt3A_406 : i32
        %ne3A_408 = arith.xori %lt3A_405, %lt3A_407 : i1
        %and3A_409 = arith.andi %ne3A_408, %ne3A_403 : i1
        %add3A_410 = arith.addi %rem3A_401, %select_n3A_400 : i32
        %select_n3A_411 = arith.select %and3A_409, %add3A_410, %rem3A_401 : i32
        %mul3A_412 = arith.constant 256 : i32
        %mul3A_413 = arith.muli %select_n3A_411, %mul3A_412 : i32
        %add3A_414 = arith.constant 0 : i32
        %add3A_415 = arith.addi %mul3A_413, %add3A_414 : i32
        %get3A = arith.index_cast %select_n3A_396 : i32 to index
        %get3A_416 = arith.index_cast %add3A_415 : i32 to index
        %get3A_417 = tpu.vector_load %arg13[%get3A, %get3A_416] {strides = array<i32>} : memref<8x2048xf32, #tpu.memory_space<vmem>>, vector<16xf32>,
        %get3A_418 = arith.index_cast %select_n3A_396 : i32 to index
        %get3A_419 = arith.index_cast %add3A_415 : i32 to index
        %get3A_420 = tpu.vector_load %arg14[%get3A_418, %get3A_419] {strides = array<i32>} : memref<8x2048xf32, #tpu.memory_space<vmem>>, vector<16xf32>,
        %sub3A_421 = arith.subf %get3A_417, %get3A_420 : vector<16xf32>
        %mul3A_422 = arith.mulf %sub3A_421, %sub3A_421 : vector<16xf32>
        %add3A_423 = arith.addf %scan3A_365, %mul3A_422 : vector<16xf32>
        %mul3A_424 = arith.constant 256 : i32
        %mul3A_425 = arith.muli %select_n3A_411, %mul3A_424 : i32
        %add3A_426 = arith.constant 16 : i32
        %add3A_427 = arith.addi %mul3A_425, %add3A_426 : i32
        %get3A_428 = arith.index_cast %select_n3A_396 : i32 to index
        %get3A_429 = arith.index_cast %add3A_427 : i32 to index
        %get3A_430 = tpu.vector_load %arg13[%get3A_428, %get3A_429] {strides = array<i32>} : memref<8x2048xf32, #tpu.memory_space<vmem>>, vector<16xf32>,
        %get3A_431 = arith.index_cast %select_n3A_396 : i32 to index
        %get3A_432 = arith.index_cast %add3A_427 : i32 to index
        %get3A_433 = tpu.vector_load %arg14[%get3A_431, %get3A_432] {strides = array<i32>} : memref<8x2048xf32, #tpu.memory_space<vmem>>, vector<16xf32>,
        %sub3A_434 = arith.subf %get3A_430, %get3A_433 : vector<16xf32>
        %mul3A_435 = arith.mulf %sub3A_434, %sub3A_434 : vector<16xf32>
        %add3A_436 = arith.addf %scan3A_366, %mul3A_435 : vector<16xf32>
        %mul3A_437 = arith.constant 256 : i32
        %mul3A_438 = arith.muli %select_n3A_411, %mul3A_437 : i32
        %add3A_439 = arith.constant 32 : i32
        %add3A_440 = arith.addi %mul3A_438, %add3A_439 : i32
        %get3A_441 = arith.index_cast %select_n3A_396 : i32 to index
        %get3A_442 = arith.index_cast %add3A_440 : i32 to index
        %get3A_443 = tpu.vector_load %arg13[%get3A_441, %get3A_442] {strides = array<i32>} : memref<8x2048xf32, #tpu.memory_space<vmem>>, vector<16xf32>,
        %get3A_444 = arith.index_cast %select_n3A_396 : i32 to index
        %get3A_445 = arith.index_cast %add3A_440 : i32 to index
        %get3A_446 = tpu.vector_load %arg14[%get3A_444, %get3A_445] {strides = array<i32>} : memref<8x2048xf32, #tpu.memory_space<vmem>>, vector<16xf32>,
        %sub3A_447 = arith.subf %get3A_443, %get3A_446 : vector<16xf32>
        %mul3A_448 = arith.mulf %sub3A_447, %sub3A_447 : vector<16xf32>
        %add3A_449 = arith.addf %scan3A_367, %mul3A_448 : vector<16xf32>
        %mul3A_450 = arith.constant 256 : i32
        %mul3A_451 = arith.muli %select_n3A_411, %mul3A_450 : i32
        %add3A_452 = arith.constant 48 : i32
        %add3A_453 = arith.addi %mul3A_451, %add3A_452 : i32
        %get3A_454 = arith.index_cast %select_n3A_396 : i32 to index
        %get3A_455 = arith.index_cast %add3A_453 : i32 to index
        %get3A_456 = tpu.vector_load %arg13[%get3A_454, %get3A_455] {strides = array<i32>} : memref<8x2048xf32, #tpu.memory_space<vmem>>, vector<16xf32>,
        %get3A_457 = arith.index_cast %select_n3A_396 : i32 to index
        %get3A_458 = arith.index_cast %add3A_453 : i32 to index
        %get3A_459 = tpu.vector_load %arg14[%get3A_457, %get3A_458] {strides = array<i32>} : memref<8x2048xf32, #tpu.memory_space<vmem>>, vector<16xf32>,
        %sub3A_460 = arith.subf %get3A_456, %get3A_459 : vector<16xf32>
        %mul3A_461 = arith.mulf %sub3A_460, %sub3A_460 : vector<16xf32>
        %add3A_462 = arith.addf %scan3A_368, %mul3A_461 : vector<16xf32>
        %mul3A_463 = arith.constant 256 : i32
        %mul3A_464 = arith.muli %select_n3A_411, %mul3A_463 : i32
        %add3A_465 = arith.constant 64 : i32
        %add3A_466 = arith.addi %mul3A_464, %add3A_465 : i32
        %get3A_467 = arith.index_cast %select_n3A_396 : i32 to index
        %get3A_468 = arith.index_cast %add3A_466 : i32 to index
        %get3A_469 = tpu.vector_load %arg13[%get3A_467, %get3A_468] {strides = array<i32>} : memref<8x2048xf32, #tpu.memory_space<vmem>>, vector<16xf32>,
        %get3A_470 = arith.index_cast %select_n3A_396 : i32 to index
        %get3A_471 = arith.index_cast %add3A_466 : i32 to index
        %get3A_472 = tpu.vector_load %arg14[%get3A_470, %get3A_471] {strides = array<i32>} : memref<8x2048xf32, #tpu.memory_space<vmem>>, vector<16xf32>,
        %sub3A_473 = arith.subf %get3A_469, %get3A_472 : vector<16xf32>
        %mul3A_474 = arith.mulf %sub3A_473, %sub3A_473 : vector<16xf32>
        %add3A_475 = arith.addf %scan3A_369, %mul3A_474 : vector<16xf32>
        %mul3A_476 = arith.constant 256 : i32
        %mul3A_477 = arith.muli %select_n3A_411, %mul3A_476 : i32
        %add3A_478 = arith.constant 80 : i32
        %add3A_479 = arith.addi %mul3A_477, %add3A_478 : i32
        %get3A_480 = arith.index_cast %select_n3A_396 : i32 to index
        %get3A_481 = arith.index_cast %add3A_479 : i32 to index
        %get3A_482 = tpu.vector_load %arg13[%get3A_480, %get3A_481] {strides = array<i32>} : memref<8x2048xf32, #tpu.memory_space<vmem>>, vector<16xf32>,
        %get3A_483 = arith.index_cast %select_n3A_396 : i32 to index
        %get3A_484 = arith.index_cast %add3A_479 : i32 to index
        %get3A_485 = tpu.vector_load %arg14[%get3A_483, %get3A_484] {strides = array<i32>} : memref<8x2048xf32, #tpu.memory_space<vmem>>, vector<16xf32>,
        %sub3A_486 = arith.subf %get3A_482, %get3A_485 : vector<16xf32>
        %mul3A_487 = arith.mulf %sub3A_486, %sub3A_486 : vector<16xf32>
        %add3A_488 = arith.addf %scan3A_370, %mul3A_487 : vector<16xf32>
        %mul3A_489 = arith.constant 256 : i32
        %mul3A_490 = arith.muli %select_n3A_411, %mul3A_489 : i32
        %add3A_491 = arith.constant 96 : i32
        %add3A_492 = arith.addi %mul3A_490, %add3A_491 : i32
        %get3A_493 = arith.index_cast %select_n3A_396 : i32 to index
        %get3A_494 = arith.index_cast %add3A_492 : i32 to index
        %get3A_495 = tpu.vector_load %arg13[%get3A_493, %get3A_494] {strides = array<i32>} : memref<8x2048xf32, #tpu.memory_space<vmem>>, vector<16xf32>,
        %get3A_496 = arith.index_cast %select_n3A_396 : i32 to index
        %get3A_497 = arith.index_cast %add3A_492 : i32 to index
        %get3A_498 = tpu.vector_load %arg14[%get3A_496, %get3A_497] {strides = array<i32>} : memref<8x2048xf32, #tpu.memory_space<vmem>>, vector<16xf32>,
        %sub3A_499 = arith.subf %get3A_495, %get3A_498 : vector<16xf32>
        %mul3A_500 = arith.mulf %sub3A_499, %sub3A_499 : vector<16xf32>
        %add3A_501 = arith.addf %scan3A_371, %mul3A_500 : vector<16xf32>
        %mul3A_502 = arith.constant 256 : i32
        %mul3A_503 = arith.muli %select_n3A_411, %mul3A_502 : i32
        %add3A_504 = arith.constant 112 : i32
        %add3A_505 = arith.addi %mul3A_503, %add3A_504 : i32
        %get3A_506 = arith.index_cast %select_n3A_396 : i32 to index
        %get3A_507 = arith.index_cast %add3A_505 : i32 to index
        %get3A_508 = tpu.vector_load %arg13[%get3A_506, %get3A_507] {strides = array<i32>} : memref<8x2048xf32, #tpu.memory_space<vmem>>, vector<16xf32>,
        %get3A_509 = arith.index_cast %select_n3A_396 : i32 to index
        %get3A_510 = arith.index_cast %add3A_505 : i32 to index
        %get3A_511 = tpu.vector_load %arg14[%get3A_509, %get3A_510] {strides = array<i32>} : memref<8x2048xf32, #tpu.memory_space<vmem>>, vector<16xf32>,
        %sub3A_512 = arith.subf %get3A_508, %get3A_511 : vector<16xf32>
        %mul3A_513 = arith.mulf %sub3A_512, %sub3A_512 : vector<16xf32>
        %add3A_514 = arith.addf %scan3A_372, %mul3A_513 : vector<16xf32>
        %mul3A_515 = arith.constant 256 : i32
        %mul3A_516 = arith.muli %select_n3A_411, %mul3A_515 : i32
        %add3A_517 = arith.constant 128 : i32
        %add3A_518 = arith.addi %mul3A_516, %add3A_517 : i32
        %get3A_519 = arith.index_cast %select_n3A_396 : i32 to index
        %get3A_520 = arith.index_cast %add3A_518 : i32 to index
        %get3A_521 = tpu.vector_load %arg13[%get3A_519, %get3A_520] {strides = array<i32>} : memref<8x2048xf32, #tpu.memory_space<vmem>>, vector<16xf32>,
        %get3A_522 = arith.index_cast %select_n3A_396 : i32 to index
        %get3A_523 = arith.index_cast %add3A_518 : i32 to index
        %get3A_524 = tpu.vector_load %arg14[%get3A_522, %get3A_523] {strides = array<i32>} : memref<8x2048xf32, #tpu.memory_space<vmem>>, vector<16xf32>,
        %sub3A_525 = arith.subf %get3A_521, %get3A_524 : vector<16xf32>
        %mul3A_526 = arith.mulf %sub3A_525, %sub3A_525 : vector<16xf32>
        %add3A_527 = arith.addf %add3A_423, %mul3A_526 : vector<16xf32>
        %mul3A_528 = arith.constant 256 : i32
        %mul3A_529 = arith.muli %select_n3A_411, %mul3A_528 : i32
        %add3A_530 = arith.constant 144 : i32
        %add3A_531 = arith.addi %mul3A_529, %add3A_530 : i32
        %get3A_532 = arith.index_cast %select_n3A_396 : i32 to index
        %get3A_533 = arith.index_cast %add3A_531 : i32 to index
        %get3A_534 = tpu.vector_load %arg13[%get3A_532, %get3A_533] {strides = array<i32>} : memref<8x2048xf32, #tpu.memory_space<vmem>>, vector<16xf32>,
        %get3A_535 = arith.index_cast %select_n3A_396 : i32 to index
        %get3A_536 = arith.index_cast %add3A_531 : i32 to index
        %get3A_537 = tpu.vector_load %arg14[%get3A_535, %get3A_536] {strides = array<i32>} : memref<8x2048xf32, #tpu.memory_space<vmem>>, vector<16xf32>,
        %sub3A_538 = arith.subf %get3A_534, %get3A_537 : vector<16xf32>
        %mul3A_539 = arith.mulf %sub3A_538, %sub3A_538 : vector<16xf32>
        %add3A_540 = arith.addf %add3A_436, %mul3A_539 : vector<16xf32>
        %mul3A_541 = arith.constant 256 : i32
        %mul3A_542 = arith.muli %select_n3A_411, %mul3A_541 : i32
        %add3A_543 = arith.constant 160 : i32
        %add3A_544 = arith.addi %mul3A_542, %add3A_543 : i32
        %get3A_545 = arith.index_cast %select_n3A_396 : i32 to index
        %get3A_546 = arith.index_cast %add3A_544 : i32 to index
        %get3A_547 = tpu.vector_load %arg13[%get3A_545, %get3A_546] {strides = array<i32>} : memref<8x2048xf32, #tpu.memory_space<vmem>>, vector<16xf32>,
        %get3A_548 = arith.index_cast %select_n3A_396 : i32 to index
        %get3A_549 = arith.index_cast %add3A_544 : i32 to index
        %get3A_550 = tpu.vector_load %arg14[%get3A_548, %get3A_549] {strides = array<i32>} : memref<8x2048xf32, #tpu.memory_space<vmem>>, vector<16xf32>,
        %sub3A_551 = arith.subf %get3A_547, %get3A_550 : vector<16xf32>
        %mul3A_552 = arith.mulf %sub3A_551, %sub3A_551 : vector<16xf32>
        %add3A_553 = arith.addf %add3A_449, %mul3A_552 : vector<16xf32>
        %mul3A_554 = arith.constant 256 : i32
        %mul3A_555 = arith.muli %select_n3A_411, %mul3A_554 : i32
        %add3A_556 = arith.constant 176 : i32
        %add3A_557 = arith.addi %mul3A_555, %add3A_556 : i32
        %get3A_558 = arith.index_cast %select_n3A_396 : i32 to index
        %get3A_559 = arith.index_cast %add3A_557 : i32 to index
        %get3A_560 = tpu.vector_load %arg13[%get3A_558, %get3A_559] {strides = array<i32>} : memref<8x2048xf32, #tpu.memory_space<vmem>>, vector<16xf32>,
        %get3A_561 = arith.index_cast %select_n3A_396 : i32 to index
        %get3A_562 = arith.index_cast %add3A_557 : i32 to index
        %get3A_563 = tpu.vector_load %arg14[%get3A_561, %get3A_562] {strides = array<i32>} : memref<8x2048xf32, #tpu.memory_space<vmem>>, vector<16xf32>,
        %sub3A_564 = arith.subf %get3A_560, %get3A_563 : vector<16xf32>
        %mul3A_565 = arith.mulf %sub3A_564, %sub3A_564 : vector<16xf32>
        %add3A_566 = arith.addf %add3A_462, %mul3A_565 : vector<16xf32>
        %mul3A_567 = arith.constant 256 : i32
        %mul3A_568 = arith.muli %select_n3A_411, %mul3A_567 : i32
        %add3A_569 = arith.constant 192 : i32
        %add3A_570 = arith.addi %mul3A_568, %add3A_569 : i32
        %get3A_571 = arith.index_cast %select_n3A_396 : i32 to index
        %get3A_572 = arith.index_cast %add3A_570 : i32 to index
        %get3A_573 = tpu.vector_load %arg13[%get3A_571, %get3A_572] {strides = array<i32>} : memref<8x2048xf32, #tpu.memory_space<vmem>>, vector<16xf32>,
        %get3A_574 = arith.index_cast %select_n3A_396 : i32 to index
        %get3A_575 = arith.index_cast %add3A_570 : i32 to index
        %get3A_576 = tpu.vector_load %arg14[%get3A_574, %get3A_575] {strides = array<i32>} : memref<8x2048xf32, #tpu.memory_space<vmem>>, vector<16xf32>,
        %sub3A_577 = arith.subf %get3A_573, %get3A_576 : vector<16xf32>
        %mul3A_578 = arith.mulf %sub3A_577, %sub3A_577 : vector<16xf32>
        %add3A_579 = arith.addf %add3A_475, %mul3A_578 : vector<16xf32>
        %mul3A_580 = arith.constant 256 : i32
        %mul3A_581 = arith.muli %select_n3A_411, %mul3A_580 : i32
        %add3A_582 = arith.constant 208 : i32
        %add3A_583 = arith.addi %mul3A_581, %add3A_582 : i32
        %get3A_584 = arith.index_cast %select_n3A_396 : i32 to index
        %get3A_585 = arith.index_cast %add3A_583 : i32 to index
        %get3A_586 = tpu.vector_load %arg13[%get3A_584, %get3A_585] {strides = array<i32>} : memref<8x2048xf32, #tpu.memory_space<vmem>>, vector<16xf32>,
        %get3A_587 = arith.index_cast %select_n3A_396 : i32 to index
        %get3A_588 = arith.index_cast %add3A_583 : i32 to index
        %get3A_589 = tpu.vector_load %arg14[%get3A_587, %get3A_588] {strides = array<i32>} : memref<8x2048xf32, #tpu.memory_space<vmem>>, vector<16xf32>,
        %sub3A_590 = arith.subf %get3A_586, %get3A_589 : vector<16xf32>
        %mul3A_591 = arith.mulf %sub3A_590, %sub3A_590 : vector<16xf32>
        %add3A_592 = arith.addf %add3A_488, %mul3A_591 : vector<16xf32>
        %mul3A_593 = arith.constant 256 : i32
        %mul3A_594 = arith.muli %select_n3A_411, %mul3A_593 : i32
        %add3A_595 = arith.constant 224 : i32
        %add3A_596 = arith.addi %mul3A_594, %add3A_595 : i32
        %get3A_597 = arith.index_cast %select_n3A_396 : i32 to index
        %get3A_598 = arith.index_cast %add3A_596 : i32 to index
        %get3A_599 = tpu.vector_load %arg13[%get3A_597, %get3A_598] {strides = array<i32>} : memref<8x2048xf32, #tpu.memory_space<vmem>>, vector<16xf32>,
        %get3A_600 = arith.index_cast %select_n3A_396 : i32 to index
        %get3A_601 = arith.index_cast %add3A_596 : i32 to index
        %get3A_602 = tpu.vector_load %arg14[%get3A_600, %get3A_601] {strides = array<i32>} : memref<8x2048xf32, #tpu.memory_space<vmem>>, vector<16xf32>,
        %sub3A_603 = arith.subf %get3A_599, %get3A_602 : vector<16xf32>
        %mul3A_604 = arith.mulf %sub3A_603, %sub3A_603 : vector<16xf32>
        %add3A_605 = arith.addf %add3A_501, %mul3A_604 : vector<16xf32>
        %mul3A_606 = arith.constant 256 : i32
        %mul3A_607 = arith.muli %select_n3A_411, %mul3A_606 : i32
        %add3A_608 = arith.constant 240 : i32
        %add3A_609 = arith.addi %mul3A_607, %add3A_608 : i32
        %get3A_610 = arith.index_cast %select_n3A_396 : i32 to index
        %get3A_611 = arith.index_cast %add3A_609 : i32 to index
        %get3A_612 = tpu.vector_load %arg13[%get3A_610, %get3A_611] {strides = array<i32>} : memref<8x2048xf32, #tpu.memory_space<vmem>>, vector<16xf32>,
        %get3A_613 = arith.index_cast %select_n3A_396 : i32 to index
        %get3A_614 = arith.index_cast %add3A_609 : i32 to index
        %get3A_615 = tpu.vector_load %arg14[%get3A_613, %get3A_614] {strides = array<i32>} : memref<8x2048xf32, #tpu.memory_space<vmem>>, vector<16xf32>,
        %sub3A_616 = arith.subf %get3A_612, %get3A_615 : vector<16xf32>
        %mul3A_617 = arith.mulf %sub3A_616, %sub3A_616 : vector<16xf32>
        %add3A_618 = arith.addf %add3A_514, %mul3A_617 : vector<16xf32>
        scf.yield %add3A_527, %add3A_540, %add3A_553, %add3A_566, %add3A_579, %add3A_592, %add3A_605, %add3A_618 : vector<16xf32>, vector<16xf32>, vector<16xf32>, vector<16xf32>, vector<16xf32>, vector<16xf32>, vector<16xf32>, vector<16xf32>
      }
      %scan3A_357 = arith.constant 64 : i32
      %add3A_358 = arith.constant 3 : i32
      %add3A_359 = arith.addi %add3A_341, %add3A_358 : i32
      %lt3A_360 = arith.cmpi slt, %add3A_359, %mul3A_223 : i32
      %convert_element_type3A_361 = arith.extui %lt3A_360 : i1 to i32
      %cond3A_362 = arith.constant 0 : i32
      %cond3A_363 = arith.cmpi ne, %convert_element_type3A_361, %cond3A_362 : i32
      scf.if %cond3A_363 {
        %add3A_364 = arith.constant 3 : i32
        %add3A_365 = arith.addi %add3A_341, %add3A_364 : i32
        %mul3A_366 = arith.constant 8 : i32
        %mul3A_367 = arith.muli %add3A_365, %mul3A_366 : i32
        %dma_start3A = tpu.memref_slice %arg8[%mul3A_367] : memref<544xi32, #tpu.memory_space<vmem>> -> memref<8xi32, #tpu.memory_space<vmem>>
        %dma_start3A_368 = arith.constant 0 : i32
        %dma_start3A_369 = arith.constant 0 : i32
        %dma_start3A_370 = tpu.memref_slice %arg2[%dma_start3A_368, %dma_start3A_369] : memref<16384x2048xf32, #tpu.memory_space<hbm>> -> memref<16384x2048xf32, #tpu.memory_space<hbm>>
        tpu.enqueue_indirect_dma source(%dma_start3A_370 : memref<16384x2048xf32, #tpu.memory_space<hbm>>) target(%arg13 : memref<8x2048xf32, #tpu.memory_space<vmem>>) offsets(%dma_start3A : memref<8xi32, #tpu.memory_space<vmem>>) semaphore(%arg18 : memref<!tpu.dma_semaphore, #tpu.memory_space<semaphore_mem>>)
        %dma_start3A_371 = tpu.memref_slice %arg8[%mul3A_367] : memref<544xi32, #tpu.memory_space<vmem>> -> memref<8xi32, #tpu.memory_space<vmem>>
        %dma_start3A_372 = arith.constant 0 : i32
        %dma_start3A_373 = arith.constant 0 : i32
        %dma_start3A_374 = tpu.memref_slice %arg3[%dma_start3A_372, %dma_start3A_373] : memref<16384x2048xf32, #tpu.memory_space<hbm>> -> memref<16384x2048xf32, #tpu.memory_space<hbm>>
        tpu.enqueue_indirect_dma source(%dma_start3A_374 : memref<16384x2048xf32, #tpu.memory_space<hbm>>) target(%arg14 : memref<8x2048xf32, #tpu.memory_space<vmem>>) offsets(%dma_start3A_371 : memref<8xi32, #tpu.memory_space<vmem>>) semaphore(%arg18 : memref<!tpu.dma_semaphore, #tpu.memory_space<semaphore_mem>>)
      } else {
      }
      scf.yield %scan3A_356#0, %scan3A_356#1, %scan3A_356#2, %scan3A_356#3, %scan3A_356#4, %scan3A_356#5, %scan3A_356#6, %scan3A_356#7 : vector<16xf32>, vector<16xf32>, vector<16xf32>, vector<16xf32>, vector<16xf32>, vector<16xf32>, vector<16xf32>, vector<16xf32>
    }
    %add3A_249 = arith.addf %while3A_248#0, %while3A_248#1 : vector<16xf32>
    %add3A_250 = arith.addf %add3A_249, %while3A_248#2 : vector<16xf32>
    %add3A_251 = arith.addf %add3A_250, %while3A_248#3 : vector<16xf32>
    %add3A_252 = arith.addf %add3A_251, %while3A_248#4 : vector<16xf32>
    %add3A_253 = arith.addf %add3A_252, %while3A_248#5 : vector<16xf32>
    %add3A_254 = arith.addf %add3A_253, %while3A_248#6 : vector<16xf32>
    %add3A_255 = arith.addf %add3A_254, %while3A_248#7 : vector<16xf32>
    %run_scoped3A = arith.constant 0 : i32
    "tpu.region"() ({
      %run_scoped3A_279 = tpu.sem_alloc : memref<!tpu.dma_semaphore, #tpu.memory_space<semaphore_mem>>
      %dma_start3A = arith.constant 0 : i32
      %dma_start3A_280 = tpu.memref_slice %arg9[%run_scoped3A, %dma_start3A] : memref<8x2048xf32, #tpu.memory_space<vmem>> -> memref<1x2048xf32, #tpu.memory_space<vmem>>
      %dma_start3A_281 = tpu.memref_squeeze %dma_start3A_280 : memref<1x2048xf32, #tpu.memory_space<vmem>> -> memref<2048xf32, #tpu.memory_space<vmem>>
      %dma_start3A_282 = arith.constant 0 : i32
      %dma_start3A_283 = tpu.memref_slice %arg2[%mul3A_2, %dma_start3A_282] : memref<16384x2048xf32, #tpu.memory_space<hbm>> -> memref<1x2048xf32, #tpu.memory_space<hbm>>
      %dma_start3A_284 = tpu.memref_squeeze %dma_start3A_283 : memref<1x2048xf32, #tpu.memory_space<hbm>> -> memref<2048xf32, #tpu.memory_space<hbm>>
      %dma_start3A_285 = arith.constant 0 : i32
      %dma_start3A_286 = tpu.memref_slice %arg9[%run_scoped3A, %dma_start3A_285] : memref<8x2048xf32, #tpu.memory_space<vmem>> -> memref<1x2048xf32, #tpu.memory_space<vmem>>
      %dma_start3A_287 = tpu.memref_squeeze %dma_start3A_286 : memref<1x2048xf32, #tpu.memory_space<vmem>> -> memref<2048xf32, #tpu.memory_space<vmem>>
      %dma_start3A_288 = arith.constant 0 : i32
      %dma_start3A_289 = tpu.memref_slice %arg2[%mul3A_2, %dma_start3A_288] : memref<16384x2048xf32, #tpu.memory_space<hbm>> -> memref<1x2048xf32, #tpu.memory_space<hbm>>
      %dma_start3A_290 = tpu.memref_squeeze %dma_start3A_289 : memref<1x2048xf32, #tpu.memory_space<hbm>> -> memref<2048xf32, #tpu.memory_space<hbm>>
      tpu.enqueue_dma source(%dma_start3A_290 : memref<2048xf32, #tpu.memory_space<hbm>>) target(%dma_start3A_287 : memref<2048xf32, #tpu.memory_space<vmem>>) target_semaphore(%run_scoped3A_279 : memref<!tpu.dma_semaphore, #tpu.memory_space<semaphore_mem>>)
      %dma_wait3A = arith.constant 0 : i32
      %dma_wait3A_291 = tpu.memref_slice %arg9[%run_scoped3A, %dma_wait3A] : memref<8x2048xf32, #tpu.memory_space<vmem>> -> memref<1x2048xf32, #tpu.memory_space<vmem>>
      %dma_wait3A_292 = tpu.memref_squeeze %dma_wait3A_291 : memref<1x2048xf32, #tpu.memory_space<vmem>> -> memref<2048xf32, #tpu.memory_space<vmem>>
      %dma_wait3A_293 = arith.constant 0 : i32
      %dma_wait3A_294 = tpu.memref_slice %arg2[%mul3A_2, %dma_wait3A_293] : memref<16384x2048xf32, #tpu.memory_space<hbm>> -> memref<1x2048xf32, #tpu.memory_space<hbm>>
      %dma_wait3A_295 = tpu.memref_squeeze %dma_wait3A_294 : memref<1x2048xf32, #tpu.memory_space<hbm>> -> memref<2048xf32, #tpu.memory_space<hbm>>
      %dma_wait3A_296 = arith.constant 0 : i32
      %dma_wait3A_297 = tpu.memref_slice %arg9[%run_scoped3A, %dma_wait3A_296] : memref<8x2048xf32, #tpu.memory_space<vmem>> -> memref<1x2048xf32, #tpu.memory_space<vmem>>
      %dma_wait3A_298 = tpu.memref_squeeze %dma_wait3A_297 : memref<1x2048xf32, #tpu.memory_space<vmem>> -> memref<2048xf32, #tpu.memory_space<vmem>>
      %dma_wait3A_299 = arith.constant 0 : i32
      %dma_wait3A_300 = tpu.memref_slice %arg2[%mul3A_2, %dma_wait3A_299] : memref<16384x2048xf32, #tpu.memory_space<hbm>> -> memref<1x2048xf32, #tpu.memory_space<hbm>>
      %dma_wait3A_301 = tpu.memref_squeeze %dma_wait3A_300 : memref<1x2048xf32, #tpu.memory_space<hbm>> -> memref<2048xf32, #tpu.memory_space<hbm>>
      tpu.wait_dma2 semaphore(%run_scoped3A_279 : memref<!tpu.dma_semaphore, #tpu.memory_space<semaphore_mem>>) src(%dma_wait3A_301 : memref<2048xf32, #tpu.memory_space<hbm>>) dst(%dma_wait3A_298 : memref<2048xf32, #tpu.memory_space<vmem>>)
      tpu.yield
    }) : () -> ()
    %run_scoped3A_256 = arith.constant 0 : i32
    "tpu.region"() ({
      %run_scoped3A_279 = tpu.sem_alloc : memref<!tpu.dma_semaphore, #tpu.memory_space<semaphore_mem>>
      %dma_start3A = arith.constant 0 : i32
      %dma_start3A_280 = tpu.memref_slice %arg10[%run_scoped3A_256, %dma_start3A] : memref<8x2048xf32, #tpu.memory_space<vmem>> -> memref<1x2048xf32, #tpu.memory_space<vmem>>
      %dma_start3A_281 = tpu.memref_squeeze %dma_start3A_280 : memref<1x2048xf32, #tpu.memory_space<vmem>> -> memref<2048xf32, #tpu.memory_space<vmem>>
      %dma_start3A_282 = arith.constant 0 : i32
      %dma_start3A_283 = tpu.memref_slice %arg3[%mul3A_2, %dma_start3A_282] : memref<16384x2048xf32, #tpu.memory_space<hbm>> -> memref<1x2048xf32, #tpu.memory_space<hbm>>
      %dma_start3A_284 = tpu.memref_squeeze %dma_start3A_283 : memref<1x2048xf32, #tpu.memory_space<hbm>> -> memref<2048xf32, #tpu.memory_space<hbm>>
      %dma_start3A_285 = arith.constant 0 : i32
      %dma_start3A_286 = tpu.memref_slice %arg10[%run_scoped3A_256, %dma_start3A_285] : memref<8x2048xf32, #tpu.memory_space<vmem>> -> memref<1x2048xf32, #tpu.memory_space<vmem>>
      %dma_start3A_287 = tpu.memref_squeeze %dma_start3A_286 : memref<1x2048xf32, #tpu.memory_space<vmem>> -> memref<2048xf32, #tpu.memory_space<vmem>>
      %dma_start3A_288 = arith.constant 0 : i32
      %dma_start3A_289 = tpu.memref_slice %arg3[%mul3A_2, %dma_start3A_288] : memref<16384x2048xf32, #tpu.memory_space<hbm>> -> memref<1x2048xf32, #tpu.memory_space<hbm>>
      %dma_start3A_290 = tpu.memref_squeeze %dma_start3A_289 : memref<1x2048xf32, #tpu.memory_space<hbm>> -> memref<2048xf32, #tpu.memory_space<hbm>>
      tpu.enqueue_dma source(%dma_start3A_290 : memref<2048xf32, #tpu.memory_space<hbm>>) target(%dma_start3A_287 : memref<2048xf32, #tpu.memory_space<vmem>>) target_semaphore(%run_scoped3A_279 : memref<!tpu.dma_semaphore, #tpu.memory_space<semaphore_mem>>)
      %dma_wait3A = arith.constant 0 : i32
      %dma_wait3A_291 = tpu.memref_slice %arg10[%run_scoped3A_256, %dma_wait3A] : memref<8x2048xf32, #tpu.memory_space<vmem>> -> memref<1x2048xf32, #tpu.memory_space<vmem>>
      %dma_wait3A_292 = tpu.memref_squeeze %dma_wait3A_291 : memref<1x2048xf32, #tpu.memory_space<vmem>> -> memref<2048xf32, #tpu.memory_space<vmem>>
      %dma_wait3A_293 = arith.constant 0 : i32
      %dma_wait3A_294 = tpu.memref_slice %arg3[%mul3A_2, %dma_wait3A_293] : memref<16384x2048xf32, #tpu.memory_space<hbm>> -> memref<1x2048xf32, #tpu.memory_space<hbm>>
      %dma_wait3A_295 = tpu.memref_squeeze %dma_wait3A_294 : memref<1x2048xf32, #tpu.memory_space<hbm>> -> memref<2048xf32, #tpu.memory_space<hbm>>
      %dma_wait3A_296 = arith.constant 0 : i32
      %dma_wait3A_297 = tpu.memref_slice %arg10[%run_scoped3A_256, %dma_wait3A_296] : memref<8x2048xf32, #tpu.memory_space<vmem>> -> memref<1x2048xf32, #tpu.memory_space<vmem>>
      %dma_wait3A_298 = tpu.memref_squeeze %dma_wait3A_297 : memref<1x2048xf32, #tpu.memory_space<vmem>> -> memref<2048xf32, #tpu.memory_space<vmem>>
      %dma_wait3A_299 = arith.constant 0 : i32
      %dma_wait3A_300 = tpu.memref_slice %arg3[%mul3A_2, %dma_wait3A_299] : memref<16384x2048xf32, #tpu.memory_space<hbm>> -> memref<1x2048xf32, #tpu.memory_space<hbm>>
      %dma_wait3A_301 = tpu.memref_squeeze %dma_wait3A_300 : memref<1x2048xf32, #tpu.memory_space<hbm>> -> memref<2048xf32, #tpu.memory_space<hbm>>
      tpu.wait_dma2 semaphore(%run_scoped3A_279 : memref<!tpu.dma_semaphore, #tpu.memory_space<semaphore_mem>>) src(%dma_wait3A_301 : memref<2048xf32, #tpu.memory_space<hbm>>) dst(%dma_wait3A_298 : memref<2048xf32, #tpu.memory_space<vmem>>)
      tpu.yield
    }) : () -> ()
    %scan3A_257 = arith.constant 0 : i32
    %scan3A_258 = arith.constant 8 : i32
    %scan3A_259 = arith.addi %scan3A_257, %scan3A_258 : i32
    %scan3A_260 = arith.constant 1 : i32
    %scan3A_261 = scf.for %scan3A_279 = %scan3A_257 to %scan3A_259 step %scan3A_260 iter_args(%scan3A_280 = %broadcast_in_dim3A_238) -> (vector<16xf32>)  : i32 {
      %mul3A_281 = arith.constant 256 : i32
      %mul3A_282 = arith.muli %scan3A_279, %mul3A_281 : i32
      %add3A_283 = arith.constant 0 : i32
      %add3A_284 = arith.addi %mul3A_282, %add3A_283 : i32
      %get3A = arith.constant 0 : i32
      %get3A_285 = arith.index_cast %get3A : i32 to index
      %get3A_286 = arith.index_cast %add3A_284 : i32 to index
      %get3A_287 = tpu.vector_load %arg9[%get3A_285, %get3A_286] {strides = array<i32>} : memref<8x2048xf32, #tpu.memory_space<vmem>>, vector<16xf32>,
      %get3A_288 = arith.constant 0 : i32
      %get3A_289 = arith.index_cast %get3A_288 : i32 to index
      %get3A_290 = arith.index_cast %add3A_284 : i32 to index
      %get3A_291 = tpu.vector_load %arg10[%get3A_289, %get3A_290] {strides = array<i32>} : memref<8x2048xf32, #tpu.memory_space<vmem>>, vector<16xf32>,
      %sub3A_292 = arith.subf %get3A_287, %get3A_291 : vector<16xf32>
      %mul3A_293 = arith.mulf %sub3A_292, %sub3A_292 : vector<16xf32>
      %add3A_294 = arith.addf %scan3A_280, %mul3A_293 : vector<16xf32>
      %mul3A_295 = arith.constant 256 : i32
      %mul3A_296 = arith.muli %scan3A_279, %mul3A_295 : i32
      %add3A_297 = arith.constant 16 : i32
      %add3A_298 = arith.addi %mul3A_296, %add3A_297 : i32
      %get3A_299 = arith.constant 0 : i32
      %get3A_300 = arith.index_cast %get3A_299 : i32 to index
      %get3A_301 = arith.index_cast %add3A_298 : i32 to index
      %get3A_302 = tpu.vector_load %arg9[%get3A_300, %get3A_301] {strides = array<i32>} : memref<8x2048xf32, #tpu.memory_space<vmem>>, vector<16xf32>,
      %get3A_303 = arith.constant 0 : i32
      %get3A_304 = arith.index_cast %get3A_303 : i32 to index
      %get3A_305 = arith.index_cast %add3A_298 : i32 to index
      %get3A_306 = tpu.vector_load %arg10[%get3A_304, %get3A_305] {strides = array<i32>} : memref<8x2048xf32, #tpu.memory_space<vmem>>, vector<16xf32>,
      %sub3A_307 = arith.subf %get3A_302, %get3A_306 : vector<16xf32>
      %mul3A_308 = arith.mulf %sub3A_307, %sub3A_307 : vector<16xf32>
      %add3A_309 = arith.addf %add3A_294, %mul3A_308 : vector<16xf32>
      %mul3A_310 = arith.constant 256 : i32
      %mul3A_311 = arith.muli %scan3A_279, %mul3A_310 : i32
      %add3A_312 = arith.constant 32 : i32
      %add3A_313 = arith.addi %mul3A_311, %add3A_312 : i32
      %get3A_314 = arith.constant 0 : i32
      %get3A_315 = arith.index_cast %get3A_314 : i32 to index
      %get3A_316 = arith.index_cast %add3A_313 : i32 to index
      %get3A_317 = tpu.vector_load %arg9[%get3A_315, %get3A_316] {strides = array<i32>} : memref<8x2048xf32, #tpu.memory_space<vmem>>, vector<16xf32>,
      %get3A_318 = arith.constant 0 : i32
      %get3A_319 = arith.index_cast %get3A_318 : i32 to index
      %get3A_320 = arith.index_cast %add3A_313 : i32 to index
      %get3A_321 = tpu.vector_load %arg10[%get3A_319, %get3A_320] {strides = array<i32>} : memref<8x2048xf32, #tpu.memory_space<vmem>>, vector<16xf32>,
      %sub3A_322 = arith.subf %get3A_317, %get3A_321 : vector<16xf32>
      %mul3A_323 = arith.mulf %sub3A_322, %sub3A_322 : vector<16xf32>
      %add3A_324 = arith.addf %add3A_309, %mul3A_323 : vector<16xf32>
      %mul3A_325 = arith.constant 256 : i32
      %mul3A_326 = arith.muli %scan3A_279, %mul3A_325 : i32
      %add3A_327 = arith.constant 48 : i32
      %add3A_328 = arith.addi %mul3A_326, %add3A_327 : i32
      %get3A_329 = arith.constant 0 : i32
      %get3A_330 = arith.index_cast %get3A_329 : i32 to index
      %get3A_331 = arith.index_cast %add3A_328 : i32 to index
      %get3A_332 = tpu.vector_load %arg9[%get3A_330, %get3A_331] {strides = array<i32>} : memref<8x2048xf32, #tpu.memory_space<vmem>>, vector<16xf32>,
      %get3A_333 = arith.constant 0 : i32
      %get3A_334 = arith.index_cast %get3A_333 : i32 to index
      %get3A_335 = arith.index_cast %add3A_328 : i32 to index
      %get3A_336 = tpu.vector_load %arg10[%get3A_334, %get3A_335] {strides = array<i32>} : memref<8x2048xf32, #tpu.memory_space<vmem>>, vector<16xf32>,
      %sub3A_337 = arith.subf %get3A_332, %get3A_336 : vector<16xf32>
      %mul3A_338 = arith.mulf %sub3A_337, %sub3A_337 : vector<16xf32>
      %add3A_339 = arith.addf %add3A_324, %mul3A_338 : vector<16xf32>
      %mul3A_340 = arith.constant 256 : i32
      %mul3A_341 = arith.muli %scan3A_279, %mul3A_340 : i32
      %add3A_342 = arith.constant 64 : i32
      %add3A_343 = arith.addi %mul3A_341, %add3A_342 : i32
      %get3A_344 = arith.constant 0 : i32
      %get3A_345 = arith.index_cast %get3A_344 : i32 to index
      %get3A_346 = arith.index_cast %add3A_343 : i32 to index
      %get3A_347 = tpu.vector_load %arg9[%get3A_345, %get3A_346] {strides = array<i32>} : memref<8x2048xf32, #tpu.memory_space<vmem>>, vector<16xf32>,
      %get3A_348 = arith.constant 0 : i32
      %get3A_349 = arith.index_cast %get3A_348 : i32 to index
      %get3A_350 = arith.index_cast %add3A_343 : i32 to index
      %get3A_351 = tpu.vector_load %arg10[%get3A_349, %get3A_350] {strides = array<i32>} : memref<8x2048xf32, #tpu.memory_space<vmem>>, vector<16xf32>,
      %sub3A_352 = arith.subf %get3A_347, %get3A_351 : vector<16xf32>
      %mul3A_353 = arith.mulf %sub3A_352, %sub3A_352 : vector<16xf32>
      %add3A_354 = arith.addf %add3A_339, %mul3A_353 : vector<16xf32>
      %mul3A_355 = arith.constant 256 : i32
      %mul3A_356 = arith.muli %scan3A_279, %mul3A_355 : i32
      %add3A_357 = arith.constant 80 : i32
      %add3A_358 = arith.addi %mul3A_356, %add3A_357 : i32
      %get3A_359 = arith.constant 0 : i32
      %get3A_360 = arith.index_cast %get3A_359 : i32 to index
      %get3A_361 = arith.index_cast %add3A_358 : i32 to index
      %get3A_362 = tpu.vector_load %arg9[%get3A_360, %get3A_361] {strides = array<i32>} : memref<8x2048xf32, #tpu.memory_space<vmem>>, vector<16xf32>,
      %get3A_363 = arith.constant 0 : i32
      %get3A_364 = arith.index_cast %get3A_363 : i32 to index
      %get3A_365 = arith.index_cast %add3A_358 : i32 to index
      %get3A_366 = tpu.vector_load %arg10[%get3A_364, %get3A_365] {strides = array<i32>} : memref<8x2048xf32, #tpu.memory_space<vmem>>, vector<16xf32>,
      %sub3A_367 = arith.subf %get3A_362, %get3A_366 : vector<16xf32>
      %mul3A_368 = arith.mulf %sub3A_367, %sub3A_367 : vector<16xf32>
      %add3A_369 = arith.addf %add3A_354, %mul3A_368 : vector<16xf32>
      %mul3A_370 = arith.constant 256 : i32
      %mul3A_371 = arith.muli %scan3A_279, %mul3A_370 : i32
      %add3A_372 = arith.constant 96 : i32
      %add3A_373 = arith.addi %mul3A_371, %add3A_372 : i32
      %get3A_374 = arith.constant 0 : i32
      %get3A_375 = arith.index_cast %get3A_374 : i32 to index
      %get3A_376 = arith.index_cast %add3A_373 : i32 to index
      %get3A_377 = tpu.vector_load %arg9[%get3A_375, %get3A_376] {strides = array<i32>} : memref<8x2048xf32, #tpu.memory_space<vmem>>, vector<16xf32>,
      %get3A_378 = arith.constant 0 : i32
      %get3A_379 = arith.index_cast %get3A_378 : i32 to index
      %get3A_380 = arith.index_cast %add3A_373 : i32 to index
      %get3A_381 = tpu.vector_load %arg10[%get3A_379, %get3A_380] {strides = array<i32>} : memref<8x2048xf32, #tpu.memory_space<vmem>>, vector<16xf32>,
      %sub3A_382 = arith.subf %get3A_377, %get3A_381 : vector<16xf32>
      %mul3A_383 = arith.mulf %sub3A_382, %sub3A_382 : vector<16xf32>
      %add3A_384 = arith.addf %add3A_369, %mul3A_383 : vector<16xf32>
      %mul3A_385 = arith.constant 256 : i32
      %mul3A_386 = arith.muli %scan3A_279, %mul3A_385 : i32
      %add3A_387 = arith.constant 112 : i32
      %add3A_388 = arith.addi %mul3A_386, %add3A_387 : i32
      %get3A_389 = arith.constant 0 : i32
      %get3A_390 = arith.index_cast %get3A_389 : i32 to index
      %get3A_391 = arith.index_cast %add3A_388 : i32 to index
      %get3A_392 = tpu.vector_load %arg9[%get3A_390, %get3A_391] {strides = array<i32>} : memref<8x2048xf32, #tpu.memory_space<vmem>>, vector<16xf32>,
      %get3A_393 = arith.constant 0 : i32
      %get3A_394 = arith.index_cast %get3A_393 : i32 to index
      %get3A_395 = arith.index_cast %add3A_388 : i32 to index
      %get3A_396 = tpu.vector_load %arg10[%get3A_394, %get3A_395] {strides = array<i32>} : memref<8x2048xf32, #tpu.memory_space<vmem>>, vector<16xf32>,
      %sub3A_397 = arith.subf %get3A_392, %get3A_396 : vector<16xf32>
      %mul3A_398 = arith.mulf %sub3A_397, %sub3A_397 : vector<16xf32>
      %add3A_399 = arith.addf %add3A_384, %mul3A_398 : vector<16xf32>
      %mul3A_400 = arith.constant 256 : i32
      %mul3A_401 = arith.muli %scan3A_279, %mul3A_400 : i32
      %add3A_402 = arith.constant 128 : i32
      %add3A_403 = arith.addi %mul3A_401, %add3A_402 : i32
      %get3A_404 = arith.constant 0 : i32
      %get3A_405 = arith.index_cast %get3A_404 : i32 to index
      %get3A_406 = arith.index_cast %add3A_403 : i32 to index
      %get3A_407 = tpu.vector_load %arg9[%get3A_405, %get3A_406] {strides = array<i32>} : memref<8x2048xf32, #tpu.memory_space<vmem>>, vector<16xf32>,
      %get3A_408 = arith.constant 0 : i32
      %get3A_409 = arith.index_cast %get3A_408 : i32 to index
      %get3A_410 = arith.index_cast %add3A_403 : i32 to index
      %get3A_411 = tpu.vector_load %arg10[%get3A_409, %get3A_410] {strides = array<i32>} : memref<8x2048xf32, #tpu.memory_space<vmem>>, vector<16xf32>,
      %sub3A_412 = arith.subf %get3A_407, %get3A_411 : vector<16xf32>
      %mul3A_413 = arith.mulf %sub3A_412, %sub3A_412 : vector<16xf32>
      %add3A_414 = arith.addf %add3A_399, %mul3A_413 : vector<16xf32>
      %mul3A_415 = arith.constant 256 : i32
      %mul3A_416 = arith.muli %scan3A_279, %mul3A_415 : i32
      %add3A_417 = arith.constant 144 : i32
      %add3A_418 = arith.addi %mul3A_416, %add3A_417 : i32
      %get3A_419 = arith.constant 0 : i32
      %get3A_420 = arith.index_cast %get3A_419 : i32 to index
      %get3A_421 = arith.index_cast %add3A_418 : i32 to index
      %get3A_422 = tpu.vector_load %arg9[%get3A_420, %get3A_421] {strides = array<i32>} : memref<8x2048xf32, #tpu.memory_space<vmem>>, vector<16xf32>,
      %get3A_423 = arith.constant 0 : i32
      %get3A_424 = arith.index_cast %get3A_423 : i32 to index
      %get3A_425 = arith.index_cast %add3A_418 : i32 to index
      %get3A_426 = tpu.vector_load %arg10[%get3A_424, %get3A_425] {strides = array<i32>} : memref<8x2048xf32, #tpu.memory_space<vmem>>, vector<16xf32>,
      %sub3A_427 = arith.subf %get3A_422, %get3A_426 : vector<16xf32>
      %mul3A_428 = arith.mulf %sub3A_427, %sub3A_427 : vector<16xf32>
      %add3A_429 = arith.addf %add3A_414, %mul3A_428 : vector<16xf32>
      %mul3A_430 = arith.constant 256 : i32
      %mul3A_431 = arith.muli %scan3A_279, %mul3A_430 : i32
      %add3A_432 = arith.constant 160 : i32
      %add3A_433 = arith.addi %mul3A_431, %add3A_432 : i32
      %get3A_434 = arith.constant 0 : i32
      %get3A_435 = arith.index_cast %get3A_434 : i32 to index
      %get3A_436 = arith.index_cast %add3A_433 : i32 to index
      %get3A_437 = tpu.vector_load %arg9[%get3A_435, %get3A_436] {strides = array<i32>} : memref<8x2048xf32, #tpu.memory_space<vmem>>, vector<16xf32>,
      %get3A_438 = arith.constant 0 : i32
      %get3A_439 = arith.index_cast %get3A_438 : i32 to index
      %get3A_440 = arith.index_cast %add3A_433 : i32 to index
      %get3A_441 = tpu.vector_load %arg10[%get3A_439, %get3A_440] {strides = array<i32>} : memref<8x2048xf32, #tpu.memory_space<vmem>>, vector<16xf32>,
      %sub3A_442 = arith.subf %get3A_437, %get3A_441 : vector<16xf32>
      %mul3A_443 = arith.mulf %sub3A_442, %sub3A_442 : vector<16xf32>
      %add3A_444 = arith.addf %add3A_429, %mul3A_443 : vector<16xf32>
      %mul3A_445 = arith.constant 256 : i32
      %mul3A_446 = arith.muli %scan3A_279, %mul3A_445 : i32
      %add3A_447 = arith.constant 176 : i32
      %add3A_448 = arith.addi %mul3A_446, %add3A_447 : i32
      %get3A_449 = arith.constant 0 : i32
      %get3A_450 = arith.index_cast %get3A_449 : i32 to index
      %get3A_451 = arith.index_cast %add3A_448 : i32 to index
      %get3A_452 = tpu.vector_load %arg9[%get3A_450, %get3A_451] {strides = array<i32>} : memref<8x2048xf32, #tpu.memory_space<vmem>>, vector<16xf32>,
      %get3A_453 = arith.constant 0 : i32
      %get3A_454 = arith.index_cast %get3A_453 : i32 to index
      %get3A_455 = arith.index_cast %add3A_448 : i32 to index
      %get3A_456 = tpu.vector_load %arg10[%get3A_454, %get3A_455] {strides = array<i32>} : memref<8x2048xf32, #tpu.memory_space<vmem>>, vector<16xf32>,
      %sub3A_457 = arith.subf %get3A_452, %get3A_456 : vector<16xf32>
      %mul3A_458 = arith.mulf %sub3A_457, %sub3A_457 : vector<16xf32>
      %add3A_459 = arith.addf %add3A_444, %mul3A_458 : vector<16xf32>
      %mul3A_460 = arith.constant 256 : i32
      %mul3A_461 = arith.muli %scan3A_279, %mul3A_460 : i32
      %add3A_462 = arith.constant 192 : i32
      %add3A_463 = arith.addi %mul3A_461, %add3A_462 : i32
      %get3A_464 = arith.constant 0 : i32
      %get3A_465 = arith.index_cast %get3A_464 : i32 to index
      %get3A_466 = arith.index_cast %add3A_463 : i32 to index
      %get3A_467 = tpu.vector_load %arg9[%get3A_465, %get3A_466] {strides = array<i32>} : memref<8x2048xf32, #tpu.memory_space<vmem>>, vector<16xf32>,
      %get3A_468 = arith.constant 0 : i32
      %get3A_469 = arith.index_cast %get3A_468 : i32 to index
      %get3A_470 = arith.index_cast %add3A_463 : i32 to index
      %get3A_471 = tpu.vector_load %arg10[%get3A_469, %get3A_470] {strides = array<i32>} : memref<8x2048xf32, #tpu.memory_space<vmem>>, vector<16xf32>,
      %sub3A_472 = arith.subf %get3A_467, %get3A_471 : vector<16xf32>
      %mul3A_473 = arith.mulf %sub3A_472, %sub3A_472 : vector<16xf32>
      %add3A_474 = arith.addf %add3A_459, %mul3A_473 : vector<16xf32>
      %mul3A_475 = arith.constant 256 : i32
      %mul3A_476 = arith.muli %scan3A_279, %mul3A_475 : i32
      %add3A_477 = arith.constant 208 : i32
      %add3A_478 = arith.addi %mul3A_476, %add3A_477 : i32
      %get3A_479 = arith.constant 0 : i32
      %get3A_480 = arith.index_cast %get3A_479 : i32 to index
      %get3A_481 = arith.index_cast %add3A_478 : i32 to index
      %get3A_482 = tpu.vector_load %arg9[%get3A_480, %get3A_481] {strides = array<i32>} : memref<8x2048xf32, #tpu.memory_space<vmem>>, vector<16xf32>,
      %get3A_483 = arith.constant 0 : i32
      %get3A_484 = arith.index_cast %get3A_483 : i32 to index
      %get3A_485 = arith.index_cast %add3A_478 : i32 to index
      %get3A_486 = tpu.vector_load %arg10[%get3A_484, %get3A_485] {strides = array<i32>} : memref<8x2048xf32, #tpu.memory_space<vmem>>, vector<16xf32>,
      %sub3A_487 = arith.subf %get3A_482, %get3A_486 : vector<16xf32>
      %mul3A_488 = arith.mulf %sub3A_487, %sub3A_487 : vector<16xf32>
      %add3A_489 = arith.addf %add3A_474, %mul3A_488 : vector<16xf32>
      %mul3A_490 = arith.constant 256 : i32
      %mul3A_491 = arith.muli %scan3A_279, %mul3A_490 : i32
      %add3A_492 = arith.constant 224 : i32
      %add3A_493 = arith.addi %mul3A_491, %add3A_492 : i32
      %get3A_494 = arith.constant 0 : i32
      %get3A_495 = arith.index_cast %get3A_494 : i32 to index
      %get3A_496 = arith.index_cast %add3A_493 : i32 to index
      %get3A_497 = tpu.vector_load %arg9[%get3A_495, %get3A_496] {strides = array<i32>} : memref<8x2048xf32, #tpu.memory_space<vmem>>, vector<16xf32>,
      %get3A_498 = arith.constant 0 : i32
      %get3A_499 = arith.index_cast %get3A_498 : i32 to index
      %get3A_500 = arith.index_cast %add3A_493 : i32 to index
      %get3A_501 = tpu.vector_load %arg10[%get3A_499, %get3A_500] {strides = array<i32>} : memref<8x2048xf32, #tpu.memory_space<vmem>>, vector<16xf32>,
      %sub3A_502 = arith.subf %get3A_497, %get3A_501 : vector<16xf32>
      %mul3A_503 = arith.mulf %sub3A_502, %sub3A_502 : vector<16xf32>
      %add3A_504 = arith.addf %add3A_489, %mul3A_503 : vector<16xf32>
      %mul3A_505 = arith.constant 256 : i32
      %mul3A_506 = arith.muli %scan3A_279, %mul3A_505 : i32
      %add3A_507 = arith.constant 240 : i32
      %add3A_508 = arith.addi %mul3A_506, %add3A_507 : i32
      %get3A_509 = arith.constant 0 : i32
      %get3A_510 = arith.index_cast %get3A_509 : i32 to index
      %get3A_511 = arith.index_cast %add3A_508 : i32 to index
      %get3A_512 = tpu.vector_load %arg9[%get3A_510, %get3A_511] {strides = array<i32>} : memref<8x2048xf32, #tpu.memory_space<vmem>>, vector<16xf32>,
      %get3A_513 = arith.constant 0 : i32
      %get3A_514 = arith.index_cast %get3A_513 : i32 to index
      %get3A_515 = arith.index_cast %add3A_508 : i32 to index
      %get3A_516 = tpu.vector_load %arg10[%get3A_514, %get3A_515] {strides = array<i32>} : memref<8x2048xf32, #tpu.memory_space<vmem>>, vector<16xf32>,
      %sub3A_517 = arith.subf %get3A_512, %get3A_516 : vector<16xf32>
      %mul3A_518 = arith.mulf %sub3A_517, %sub3A_517 : vector<16xf32>
      %add3A_519 = arith.addf %add3A_504, %mul3A_518 : vector<16xf32>
      scf.yield %add3A_519 : vector<16xf32>
    }
    %scan3A_262 = arith.constant 8 : i32
    %mul3A_263 = arith.constant 8 : i32
    %mul3A_264 = arith.muli %mul3A_223, %mul3A_263 : i32
    %sub3A_265 = arith.subi %mul3A_264, %add3A_186 : i32
    %convert_element_type3A_266 = arith.sitofp %sub3A_265 : i32 to f32
    %mul3A_267 = vector.broadcast %convert_element_type3A_266 : f32 to vector<16xf32>
    %mul3A_268 = arith.mulf %scan3A_261, %mul3A_267 : vector<16xf32>
    %sub3A_269 = arith.subf %add3A_255, %mul3A_268 : vector<16xf32>
    %swap3A = arith.constant 0 : i32
    %swap3A_270 = arith.index_cast %swap3A : i32 to index
    %swap3A_271 = arith.constant 0 : index
    %swap3A_272 = tpu.vector_load %arg15[%swap3A_270, %swap3A_271] {strides = array<i32>} : memref<2x16xf32, #tpu.memory_space<vmem>>, vector<16xf32>,
    tpu.vector_store %arg15[%swap3A_270, %swap3A_271], %sub3A_269 {strides = array<i32>} : memref<2x16xf32, #tpu.memory_space<vmem>>, vector<16xf32>,
    %convert_element_type3A_273 = arith.sitofp %add3A_186 : i32 to f32
    %broadcast_in_dim3A_274 = vector.broadcast %convert_element_type3A_273 : f32 to vector<16xf32>
    %swap3A_275 = arith.constant 1 : i32
    %swap3A_276 = arith.index_cast %swap3A_275 : i32 to index
    %swap3A_277 = arith.constant 0 : index
    %swap3A_278 = tpu.vector_load %arg15[%swap3A_276, %swap3A_277] {strides = array<i32>} : memref<2x16xf32, #tpu.memory_space<vmem>>, vector<16xf32>,
    tpu.vector_store %arg15[%swap3A_276, %swap3A_277], %broadcast_in_dim3A_274 {strides = array<i32>} : memref<2x16xf32, #tpu.memory_space<vmem>>, vector<16xf32>,
    "tpu.region"() ({
      %run_scoped3A_279 = tpu.sem_alloc : memref<!tpu.dma_semaphore, #tpu.memory_space<semaphore_mem>>
      %dma_start3A = arith.constant 0 : i32
      %dma_start3A_280 = arith.constant 0 : i32
      %dma_start3A_281 = tpu.memref_slice %arg5[%add3A, %dma_start3A, %dma_start3A_280] : memref<32x2x16xf32, #tpu.memory_space<hbm>> -> memref<1x2x16xf32, #tpu.memory_space<hbm>>
      %dma_start3A_282 = tpu.memref_squeeze %dma_start3A_281 : memref<1x2x16xf32, #tpu.memory_space<hbm>> -> memref<2x16xf32, #tpu.memory_space<hbm>>
      %dma_start3A_283 = arith.constant 0 : i32
      %dma_start3A_284 = arith.constant 0 : i32
      %dma_start3A_285 = tpu.memref_slice %arg5[%add3A, %dma_start3A_283, %dma_start3A_284] : memref<32x2x16xf32, #tpu.memory_space<hbm>> -> memref<1x2x16xf32, #tpu.memory_space<hbm>>
      %dma_start3A_286 = tpu.memref_squeeze %dma_start3A_285 : memref<1x2x16xf32, #tpu.memory_space<hbm>> -> memref<2x16xf32, #tpu.memory_space<hbm>>
      tpu.enqueue_dma source(%arg15 : memref<2x16xf32, #tpu.memory_space<vmem>>) target(%dma_start3A_286 : memref<2x16xf32, #tpu.memory_space<hbm>>) target_semaphore(%run_scoped3A_279 : memref<!tpu.dma_semaphore, #tpu.memory_space<semaphore_mem>>)
      %dma_wait3A = arith.constant 0 : i32
      %dma_wait3A_287 = arith.constant 0 : i32
      %dma_wait3A_288 = tpu.memref_slice %arg5[%add3A, %dma_wait3A, %dma_wait3A_287] : memref<32x2x16xf32, #tpu.memory_space<hbm>> -> memref<1x2x16xf32, #tpu.memory_space<hbm>>
      %dma_wait3A_289 = tpu.memref_squeeze %dma_wait3A_288 : memref<1x2x16xf32, #tpu.memory_space<hbm>> -> memref<2x16xf32, #tpu.memory_space<hbm>>
      %dma_wait3A_290 = arith.constant 0 : i32
      %dma_wait3A_291 = arith.constant 0 : i32
      %dma_wait3A_292 = tpu.memref_slice %arg5[%add3A, %dma_wait3A_290, %dma_wait3A_291] : memref<32x2x16xf32, #tpu.memory_space<hbm>> -> memref<1x2x16xf32, #tpu.memory_space<hbm>>
      %dma_wait3A_293 = tpu.memref_squeeze %dma_wait3A_292 : memref<1x2x16xf32, #tpu.memory_space<hbm>> -> memref<2x16xf32, #tpu.memory_space<hbm>>
      tpu.wait_dma2 semaphore(%run_scoped3A_279 : memref<!tpu.dma_semaphore, #tpu.memory_space<semaphore_mem>>) src(%arg15 : memref<2x16xf32, #tpu.memory_space<vmem>>) dst(%dma_wait3A_293 : memref<2x16xf32, #tpu.memory_space<hbm>>)
      tpu.yield
    }) : () -> ()
    return
  }
}

</mosaic_0001>

<sc_bundles>
// kernel: _masked_mse.3.cloned.1.call-start
scs
__scs_entry_jumppad:
0x0: {  	(pc) =	sbr.rel $0x88, $3  }
0x1: {  	(tag) =	ssettag $0x0;
	lr =	simm.s32 $0x1  }
0x2: {  	[smem:$0x3F9E] =	sst lr;
	_ =	strace $0xD0000000  }
0x3: {  	_ = 	snop  }
0x4: {  	_ = 	snop  }
0x5: {  	_ = 	snop  }
0x6: {  	_ = 	snop  }
0x7: {  	_ = 	snop  }
__scs_overlays_trampoline_lowered:
0x8: {  	[smem:$0x3FAD] =	sst s0  }
0x9: {  	[smem:$0x3FAE] =	sst s1  }
0xa: {  	[smem:$0x3FAF] =	sst s2  }
0xb: {  	[smem:$0x3FB0] =	sst s3  }
0xc: {  	[smem:$0x3FB1] =	sst s4  }
0xd: {  	[smem:$0x3FB2] =	sst s5  }
0xe: {  	[smem:$0x3FB3] =	sst s6  }
0xf: {  	[smem:$0x3FB4] =	sst s7  }
0x10: {  	[smem:$0x3FB5] =	sst s8  }
0x11: {  	[smem:$0x3FB6] =	sst s9;
	s0 =	simm.s32 @!p0 $0x0  }
0x12: {  	s1 =	sld [smem:$0x3F9C];
	s0 =	simm.s32 @p0 $0x1  }
0x13: {  	[smem:$0x3FB7] =	sst s0;
	s0 =	simm.s32 @!p1 $0x0  }
0x14: {  	s2 =	sld [smem:$0x3F9B];
	s0 =	simm.s32 @p1 $0x1  }
0x15: {  	[smem:$0x3FB8] =	sst s0;
	s0 =	simm.s32 @!p2 $0x0  }
0x16: {  	s3 =	sld [smem:$0x3FDB];
	s0 =	simm.s32 @p2 $0x1  }
0x17: {  	s4 =	simm.s32 $0x1BF5;
	[smem:$0x3FBA] =	sst s0  }
0x18: {  	s0 =	sld [smem:$0x3F9D];
	_ =	swait.ge [sflag:s4], $0x0  }
0x19: {  	s7 =	sld [smem:$0x3F9E]  }
0x1a: {  	s8 =	sadd.s32 $0xFFFFE003, lr  }
0x1b: {  	s9 =	sadd.s32 $0xFFFFFEF7, lr;
	s5 =	simm.s32 $0xFFFFFFFF;
	p2 =	slt.u32 s8, $0xFFFFF086  }
0x1c: {  	p1 =	slt.u32 s9, $0xF7A;
	s5 =	simm.s32 @!p2 $0x0  }
0x1d: {  	s5 =	simm.s32 @p1 $0x1;
	p0 =	seq.s32 s7, s2  }
0x1e: {  	s7 =	smul.u32 @!p0 $0xF7A, s2;
	p2 =	seq.s32 @!p0 s5, $0x0  }
0x1f: {  	s9 =	smul.u32 $0xF7A, s1;
	s8 =	simm.s32 @!p0 $0x1BF5;
	p2 =	por !p2, p0  }
0x20: {  	[sflag:s8] =	ssyncset.s32 @!p0 $0xFFFFF086;
	s6 =	sadd.s32 @!p0 s3, s7;
	s7 =	simm.s32 @!p0 $0x108  }
0x21: {  	s3 =	sadd.s32 s3, s9;
	s6 =	sadd.s32 @!p0 $0x88, s6;
	s7 =	simm.s32 @p2 $0x1082  }
0x22: {  	[simem:s7], [sflag:s8] =	dma.local @!p0 [hbm:s6], $0xF7A  }
0x23: {  	s9 =	sor.u32 $0xD0000000, s2;
	s6 =	simm.s32 $0x108;
	_ =	swait.ge @!p0 [sflag:s8], $0x0  }
0x24: {  	s3 =	sadd.s32 $0x88, s3;
	s6 =	simm.s32 @!p1 $0x1082;
	[sflag:s4] =	ssyncset.s32 $0xFFFFF086  }
0x25: {  	[simem:s6], [sflag:s4] =	dma.local [hbm:s3], $0xF7A  }
0x26: {  	[smem:$0x3F9E] =	sst s1;
	(tag) =	ssettag s2;
	_ =	strace s9  }
0x27: {  	s1 =	sld [smem:$0x3FAE]  }
0x28: {  	s2 =	sld [smem:$0x3FAF]  }
0x29: {  	s4 =	sld [smem:$0x3FB1]  }
0x2a: {  	p0 =	seq.s32 s5, $0x0;
	s5 =	sld [smem:$0x3FB2]  }
0x2b: {  	s6 =	sld [smem:$0x3FB3]  }
0x2c: {  	s7 =	sld [smem:$0x3FB4]  }
0x2d: {  	s3 =	simm.s32 $0x108;
	s8 =	sld [smem:$0x3FB5]  }
0x2e: {  	s3 =	simm.s32 @!p0 $0x1082;
	s9 =	sld [smem:$0x3FB6]  }
0x2f: {  	lr =	sadd.s32 s0, s3;
	s0 =	sld [smem:$0x3FAD]  }
0x30: {  	s3 =	sld [smem:$0x3FB0]  }
0x31: {  	[smem:$0x3FB9] =	sst s10  }
0x32: {  	s10 =	sld [smem:$0x3FB7];
	_ =	sdelay $0x3  }
0x33: {  	p0 =	seq.s32 s10, $0x1;
	s10 =	sld [smem:$0x3FB9];
	_ =	sdelay $0x3  }
0x34: {  	[smem:$0x3FB9] =	sst s10  }
0x35: {  	s10 =	sld [smem:$0x3FB8];
	_ =	sdelay $0x3  }
0x36: {  	p1 =	seq.s32 s10, $0x1;
	s10 =	sld [smem:$0x3FB9];
	_ =	sdelay $0x3  }
0x37: {  	[smem:$0x3FB9] =	sst s10  }
0x38: {  	s10 =	sld [smem:$0x3FBA]  }
0x39: {  	_ = 	snop;
	(pc) =	sbr.ind lr, $3  }
0x3a: {  	_ = 	snop  }
0x3b: {  	_ = 	snop  }
0x3c: {  	p2 =	seq.s32 s10, $0x1;
	s10 =	sld [smem:$0x3FB9]  }
0x3d: {  	_ =	shalt  }
0x3e: {  	_ =	shalt  }
0x3f: {  	_ =	shalt  }
0x40: {  	_ =	shalt  }
0x41: {  	_ =	shalt  }
0x42: {  	_ =	shalt  }
0x43: {  	_ =	shalt  }
0x44: {  	_ =	shalt  }
0x45: {  	_ =	shalt  }
0x46: {  	_ =	shalt  }
0x47: {  	_ =	shalt  }
0x48: {  	_ =	shalt  }
0x49: {  	_ =	shalt  }
0x4a: {  	_ =	shalt  }
0x4b: {  	_ =	shalt  }
0x4c: {  	_ =	shalt  }
0x4d: {  	_ =	shalt  }
0x4e: {  	_ =	shalt  }
0x4f: {  	_ =	shalt  }
0x50: {  	_ =	shalt  }
0x51: {  	_ =	shalt  }
0x52: {  	_ =	shalt  }
0x53: {  	_ =	shalt  }
0x54: {  	_ =	shalt  }
0x55: {  	_ =	shalt  }
0x56: {  	_ =	shalt  }
0x57: {  	_ =	shalt  }
0x58: {  	_ =	shalt  }
0x59: {  	_ =	shalt  }
0x5a: {  	_ =	shalt  }
0x5b: {  	_ =	shalt  }
0x5c: {  	_ =	shalt  }
0x5d: {  	_ =	shalt  }
0x5e: {  	_ =	shalt  }
0x5f: {  	_ =	shalt  }
0x60: {  	_ =	shalt  }
0x61: {  	_ =	shalt  }
0x62: {  	_ =	shalt  }
0x63: {  	_ =	shalt  }
0x64: {  	_ =	shalt  }
0x65: {  	_ =	shalt  }
0x66: {  	_ =	shalt  }
0x67: {  	_ =	shalt  }
0x68: {  	_ =	shalt  }
0x69: {  	_ =	shalt  }
0x6a: {  	_ =	shalt  }
0x6b: {  	_ =	shalt  }
0x6c: {  	_ =	shalt  }
0x6d: {  	_ =	shalt  }
0x6e: {  	_ =	shalt  }
0x6f: {  	_ =	shalt  }
0x70: {  	_ =	shalt  }
0x71: {  	_ =	shalt  }
0x72: {  	_ =	shalt  }
0x73: {  	_ =	shalt  }
0x74: {  	_ =	shalt  }
0x75: {  	_ =	shalt  }
0x76: {  	_ =	shalt  }
0x77: {  	_ =	shalt  }
0x78: {  	_ =	shalt  }
0x79: {  	_ =	shalt  }
0x7a: {  	_ =	shalt  }
0x7b: {  	_ =	shalt  }
0x7c: {  	_ =	shalt  }
0x7d: {  	_ =	shalt  }
0x7e: {  	_ =	shalt  }
0x7f: {  	_ =	shalt  }
0x80: {  	_ =	shalt  }
0x81: {  	_ =	shalt  }
0x82: {  	_ =	shalt  }
0x83: {  	_ =	shalt  }
0x84: {  	_ =	shalt  }
0x85: {  	_ =	shalt  }
0x86: {  	_ =	shalt  }
0x87: {  	_ =	shalt  }
.Lfunc_end0:
.L_simem_size_0:
called_computation_lowered:
.L_overlay_start_0:
0x88: {  	s2 =	sld [smem:$0x3FD9]  }
0x89: {  	s3 =	sld [smem:$0x3FFE];
	_ =	sdelay $0x1  }
0x8a: {  	s1 =	srdreg.scid  }
0x8b: {  	s0 =	sand.u32 $0x1, s1  }
0x8c: {  	s17 =	sshll.u32 s0, $0xA;
	s2 =	sadd.s32 s3, s2  }
0x8d: {  	s2 =	sadd.s32 s2, s17  }
0x8e: {  	[smem:$0x3FC5] =	sst s2  }
0x8f: {  	_ = 	snop  }
0x90: {  	s2 =	sld [smem:$0x3FC9]  }
0x91: {  	s18 =	sld [smem:$0x3FC8]  }
0x92: {  	s4 =	sld [smem:$0x3FC7];
	(tm) =	ssettm $0x1  }
0x93: {  	s5 =	sld [smem:$0x3FFB];
	_ =	sdelay $0x3  }
0x94: {  	_ =	strace s5  }
0x95: {  	s5 =	sld [smem:$0x3FFC];
	_ =	sdelay $0x3  }
0x96: {  	_ =	strace s5  }
0x97: {  	s5 =	sld [smem:$0x3FFD];
	_ =	sdelay $0x3  }
0x98: {  	_ =	strace s5  }
0x99: {  	_ =	strace $0x8FFFFFFF  }
0x9a: {  	s19 =	sld [smem:$0x3FDB];
	_ =	sdelay $0x1  }
0x9b: {  	s6 =	simm.s32 $_scs_section_size  }
0x9c: {  	s7 =	simm.s32 $_size__tile_overlayer_lowered;
	s8 =	simm.s32 $_tile_overlayer_lowered  }
0x9d: {  	s22 =	simm.s32 $0x1BFF;
	s21 =	sshll.u32 s8, $0x1;
	s5 =	sadd.s32 s6, s19  }
0x9e: {  	s9 =	simm.s32 $0x0;
	s20 =	sshll.u32 s7, $0x1;
	s7 =	sadd.s32 s21, s5  }
0x9f: {  	[timem:s9], [sflag:s22] =	dma.local [hbm:s7], s20  }
0xa0: {  	_ =	swait.ge [sflag:s22], s20  }
0xa1: {  	s6 =	ssub.s32 $0x0, s20;
	[sflag:s22] =	ssyncset.done $0x0  }
0xa2: {  	[sflag:s22] =	ssyncadd.s32 s6;
	_ =	sdelay $0x1  }
0xa3: {  	s23 =	simm.s32 $0x1B8B  }
0xa4: {  	_ =	swait.ge [sflag:s23], $0x1  }
0xa5: {  	[sflag:s23] =	ssyncset.done $0x0  }
0xa6: {  	s25 =	simm.s32 $0x1B8E;
	s24 =	sld [smem:$0x3FFE];
	[sflag:s23] =	ssyncadd.s32 $0xFFFFFFFF  }
0xa7: {  	s26 =	simm.s32 $execute0_lowered;
	[smem:$0x3FD2] =	sst s25  }
0xa8: {  	s7 =	sshll.u32 s26, $0x1;
	_ =	strace $0x80000046;
	[dreg:$0x1] =	wrdreg $0xFFFFFFFF  }
0xa9: {  	s28 =	simm.s32 $_size_execute0_lowered;
	s5 =	sadd.s32 s5, s7;
	[dreg:$0x0] =	wrdreg $0x0  }
0xaa: {  	s7 =	sshll.u32 s28, $0x1;
	[dreg:$0x2] =	wrdreg s5  }
0xab: {  	[dreg:$0x3] =	wrdreg s7  }
0xac: {  	[dreg:$0x4] =	wrdreg $0xC0  }
0xad: {  	_ =	task [dreg:s9], $0x5FFFF  }
0xae: {  	[dreg:$0x1] =	wrdreg $0xFFFFFFFF  }
0xaf: {  	[dreg:$0x0] =	wrdreg $0x60  }
0xb0: {  	[dreg:$0x2] =	wrdreg s2  }
0xb1: {  	[dreg:$0x3] =	wrdreg s18  }
0xb2: {  	[dreg:$0x4] =	wrdreg s4  }
0xb3: {  	[dreg:$0x5] =	wrdreg s24  }
0xb4: {  	[dreg:$0x6] =	wrdreg $0x9  }
0xb5: {  	_ =	task.clear_ibuf [dreg:s9], $0x7FFFF;
	_ =	strace $0x90000046  }
0xb6: {  	s29 =	simm.s32 $0x9;
	_ =	strace $0x80000048  }
0xb7: {  	_ =	swait.ge [sflag:s29], $0x1  }
0xb8: {  	[sflag:s29] =	ssyncadd.s32 $0xFFFFFFFF  }
0xb9: {  	_ =	strace $0x90000048  }
0xba: {  	_ =	sfence  }
0xbb: {  	s30 =	sld [smem:$0x0];
	_ =	sdelay $0x2  }
0xbc: {  	s31 =	sshll.u32 s1, $0xD;
	s1 =	sshrl.u32 s1, $0x2  }
0xbd: {  	s3 =	sand.u32 $0x4000, s31;
	s1 =	sadd.s32 s1, s30  }
0xbe: {  	s0 =	sor.u32 s3, s0;
	s1 =	sshll.u32 s1, $0x11  }
0xbf: {  	s0 =	sor.u32 s1, s0  }
0xc0: {  	s0 =	sadd.s32 $0x8F2B, s0  }
0xc1: {  	[sflag:s0] =	ssyncadd.remote.s32 $0x1  }
0xc2: {  	_ =	sfence.sel $0xFFFF  }
0xc3: {  	[dreg:$0x0] =	wrdreg $0xFFFFFFFF;
	(pc) =	sbr.abs _section_cstart, $3  }
0xc4: {  	[dreg:$0x1] =	wrdreg $0xFFFFFFFF  }
0xc5: {  	_ =	task.clear_ibuf [dreg:s9], $0x2FFFF;
	_ =	strace $0x9FFFFFFF  }
0xc6: {  	(tm) =	ssettm $0x7FFFFFFF  }
0xc7: {  	_ =	shalt  }
tec
execute0_lowered:
.L_overlay_start_1:
0x0: {  	(tag) =	ssettag $0x1  }
0x1: {  	s1 =	rddreg [dreg:$0x0]  }
0x2: {  	s2 =	rddreg [dreg:$0x1]  }
0x3: {  	s3 =	rddreg [dreg:$0x2]  }
0x4: {  	s4 =	rddreg [dreg:$0x3]  }
0x5: {  	s0 =	srdreg.scid;
	s22 =	simm.s32 $0x0;
	s20 =	stileid.u32  }
0x6: {  	s28 =	simm.s32 $0x480;
	s29 =	simm.s32 $0x1;
	s30 =	simm.s32 $0x2  }
0x7: {  	s31 =	simm.s32 $0x3;
	s5 =	sand.u32 $0x1, s0;
	[smem:$0x7FF] =	sst s22  }
0x8: {  	s6 =	sshll.u32 s20, $0x1;
	s8 =	sadd.s32 $0x300, s1;
	s9 =	sadd.s32 $0x400, s1  }
0x9: {  	s10 =	sadd.s32 $0x500, s1;
	s11 =	sadd.s32 $0x600, s1;
	s12 =	sadd.s32 $0x700, s1  }
0xa: {  	s13 =	sadd.s32 $0x100, s2;
	s14 =	sadd.s32 $0x200, s2;
	s15 =	sadd.s32 $0x300, s2  }
0xb: {  	s16 =	sadd.s32 $0x400, s2;
	s17 =	sadd.s32 $0x500, s2;
	s18 =	sadd.s32 $0x600, s2  }
0xc: {  	s0 =	ssub.s32 $0x2, s5;
	_ =	strace $0x80000047;
	s19 =	sor.u32 s5, s6  }
0xd: {  	s23 =	sshll.u32 s5, $0x9;
	s7 =	sshrl.u32 s0, $0x1;
	s6 =	sshll.u32 s19, $0x6  }
0xe: {  	s26 =	sshll.u32 s19, $0x5;
	s24 =	sshll.u32 s19, $0x11;
	s21 =	ssub.s32 s0, s7  }
0xf: {  	s0 =	sshll.u32 s19, $0x9;
	s3 =	sadd.s32 s3, s6;
	s6 =	sadd.s32 $0x100, s1  }
0x10: {  	v0 =	vlaneseq.u32;
	v3 =	vimm.s32 $0x0;
	vm1 =	vcmask $0x3F0C;
	s7 =	sadd.s32 $0x200, s1;
	s1 =	sadd.s32 s1, s24;
	s25 =	sadd.s32 s2, s24  }
0x11: {  	vm2 =	vcmask $0x3F10;
	vm3 =	vcmask $0x3F14;
	vm4 =	vcmask $0x3F18;
	s19 =	simm.s32 $0x4;
	s24 =	simm.s32 $0x1700;
	[dreg:$0x5] =	wrdreg s3  }
0x12: {  	vm5 =	vcmask $0x3F1C;
	vm6 =	vcmask $0x3F20;
	vm7 =	vcmask $0x3F24;
	s3 =	sadd.s32 s4, s26;
	s4 =	sshll.u32 s20, $0xA;
	[dreg:$0x8] =	wrdreg s1  }
0x13: {  	vm8 =	vcmask $0x3F28;
	vm9 =	vcmask $0x3F2C;
	vm10 =	vcmask $0x3F30;
	s20 =	sadd.s32 $0x700, s2;
	[dreg:$0x9] =	wrdreg s25;
	s26 =	smax.u32 s21, $0x1  }
0x14: {  	vm11 =	vcmask $0x3F34;
	vm12 =	vcmask $0x3F38;
	vm13 =	vcmask $0x3F3C;
	s21 =	simm.s32 $0x700;
	s25 =	simm.s32 $0x1F00;
	[dreg:$0x6] =	wrdreg s3  }
0x15: {  	vm14 =	vmmov $0xffff;
	v2 =	vmul.u32 $0x20, v0;
	v5 =	vshrl.u32 v0, $0x3;
	s1 =	simm.s32 $0x0;
	s3 =	sor.u32 s23, s4;
	[dreg:$0xa] =	wrdreg s26  }
0x16: {  	v4 =	vand.u32 $0x7, v0;
	v5 =	vmul.u32 $0x8, v5;
	v1 =	vmov s0;
	s26 =	simm.s32 $0x200;
	s23 =	simm.s32 $0xF00;
	[dreg:$0x7] =	wrdreg s3  }
.LBB2_1:
0x17: {  	s0 =	rddreg [dreg:$0x5]  }
0x18: {  	[tilespmem:s22], [sflag:$0x4] =	stream.linear.gather [hbm4b:s0+s22], $0x200, $0x38;
	[tilespmem:$0x18800] =	vst v63  }
0x19: {  	_ =	swait.ge [sflag:s19], $0x200  }
0x1a: {  	[sflag:s19] =	ssyncset.done $0x0  }
0x1b: {  	s5 =	simm.s32 $0x0;
	[sflag:s19] =	ssyncadd.s32 $0xFFFFFE00  }
0x1c: {  	v6 =	vld [tilespmem:s5+$0x0];
	_ =	sdelay $0x4  }
0x1d: {  	vm15 =	vgt.s32 v6, $0x0;
	v6 =	vadd.s32 v2, v3  }
0x1e: {  	v6 =	vnsel vm15, $0x200, v6;
	_ =	sdelay $0x2  }
0x1f: {  	s0 =	rddreg [dreg:$0x7]  }
0x20: {  	v8 =	vor.u32 s0, v0;
	v7 =	vsel vm15, $0x1, v3  }
0x21: {  	s4 =	simm.s32 $0x10;
	s3 =	simm.s32 $0x80;
	v7 =	vadd.s32 v7, v3;
	[tilespmem:v6+s26+$0x0] =	vst.idx.msk $0xffff, v8  }
.LBB2_2:
0x22: {  	p0 =	sne.s32 s3, $0x7C0;
	v6 =	vld [tilespmem:s4+$0x0];
	_ =	sdelay $0x4  }
0x23: {  	vm15 =	vgt.s32 v6, $0x0;
	v6 =	vadd.s32 v2, v7  }
0x24: {  	v6 =	vnsel vm15, $0x200, v6;
	v8 =	vsel vm15, $0x1, v3  }
.Ltmp0:
0x25: {  	v7 =	vadd.s32 v8, v7;
	(pc) =	sbr.rel @p0 .LBB2_2-.Ltmp0, $4  }
0x26: {  	_ = 	snop  }
0x27: {  	s0 =	sadd.s32 $0x10, s0  }
0x28: {  	v8 =	vor.u32 s0, v0  }
0x29: {  	s4 =	sshra.s32 s3, $0x2;
	s3 =	sadd.s32 $0x40, s3;
	[tilespmem:v6+s26+$0x0] =	vst.idx.msk $0xffff, v8  }
0x2a: {  	v6 =	vld [tilespmem:s4+$0x0];
	_ =	sdelay $0x4  }
0x2b: {  	vm15 =	vgt.s32 v6, $0x0  }
0x2c: {  	v6 =	vsel vm15, $0x1, v3  }
0x2d: {  	v6 =	vadd.s32 v6, v7  }
0x2e: {  	v8 =	vbroadcast v6, $0x0  }
0x2f: {  	vm0 =	veq.s32 v0, $0x0;
	v9 =	vbroadcast v6, $0x1  }
0x30: {  	v10 =	vbroadcast v6, $0x2;
	v8 =	vsel vm0, $0x0, v8;
	vm0 =	vcmask $0x3F08  }
0x31: {  	v11 =	vbroadcast v6, $0x3;
	v9 =	vnsel vm0, $0x0, v9  }
0x32: {  	v8 =	vadd.s32 v9, v8;
	v9 =	vnsel vm1, $0x0, v10;
	v10 =	vbroadcast v6, $0x4  }
0x33: {  	v8 =	vadd.s32 v9, v8;
	v9 =	vnsel vm2, $0x0, v11;
	v11 =	vbroadcast v6, $0x5  }
0x34: {  	v8 =	vadd.s32 v9, v8;
	v9 =	vnsel vm3, $0x0, v10;
	v10 =	vbroadcast v6, $0x6  }
0x35: {  	v8 =	vadd.s32 v9, v8;
	v9 =	vnsel vm4, $0x0, v11;
	v11 =	vbroadcast v6, $0x7  }
0x36: {  	v8 =	vadd.s32 v9, v8;
	v9 =	vnsel vm5, $0x0, v10;
	v10 =	vbroadcast v6, $0x8  }
0x37: {  	v8 =	vadd.s32 v9, v8;
	v9 =	vnsel vm6, $0x0, v11;
	v11 =	vbroadcast v6, $0x9  }
0x38: {  	v8 =	vadd.s32 v9, v8;
	v9 =	vnsel vm7, $0x0, v10;
	v10 =	vbroadcast v6, $0xA  }
0x39: {  	v8 =	vadd.s32 v9, v8;
	v9 =	vnsel vm8, $0x0, v11;
	v11 =	vbroadcast v6, $0xB  }
0x3a: {  	v7 =	vadd.s32 v2, v7;
	v8 =	vadd.s32 v9, v8;
	v9 =	vnsel vm9, $0x0, v10  }
0x3b: {  	v10 =	vbroadcast v6, $0xC;
	v8 =	vadd.s32 v9, v8;
	v9 =	vnsel vm10, $0x0, v11  }
0x3c: {  	s3 =	simm.s32 $0x0;
	v11 =	vnsel vm15, $0x200, v7;
	v7 =	vadd.s32 v9, v8;
	v8 =	vbroadcast v6, $0xD  }
0x3d: {  	v12 =	vor.u32 s3, v2;
	v9 =	vnsel vm11, $0x0, v10;
	v10 =	vbroadcast v6, $0xE  }
0x3e: {  	v7 =	vadd.s32 v9, v7;
	v8 =	vnsel vm12, $0x0, v8  }
0x3f: {  	s0 =	sadd.s32 $0x10, s0;
	v7 =	vadd.s32 v8, v7;
	v8 =	vnsel vm13, $0x0, v10  }
0x40: {  	v9 =	vor.u32 s0, v0;
	v7 =	vadd.s32 v8, v7;
	v8 =	vmov s3  }
0x41: {  	[tilespmem:v11+s26+$0x0] =	vst.idx.msk $0xffff, v9;
	vm0 =	vlt.s32 v8, v6;
	v9 =	vadd.s32 s3, v7  }
0x42: {  	s0 =	simm.s32 $0x1;
	v8 =	vld.idx.msk [tilespmem:v12+s26+$0x0], $0xffff;
	v10 =	vnsel vm0, $0x200, v9  }
0x43: {  	[dreg:$0xb] =	wrdreg s1;
	s3 =	simm.s32 $0x2;
	v9 =	vor.u32 s0, v2  }
.LBB2_4:
0x44: {  	p0 =	sne.s32 s3, $0x1F;
	_ =	sdelay $0x1  }
.Ltmp1:
0x45: {  	(pc) =	sbr.rel @p0 .LBB2_4-.Ltmp1, $4  }
0x46: {  	v11 =	vmov s0;
	[tilespmem:v10+s28+$0x0] =	vst.idx.msk $0xffff, v8  }
0x47: {  	vm0 =	vlt.s32 v11, v6;
	v8 =	vld.idx.msk [tilespmem:v9+s26+$0x0], $0xffff;
	v9 =	vadd.s32 s0, v7;
	s0 =	smov.u32 s3  }
0x48: {  	v10 =	vnsel vm0, $0x200, v9  }
0x49: {  	s3 =	sadd.s32 $0x1, s3;
	v9 =	vor.u32 s0, v2  }
0x4a: {  	(v2sf) =	vpush v6, $0x0  }
0x4b: {  	(v2sf) =	vpush v6, $0x1  }
0x4c: {  	(v2sf) =	vpush v6, $0x2  }
0x4d: {  	(v2sf) =	vpush v6, $0x3  }
0x4e: {  	(v2sf) =	vpush v6, $0x4  }
0x4f: {  	(v2sf) =	vpush v6, $0x5  }
0x50: {  	(v2sf) =	vpush v6, $0x6  }
0x51: {  	(v2sf) =	vpush v6, $0x7  }
0x52: {  	(v2sf) =	vpush v6, $0x8  }
0x53: {  	(v2sf) =	vpush v6, $0x9  }
0x54: {  	(v2sf) =	vpush v6, $0xA  }
0x55: {  	(v2sf) =	vpush v6, $0xB  }
0x56: {  	(v2sf) =	vpush v6, $0xC  }
0x57: {  	(v2sf) =	vpush v6, $0xD  }
0x58: {  	(v2sf) =	vpush v6, $0xE  }
0x59: {  	s3 =	spop (v2sf);
	(v2sf) =	vpush v6, $0xF  }
0x5a: {  	s4 =	spop (v2sf)  }
0x5b: {  	s5 =	spop (v2sf);
	s3 =	sadd.s32 s4, s3  }
0x5c: {  	s1 =	spop (v2sf);
	s3 =	sadd.s32 s5, s3  }
0x5d: {  	s2 =	spop (v2sf);
	s3 =	sadd.s32 s1, s3  }
0x5e: {  	s1 =	spop (v2sf);
	s3 =	sadd.s32 s2, s3  }
0x5f: {  	s2 =	spop (v2sf);
	s3 =	sadd.s32 s1, s3  }
0x60: {  	s1 =	spop (v2sf);
	s3 =	sadd.s32 s2, s3  }
0x61: {  	s2 =	spop (v2sf);
	s3 =	sadd.s32 s1, s3  }
0x62: {  	s1 =	spop (v2sf);
	s3 =	sadd.s32 s2, s3  }
0x63: {  	s2 =	spop (v2sf);
	s3 =	sadd.s32 s1, s3  }
0x64: {  	s1 =	spop (v2sf);
	s3 =	sadd.s32 s2, s3  }
0x65: {  	s2 =	spop (v2sf);
	s3 =	sadd.s32 s1, s3  }
0x66: {  	s1 =	spop (v2sf);
	s3 =	sadd.s32 s2, s3  }
0x67: {  	s2 =	spop (v2sf);
	s3 =	sadd.s32 s1, s3  }
0x68: {  	s3 =	sadd.s32 s2, s3;
	s1 =	spop (v2sf)  }
0x69: {  	s1 =	sadd.s32 s1, s3  }
0x6a: {  	s3 =	sadd.s32 $0x17, s1  }
0x6b: {  	s4 =	smulhi.u32 $0x2AAAAAAB, s3;
	s2 =	sshra.s32 s3, $0x1F  }
0x6c: {  	s5 =	smul.u32 $0x2AAAAAAB, s2;
	_ =	sdelay $0x1  }
0x6d: {  	s4 =	sadd.s32 s5, s4  }
0x6e: {  	s5 =	sshrl.u32 s4, $0x1F;
	s4 =	sshra.s32 s4, $0x2  }
0x6f: {  	s4 =	sadd.s32 s5, s4  }
0x70: {  	s5 =	smul.u32 $0xFFFFFFE8, s4  }
0x71: {  	s2 =	ssub.s32 $0xFFFFFFE9, s1  }
0x72: {  	p1 =	slt.s32 s3, $0x1;
	p0 =	sne.s32 s5, s2  }
0x73: {  	v11 =	vmov s0;
	p0 =	por !p1, !p0  }
0x74: {  	vm0 =	vlt.s32 v11, v6;
	[tilespmem:v10+s28+$0x0] =	vst.idx.msk $0xffff, v8;
	v6 =	vadd.s32 s0, v7;
	s0 =	simm.s32 $0x1;
	p0 =	por !p0, !p0  }
0x75: {  	v7 =	vld.idx.msk [tilespmem:v9+s26+$0x0], $0xffff;
	v6 =	vnsel vm0, $0x200, v6;
	s0 =	simm.s32 @!p0 $0x0  }
0x76: {  	v8 =	vadd.s32 s1, v0;
	s5 =	sadd.s32 $0x10, s1;
	s0 =	ssub.s32 s4, s0  }
0x77: {  	v63 =	vadd.s32 s5, v0;
	p0 =	slt.s32 s0, $0x1  }
.Ltmp2:
0x78: {  	_ = 	snop;
	(pc) =	sbr.rel @p0 .LBB2_15-.Ltmp2, $4  }
0x79: {  	_ = 	snop  }
0x7a: {  	[tilespmem:v6+s28+$0x0] =	vst.idx.msk $0xffff, v7  }
0x7b: {  	[dreg:$0xc] =	wrdreg s1;
	[tilespmem:v8+s28+$0x0] =	vst.idx.msk $0xffff, v1  }
0x7c: {  	v6 =	vimm.f32 $0.0e+00;
	v7 =	vimm.f32 $0.0e+00;
	[dreg:$0xd] =	wrdreg s0;
	[tilespmem:v63+s28+$0x0] =	vst.idx.msk $0xffff, v1  }
0x7d: {  	v7 =	vld.msk [tilespmem:$0x480], $0xff;
	_ =	sdelay $0x4  }
0x7e: {  	v8 =	vshll.u32 v7, $0x4  }
0x7f: {  	v7 =	vand.u32 $0x7, v7;
	v8 =	vand.u32 $0xFFFFFF80, v8  }
0x80: {  	v7 =	vor.u32 v7, v8  }
0x81: {  	v7 =	vperm.xlane v7, v4;
	_ =	sdelay $0x1  }
0x82: {  	v7 =	vadd.s32 v5, v7;
	_ =	sdelay $0x3  }
0x83: {  	s3 =	simm.s32 $0x0;
	s0 =	rddreg [dreg:$0x0]  }
0x84: {  	[tilespmem:s21], [sflag:$0x1] =	stream.indirect_vreg.gather [hbm4b:s0+s3], $0x80, v7, vm14, $0xb8;
	[tilespmem:$0x18800] =	vst v63  }
0x85: {  	_ = 	snop  }
0x86: {  	[tilespmem:s23], [sflag:$0x1] =	stream.indirect_vreg.gather [hbm4b:s6+s3], $0x80, v7, vm14, $0xb8;
	[tilespmem:$0x18800] =	vst v63  }
0x87: {  	_ = 	snop  }
0x88: {  	[tilespmem:s24], [sflag:$0x1] =	stream.indirect_vreg.gather [hbm4b:s7+s3], $0x80, v7, vm14, $0xb8;
	[tilespmem:$0x18800] =	vst v63  }
0x89: {  	_ = 	snop  }
0x8a: {  	[tilespmem:s25], [sflag:$0x1] =	stream.indirect_vreg.gather [hbm4b:s8+s3], $0x80, v7, vm14, $0xb8;
	[tilespmem:$0x18800] =	vst v63  }
0x8b: {  	s1 =	simm.s32 $0x2700  }
0x8c: {  	[tilespmem:s1], [sflag:$0x1] =	stream.indirect_vreg.gather [hbm4b:s9+s3], $0x80, v7, vm14, $0xb8;
	[tilespmem:$0x18800] =	vst v63  }
0x8d: {  	s25 =	simm.s32 $0x2F00  }
0x8e: {  	[tilespmem:s25], [sflag:$0x1] =	stream.indirect_vreg.gather [hbm4b:s10+s3], $0x80, v7, vm14, $0xb8;
	[tilespmem:$0x18800] =	vst v63  }
0x8f: {  	s2 =	simm.s32 $0x3700  }
0x90: {  	[tilespmem:s2], [sflag:$0x1] =	stream.indirect_vreg.gather [hbm4b:s11+s3], $0x80, v7, vm14, $0xb8;
	[tilespmem:$0x18800] =	vst v63  }
0x91: {  	s4 =	simm.s32 $0x3F00  }
0x92: {  	[tilespmem:s4], [sflag:$0x1] =	stream.indirect_vreg.gather [hbm4b:s12+s3], $0x80, v7, vm14, $0xb8;
	[tilespmem:$0x18800] =	vst v63  }
0x93: {  	v7 =	vld.msk [tilespmem:$0x480], $0xff;
	_ =	sdelay $0x4  }
0x94: {  	v8 =	vshll.u32 v7, $0x4  }
0x95: {  	v7 =	vand.u32 $0x7, v7;
	v8 =	vand.u32 $0xFFFFFF80, v8  }
0x96: {  	v7 =	vor.u32 v7, v8  }
0x97: {  	v7 =	vperm.xlane v7, v4;
	_ =	sdelay $0x1  }
0x98: {  	v7 =	vadd.s32 v5, v7;
	_ =	sdelay $0x3  }
0x99: {  	s1 =	rddreg [dreg:$0x1];
	s2 =	simm.s32 $0x4700  }
0x9a: {  	[tilespmem:s2], [sflag:$0x1] =	stream.indirect_vreg.gather [hbm4b:s1+s3], $0x80, v7, vm14, $0xb8;
	[tilespmem:$0x18800] =	vst v63  }
0x9b: {  	s5 =	simm.s32 $0x4F00  }
0x9c: {  	[tilespmem:s5], [sflag:$0x1] =	stream.indirect_vreg.gather [hbm4b:s13+s3], $0x80, v7, vm14, $0xb8;
	[tilespmem:$0x18800] =	vst v63  }
0x9d: {  	s19 =	simm.s32 $0x5700  }
0x9e: {  	[tilespmem:s19], [sflag:$0x1] =	stream.indirect_vreg.gather [hbm4b:s14+s3], $0x80, v7, vm14, $0xb8;
	[tilespmem:$0x18800] =	vst v63  }
0x9f: {  	s21 =	simm.s32 $0x5F00  }
0xa0: {  	[tilespmem:s21], [sflag:$0x1] =	stream.indirect_vreg.gather [hbm4b:s15+s3], $0x80, v7, vm14, $0xb8;
	[tilespmem:$0x18800] =	vst v63  }
0xa1: {  	s22 =	simm.s32 $0x6700  }
0xa2: {  	[tilespmem:s22], [sflag:$0x1] =	stream.indirect_vreg.gather [hbm4b:s16+s3], $0x80, v7, vm14, $0xb8;
	[tilespmem:$0x18800] =	vst v63  }
0xa3: {  	s23 =	simm.s32 $0x6F00  }
0xa4: {  	[tilespmem:s23], [sflag:$0x1] =	stream.indirect_vreg.gather [hbm4b:s17+s3], $0x80, v7, vm14, $0xb8;
	[tilespmem:$0x18800] =	vst v63  }
0xa5: {  	s24 =	simm.s32 $0x7700  }
0xa6: {  	[tilespmem:s24], [sflag:$0x1] =	stream.indirect_vreg.gather [hbm4b:s18+s3], $0x80, v7, vm14, $0xb8;
	[tilespmem:$0x18800] =	vst v63  }
0xa7: {  	s25 =	simm.s32 $0x7F00  }
0xa8: {  	[tilespmem:s25], [sflag:$0x1] =	stream.indirect_vreg.gather [hbm4b:s20+s3], $0x80, v7, vm14, $0xb8;
	[tilespmem:$0x18800] =	vst v63  }
0xa9: {  	v7 =	vld.msk [tilespmem:$0x488], $0xff;
	_ =	sdelay $0x4  }
0xaa: {  	v8 =	vshll.u32 v7, $0x4  }
0xab: {  	v7 =	vand.u32 $0x7, v7;
	v8 =	vand.u32 $0xFFFFFF80, v8  }
0xac: {  	v7 =	vor.u32 v7, v8  }
0xad: {  	v7 =	vperm.xlane v7, v4;
	_ =	sdelay $0x1  }
0xae: {  	v7 =	vadd.s32 v5, v7;
	_ =	sdelay $0x3  }
0xaf: {  	s4 =	simm.s32 $0x8700  }
0xb0: {  	[tilespmem:s4], [sflag:$0x2] =	stream.indirect_vreg.gather [hbm4b:s0+s3], $0x80, v7, vm14, $0xb8;
	[tilespmem:$0x18800] =	vst v63  }
0xb1: {  	s5 =	simm.s32 $0x8F00  }
0xb2: {  	[tilespmem:s5], [sflag:$0x2] =	stream.indirect_vreg.gather [hbm4b:s6+s3], $0x80, v7, vm14, $0xb8;
	[tilespmem:$0x18800] =	vst v63  }
0xb3: {  	s19 =	simm.s32 $0x9700  }
0xb4: {  	[tilespmem:s19], [sflag:$0x2] =	stream.indirect_vreg.gather [hbm4b:s7+s3], $0x80, v7, vm14, $0xb8;
	[tilespmem:$0x18800] =	vst v63  }
0xb5: {  	s21 =	simm.s32 $0x9F00  }
0xb6: {  	[tilespmem:s21], [sflag:$0x2] =	stream.indirect_vreg.gather [hbm4b:s8+s3], $0x80, v7, vm14, $0xb8;
	[tilespmem:$0x18800] =	vst v63  }
0xb7: {  	s22 =	simm.s32 $0xA700  }
0xb8: {  	[tilespmem:s22], [sflag:$0x2] =	stream.indirect_vreg.gather [hbm4b:s9+s3], $0x80, v7, vm14, $0xb8;
	[tilespmem:$0x18800] =	vst v63  }
0xb9: {  	s23 =	simm.s32 $0xAF00  }
0xba: {  	[tilespmem:s23], [sflag:$0x2] =	stream.indirect_vreg.gather [hbm4b:s10+s3], $0x80, v7, vm14, $0xb8;
	[tilespmem:$0x18800] =	vst v63  }
0xbb: {  	s24 =	simm.s32 $0xB700  }
0xbc: {  	[tilespmem:s24], [sflag:$0x2] =	stream.indirect_vreg.gather [hbm4b:s11+s3], $0x80, v7, vm14, $0xb8;
	[tilespmem:$0x18800] =	vst v63  }
0xbd: {  	s25 =	simm.s32 $0xBF00  }
0xbe: {  	[tilespmem:s25], [sflag:$0x2] =	stream.indirect_vreg.gather [hbm4b:s12+s3], $0x80, v7, vm14, $0xb8;
	[tilespmem:$0x18800] =	vst v63  }
0xbf: {  	v7 =	vld.msk [tilespmem:$0x488], $0xff;
	_ =	sdelay $0x4  }
0xc0: {  	v8 =	vshll.u32 v7, $0x4  }
0xc1: {  	v7 =	vand.u32 $0x7, v7;
	v8 =	vand.u32 $0xFFFFFF80, v8  }
0xc2: {  	v7 =	vor.u32 v7, v8  }
0xc3: {  	v7 =	vperm.xlane v7, v4;
	_ =	sdelay $0x1  }
0xc4: {  	v7 =	vadd.s32 v5, v7;
	_ =	sdelay $0x3  }
0xc5: {  	s4 =	simm.s32 $0xC700  }
0xc6: {  	[tilespmem:s4], [sflag:$0x2] =	stream.indirect_vreg.gather [hbm4b:s1+s3], $0x80, v7, vm14, $0xb8;
	[tilespmem:$0x18800] =	vst v63  }
0xc7: {  	s5 =	simm.s32 $0xCF00  }
0xc8: {  	[tilespmem:s5], [sflag:$0x2] =	stream.indirect_vreg.gather [hbm4b:s13+s3], $0x80, v7, vm14, $0xb8;
	[tilespmem:$0x18800] =	vst v63  }
0xc9: {  	s19 =	simm.s32 $0xD700  }
0xca: {  	[tilespmem:s19], [sflag:$0x2] =	stream.indirect_vreg.gather [hbm4b:s14+s3], $0x80, v7, vm14, $0xb8;
	[tilespmem:$0x18800] =	vst v63  }
0xcb: {  	s21 =	simm.s32 $0xDF00  }
0xcc: {  	[tilespmem:s21], [sflag:$0x2] =	stream.indirect_vreg.gather [hbm4b:s15+s3], $0x80, v7, vm14, $0xb8;
	[tilespmem:$0x18800] =	vst v63  }
0xcd: {  	s22 =	simm.s32 $0xE700  }
0xce: {  	[tilespmem:s22], [sflag:$0x2] =	stream.indirect_vreg.gather [hbm4b:s16+s3], $0x80, v7, vm14, $0xb8;
	[tilespmem:$0x18800] =	vst v63  }
0xcf: {  	s23 =	simm.s32 $0xEF00  }
0xd0: {  	[tilespmem:s23], [sflag:$0x2] =	stream.indirect_vreg.gather [hbm4b:s17+s3], $0x80, v7, vm14, $0xb8;
	[tilespmem:$0x18800] =	vst v63  }
0xd1: {  	s24 =	simm.s32 $0xF700  }
0xd2: {  	[tilespmem:s24], [sflag:$0x2] =	stream.indirect_vreg.gather [hbm4b:s18+s3], $0x80, v7, vm14, $0xb8;
	[tilespmem:$0x18800] =	vst v63  }
0xd3: {  	s25 =	simm.s32 $0xFF00  }
0xd4: {  	[tilespmem:s25], [sflag:$0x2] =	stream.indirect_vreg.gather [hbm4b:s20+s3], $0x80, v7, vm14, $0xb8;
	[tilespmem:$0x18800] =	vst v63  }
0xd5: {  	v7 =	vld.msk [tilespmem:$0x490], $0xff;
	_ =	sdelay $0x4  }
0xd6: {  	v8 =	vshll.u32 v7, $0x4  }
0xd7: {  	v7 =	vand.u32 $0x7, v7;
	v8 =	vand.u32 $0xFFFFFF80, v8  }
0xd8: {  	v7 =	vor.u32 v7, v8  }
0xd9: {  	v7 =	vperm.xlane v7, v4;
	_ =	sdelay $0x1  }
0xda: {  	v7 =	vadd.s32 v5, v7;
	_ =	sdelay $0x3  }
0xdb: {  	s4 =	simm.s32 $0x10700  }
0xdc: {  	[tilespmem:s4], [sflag:$0x3] =	stream.indirect_vreg.gather [hbm4b:s0+s3], $0x80, v7, vm14, $0xb8;
	[tilespmem:$0x18800] =	vst v63  }
0xdd: {  	s5 =	simm.s32 $0x10F00  }
0xde: {  	[tilespmem:s5], [sflag:$0x3] =	stream.indirect_vreg.gather [hbm4b:s6+s3], $0x80, v7, vm14, $0xb8;
	[tilespmem:$0x18800] =	vst v63  }
0xdf: {  	s19 =	simm.s32 $0x11700  }
0xe0: {  	[tilespmem:s19], [sflag:$0x3] =	stream.indirect_vreg.gather [hbm4b:s7+s3], $0x80, v7, vm14, $0xb8;
	[tilespmem:$0x18800] =	vst v63  }
0xe1: {  	s21 =	simm.s32 $0x11F00  }
0xe2: {  	[tilespmem:s21], [sflag:$0x3] =	stream.indirect_vreg.gather [hbm4b:s8+s3], $0x80, v7, vm14, $0xb8;
	[tilespmem:$0x18800] =	vst v63  }
0xe3: {  	s22 =	simm.s32 $0x12700  }
0xe4: {  	[tilespmem:s22], [sflag:$0x3] =	stream.indirect_vreg.gather [hbm4b:s9+s3], $0x80, v7, vm14, $0xb8;
	[tilespmem:$0x18800] =	vst v63  }
0xe5: {  	s23 =	simm.s32 $0x12F00  }
0xe6: {  	[tilespmem:s23], [sflag:$0x3] =	stream.indirect_vreg.gather [hbm4b:s10+s3], $0x80, v7, vm14, $0xb8;
	[tilespmem:$0x18800] =	vst v63  }
0xe7: {  	s24 =	simm.s32 $0x13700  }
0xe8: {  	[tilespmem:s24], [sflag:$0x3] =	stream.indirect_vreg.gather [hbm4b:s11+s3], $0x80, v7, vm14, $0xb8;
	[tilespmem:$0x18800] =	vst v63  }
0xe9: {  	s25 =	simm.s32 $0x13F00  }
0xea: {  	[tilespmem:s25], [sflag:$0x3] =	stream.indirect_vreg.gather [hbm4b:s12+s3], $0x80, v7, vm14, $0xb8;
	[tilespmem:$0x18800] =	vst v63  }
0xeb: {  	v7 =	vld.msk [tilespmem:$0x490], $0xff;
	_ =	sdelay $0x4  }
0xec: {  	v8 =	vshll.u32 v7, $0x4  }
0xed: {  	v7 =	vand.u32 $0x7, v7;
	v8 =	vand.u32 $0xFFFFFF80, v8  }
0xee: {  	v7 =	vor.u32 v7, v8  }
0xef: {  	v7 =	vperm.xlane v7, v4;
	_ =	sdelay $0x1  }
0xf0: {  	v7 =	vadd.s32 v5, v7;
	_ =	sdelay $0x3  }
0xf1: {  	s2 =	simm.s32 $0x14700  }
0xf2: {  	[tilespmem:s2], [sflag:$0x3] =	stream.indirect_vreg.gather [hbm4b:s1+s3], $0x80, v7, vm14, $0xb8;
	[tilespmem:$0x18800] =	vst v63  }
0xf3: {  	s4 =	simm.s32 $0x14F00  }
0xf4: {  	[tilespmem:s4], [sflag:$0x3] =	stream.indirect_vreg.gather [hbm4b:s13+s3], $0x80, v7, vm14, $0xb8;
	[tilespmem:$0x18800] =	vst v63  }
0xf5: {  	s5 =	simm.s32 $0x15700  }
0xf6: {  	[tilespmem:s5], [sflag:$0x3] =	stream.indirect_vreg.gather [hbm4b:s14+s3], $0x80, v7, vm14, $0xb8;
	[tilespmem:$0x18800] =	vst v63  }
0xf7: {  	s19 =	simm.s32 $0x15F00  }
0xf8: {  	[tilespmem:s19], [sflag:$0x3] =	stream.indirect_vreg.gather [hbm4b:s15+s3], $0x80, v7, vm14, $0xb8;
	[tilespmem:$0x18800] =	vst v63  }
0xf9: {  	s21 =	simm.s32 $0x16700  }
0xfa: {  	[tilespmem:s21], [sflag:$0x3] =	stream.indirect_vreg.gather [hbm4b:s16+s3], $0x80, v7, vm14, $0xb8;
	[tilespmem:$0x18800] =	vst v63  }
0xfb: {  	s22 =	simm.s32 $0x16F00  }
0xfc: {  	[tilespmem:s22], [sflag:$0x3] =	stream.indirect_vreg.gather [hbm4b:s17+s3], $0x80, v7, vm14, $0xb8;
	[tilespmem:$0x18800] =	vst v63  }
0xfd: {  	s23 =	simm.s32 $0x17700  }
0xfe: {  	[tilespmem:s23], [sflag:$0x3] =	stream.indirect_vreg.gather [hbm4b:s18+s3], $0x80, v7, vm14, $0xb8;
	[tilespmem:$0x18800] =	vst v63  }
0xff: {  	v19 =	vimm.f32 $0.0e+00;
	v12 =	vimm.f32 $0.0e+00;
	s24 =	simm.s32 $0x17F00;
	s25 =	rddreg [dreg:$0xd]  }
0x100: {  	v15 =	vimm.f32 $0.0e+00;
	v11 =	vimm.f32 $0.0e+00;
	v10 =	vimm.f32 $0.0e+00;
	[tilespmem:s24], [sflag:$0x3] =	stream.indirect_vreg.gather [hbm4b:s20+s3], $0x80, v7, vm14, $0xb8;
	[tilespmem:$0x18800] =	vst v63  }
0x101: {  	v9 =	vimm.f32 $0.0e+00;
	v8 =	vimm.f32 $0.0e+00;
	s19 =	smul.u32 $0x3, s25;
	v7 =	vimm.f32 $0.0e+00;
	s24 =	simm.s32 $0x0  }
.LBB2_7:
0x102: {  	_ =	swait.ge [sflag:s29], $0x4000  }
0x103: {  	[sflag:s29] =	ssyncset.done $0x0  }
0x104: {  	[sflag:s29] =	ssyncadd.s32 $0xFFFFC000  }
0x105: {  	s0 =	simm.s32 $0x0;
	s1 =	simm.s32 $0x0;
	_ =	swait.ge [sflag:s29], $0x4000  }
0x106: {  	s3 =	sand.u32 $0x3800, s1;
	s0 =	sand.u32 $0x380, s0;
	[sflag:s29] =	ssyncset.done $0x0  }
0x107: {  	s0 =	sor.u32 s0, s3;
	[sflag:s29] =	ssyncadd.s32 $0xFFFFC000  }
0x108: {  	v14 =	vld [tilespmem:s0+$0x4B20]  }
0x109: {  	v18 =	vld [tilespmem:s0+$0xB20]  }
0x10a: {  	v16 =	vld [tilespmem:s0+$0x4B10]  }
0x10b: {  	v20 =	vld [tilespmem:s0+$0x4B30]  }
0x10c: {  	v21 =	vld [tilespmem:s0+$0x4B00]  }
0x10d: {  	v22 =	vld [tilespmem:s0+$0x4720]  }
0x10e: {  	v27 =	vld [tilespmem:s0+$0xB00]  }
0x10f: {  	v24 =	vld [tilespmem:s0+$0x720]  }
0x110: {  	s25 =	sand.u32 $0x7, s1;
	v25 =	vld [tilespmem:s0+$0xB30]  }
0x111: {  	s3 =	sshll.u32 s25, $0xB;
	v13 =	vld [tilespmem:s0+$0x4710]  }
0x112: {  	s3 =	sadd.s32 $0x0, s3;
	v23 =	vld [tilespmem:s0+$0x710]  }
0x113: {  	s4 =	sor.u32 $0x470, s3;
	v17 =	vld [tilespmem:s0+$0x4B60]  }
0x114: {  	v29 =	vld [tilespmem:s4+$0x4700]  }
0x115: {  	v30 =	vld [tilespmem:s4+$0x700]  }
0x116: {  	v31 =	vld [tilespmem:s0+$0x4760]  }
0x117: {  	v32 =	vld [tilespmem:s0+$0x760]  }
0x118: {  	v33 =	vld [tilespmem:s0+$0x4750]  }
0x119: {  	v34 =	vld [tilespmem:s0+$0x750]  }
0x11a: {  	v35 =	vld [tilespmem:s0+$0x4740]  }
0x11b: {  	v36 =	vld [tilespmem:s0+$0x740];
	v22 =	vsub.f32 v24, v22  }
0x11c: {  	v26 =	vld [tilespmem:s0+$0x4B40]  }
0x11d: {  	v37 =	vld [tilespmem:s0+$0x4730];
	v14 =	vsub.f32 v18, v14;
	v18 =	vmul.f32 v22, v22  }
0x11e: {  	v28 =	vld [tilespmem:s0+$0x4B50];
	v24 =	vsub.f32 v25, v20;
	v20 =	vsub.f32 v30, v29  }
0x11f: {  	v10 =	vadd.f32 v18, v10;
	v18 =	vsub.f32 v32, v31;
	v31 =	vld [tilespmem:s0+$0x730]  }
0x120: {  	v25 =	vld [tilespmem:s0+$0xB60];
	v14 =	vmul.f32 v14, v14  }
0x121: {  	v29 =	vld [tilespmem:s0+$0xB40];
	v63 =	vsub.f32 v36, v35;
	v21 =	vsub.f32 v27, v21;
	v22 =	vmul.f32 v20, v20  }
0x122: {  	v14 =	vadd.f32 v14, v10;
	v10 =	vsub.f32 v34, v33;
	v18 =	vmul.f32 v18, v18;
	v33 =	vld [tilespmem:s0+$0xB50]  }
0x123: {  	s21 =	simm.s32 $0x1;
	s25 =	sor.u32 $0x70, s3;
	v30 =	vld [tilespmem:s0+$0x700];
	v21 =	vmul.f32 v21, v21;
	v32 =	vmul.f32 v63, v63  }
0x124: {  	s22 =	simm.s32 $0xFFFFFC10;
	s23 =	simm.s32 $0x0;
	s3 =	simm.s32 $0x800;
	v27 =	vmul.f32 v10, v10;
	v20 =	vadd.f32 v18, v19;
	v34 =	vsub.f32 v31, v37;
	v31 =	vld [tilespmem:s25+$0x700]  }
.LBB2_8:
0x125: {  	s4 =	sand.u32 $0x7, s21;
	s1 =	sadd.s32 $0x400, s22;
	v10 =	vld [tilespmem:s0+$0x4700];
	s23 =	sadd.s32 $0x10, s23  }
0x126: {  	s2 =	sand.u32 $0x3800, s3;
	s4 =	sshll.u32 s4, $0xB;
	s1 =	sand.u32 $0x380, s1;
	v18 =	vmul.f32 v34, v34;
	v19 =	vld [tilespmem:s25+$0x4700]  }
0x127: {  	p0 =	sne.s32 s3, $0x1F800;
	s4 =	sadd.s32 s4, s23;
	v34 =	vld [tilespmem:s0+$0xB10];
	s0 =	sor.u32 s1, s2;
	v28 =	vsub.f32 v33, v28  }
0x128: {  	s3 =	sadd.s32 $0x800, s3;
	v15 =	vadd.f32 v32, v15;
	s25 =	sor.u32 $0x70, s4;
	v33 =	vld [tilespmem:s0+$0x4B20];
	s1 =	sor.u32 $0x470, s4  }
0x129: {  	v13 =	vsub.f32 v23, v13;
	v23 =	vsub.f32 v29, v26;
	v32 =	vld [tilespmem:s0+$0xB20]  }
0x12a: {  	v11 =	vadd.f32 v18, v11;
	v18 =	vmul.f32 v24, v24;
	v26 =	vld [tilespmem:s0+$0x4B10];
	v10 =	vsub.f32 v30, v10  }
0x12b: {  	v13 =	vmul.f32 v13, v13;
	v23 =	vmul.f32 v23, v23;
	v24 =	vld [tilespmem:s0+$0x4B30];
	v19 =	vsub.f32 v31, v19  }
0x12c: {  	v12 =	vadd.f32 v27, v12;
	v29 =	vld [tilespmem:s0+$0x4B00];
	v10 =	vmul.f32 v10, v10;
	v34 =	vsub.f32 v34, v16  }
0x12d: {  	v9 =	vadd.f32 v13, v9;
	v27 =	vld [tilespmem:s0+$0x4720];
	v13 =	vmul.f32 v19, v19;
	v19 =	vmul.f32 v28, v28  }
0x12e: {  	v17 =	vsub.f32 v25, v17;
	v30 =	vld [tilespmem:s0+$0xB00];
	v28 =	vsub.f32 v32, v33;
	v31 =	vmul.f32 v34, v34  }
0x12f: {  	v11 =	vadd.f32 v18, v11;
	v25 =	vld [tilespmem:s0+$0x720];
	v7 =	vadd.f32 v13, v7;
	v16 =	vmov v26  }
0x130: {  	v17 =	vmul.f32 v17, v17;
	v15 =	vadd.f32 v23, v15;
	v18 =	vld [tilespmem:s0+$0xB30];
	v9 =	vadd.f32 v31, v9  }
0x131: {  	v8 =	vadd.f32 v10, v8;
	v13 =	vld [tilespmem:s0+$0x4710];
	v7 =	vadd.f32 v22, v7  }
0x132: {  	v10 =	vadd.f32 v17, v20;
	v12 =	vadd.f32 v19, v12;
	v23 =	vld [tilespmem:s0+$0x710]  }
0x133: {  	v8 =	vadd.f32 v21, v8;
	v17 =	vld [tilespmem:s0+$0x4B60]  }
0x134: {  	v19 =	vsub.f32 v25, v27;
	v20 =	vld [tilespmem:s1+$0x4700]  }
0x135: {  	v24 =	vsub.f32 v18, v24;
	v18 =	vld [tilespmem:s1+$0x700]  }
0x136: {  	v19 =	vmul.f32 v19, v19;
	v21 =	vld [tilespmem:s0+$0x4760]  }
0x137: {  	v22 =	vld [tilespmem:s0+$0x760]  }
0x138: {  	v25 =	vmul.f32 v28, v28;
	v14 =	vadd.f32 v19, v14;
	v19 =	vld [tilespmem:s0+$0x4750]  }
0x139: {  	v27 =	vld [tilespmem:s0+$0x750]  }
0x13a: {  	v31 =	vld [tilespmem:s0+$0x4740];
	v14 =	vadd.f32 v25, v14  }
0x13b: {  	v25 =	vld [tilespmem:s0+$0x740]  }
0x13c: {  	v21 =	vsub.f32 v22, v21;
	v26 =	vld [tilespmem:s0+$0x4B40]  }
0x13d: {  	v34 =	vld [tilespmem:s0+$0x4730]  }
0x13e: {  	v18 =	vsub.f32 v18, v20;
	v19 =	vsub.f32 v27, v19;
	v21 =	vmul.f32 v21, v21;
	v28 =	vld [tilespmem:s0+$0x4B50]  }
0x13f: {  	v35 =	vld [tilespmem:s0+$0x730]  }
.Ltmp3:
0x140: {  	v30 =	vsub.f32 v30, v29;
	v22 =	vmul.f32 v18, v18;
	v31 =	vsub.f32 v25, v31;
	v25 =	vld [tilespmem:s0+$0xB60];
	(pc) =	sbr.rel @p0 .LBB2_8-.Ltmp3, $4  }
0x141: {  	v27 =	vmul.f32 v19, v19;
	v20 =	vadd.f32 v21, v10;
	v29 =	vld [tilespmem:s0+$0xB40]  }
0x142: {  	v21 =	vmul.f32 v30, v30;
	v32 =	vmul.f32 v31, v31;
	v33 =	vld [tilespmem:s0+$0xB50]  }
0x143: {  	v30 =	vld [tilespmem:s0+$0x700]  }
0x144: {  	s21 =	sadd.s32 $0x1, s21;
	s22 =	sadd.s32 $0x10, s22;
	v34 =	vsub.f32 v35, v34;
	v31 =	vld [tilespmem:s25+$0x700]  }
0x145: {  	s21 =	smul.u32 $0x3, s24;
	_ =	sdelay $0x1  }
0x146: {  	s1 =	sadd.s32 $0x3, s21  }
0x147: {  	p0 =	sge.s32 s1, s19  }
0x148: {  	s1 =	sshll.u32 @!p0 s1, $0x5  }
0x149: {  	s1 =	sshra.s32 @!p0 s1, $0x2  }
0x14a: {  	v10 =	vld.msk @!p0 [tilespmem:s1+$0x480], $0xff;
	_ =	sdelay $0x4  }
0x14b: {  	v18 =	vshll.u32 @!p0 v10, $0x4  }
0x14c: {  	v19 =	vlaneseq.u32 @!p0;
	v10 =	vand.u32 @!p0 $0x7, v10;
	v18 =	vand.u32 @!p0 $0xFFFFFF80, v18  }
0x14d: {  	v10 =	vor.u32 @!p0 v10, v18;
	v18 =	vand.u32 @!p0 $0x7, v19;
	v19 =	vshrl.u32 @!p0 v19, $0x3  }
0x14e: {  	v10 =	vperm.xlane @!p0 v10, v18;
	v19 =	vmul.u32 @!p0 $0x8, v19;
	_ =	sdelay $0x1  }
0x14f: {  	v10 =	vadd.s32 @!p0 v19, v10;
	_ =	sdelay $0x2  }
0x150: {  	v35 =	vld [tilespmem:s0+$0x4700]  }
0x151: {  	v37 =	vld [tilespmem:s0+$0xB10];
	s3 =	rddreg [dreg:$0x0];
	vm15 =	vmmov @!p0 $0xffff;
	s0 =	simm.s32 @!p0 $0x0;
	s2 =	simm.s32 @!p0 $0x700  }
0x152: {  	v36 =	vld [tilespmem:s25+$0x4700];
	[tilespmem:s2], [sflag:$0x1] =	stream.indirect_vreg.gather @!p0 [hbm4b:s3+s0], $0x80, v10, vm15, $0xb8  }
0x153: {  	s2 =	simm.s32 @!p0 $0xF00  }
0x154: {  	[tilespmem:s2], [sflag:$0x1] =	stream.indirect_vreg.gather @!p0 [hbm4b:s6+s0], $0x80, v10, vm15, $0xb8;
	[tilespmem:$0x18800] =	vst v63  }
0x155: {  	s2 =	simm.s32 @!p0 $0x1700  }
0x156: {  	[tilespmem:s2], [sflag:$0x1] =	stream.indirect_vreg.gather @!p0 [hbm4b:s7+s0], $0x80, v10, vm15, $0xb8;
	[tilespmem:$0x18800] =	vst v63  }
0x157: {  	s2 =	simm.s32 @!p0 $0x1F00  }
0x158: {  	[tilespmem:s2], [sflag:$0x1] =	stream.indirect_vreg.gather @!p0 [hbm4b:s8+s0], $0x80, v10, vm15, $0xb8;
	[tilespmem:$0x18800] =	vst v63  }
0x159: {  	s2 =	simm.s32 @!p0 $0x2700  }
0x15a: {  	[tilespmem:s2], [sflag:$0x1] =	stream.indirect_vreg.gather @!p0 [hbm4b:s9+s0], $0x80, v10, vm15, $0xb8;
	[tilespmem:$0x18800] =	vst v63  }
0x15b: {  	s2 =	simm.s32 @!p0 $0x2F00  }
0x15c: {  	[tilespmem:s2], [sflag:$0x1] =	stream.indirect_vreg.gather @!p0 [hbm4b:s10+s0], $0x80, v10, vm15, $0xb8;
	[tilespmem:$0x18800] =	vst v63  }
0x15d: {  	s2 =	simm.s32 @!p0 $0x3700  }
0x15e: {  	[tilespmem:s2], [sflag:$0x1] =	stream.indirect_vreg.gather @!p0 [hbm4b:s11+s0], $0x80, v10, vm15, $0xb8;
	[tilespmem:$0x18800] =	vst v63  }
0x15f: {  	s2 =	simm.s32 @!p0 $0x3F00  }
0x160: {  	[tilespmem:s2], [sflag:$0x1] =	stream.indirect_vreg.gather @!p0 [hbm4b:s12+s0], $0x80, v10, vm15, $0xb8;
	[tilespmem:$0x18800] =	vst v63  }
0x161: {  	v10 =	vld.msk @!p0 [tilespmem:s1+$0x480], $0xff;
	_ =	sdelay $0x4  }
0x162: {  	v38 =	vshll.u32 @!p0 v10, $0x4  }
0x163: {  	v10 =	vand.u32 @!p0 $0x7, v10;
	v38 =	vand.u32 @!p0 $0xFFFFFF80, v38  }
0x164: {  	v10 =	vor.u32 @!p0 v10, v38  }
0x165: {  	v10 =	vperm.xlane @!p0 v10, v18;
	_ =	sdelay $0x1  }
0x166: {  	v10 =	vadd.s32 @!p0 v19, v10;
	_ =	sdelay $0x3  }
0x167: {  	s2 =	rddreg [dreg:$0x1];
	s1 =	simm.s32 @!p0 $0x4700  }
0x168: {  	[tilespmem:s1], [sflag:$0x1] =	stream.indirect_vreg.gather @!p0 [hbm4b:s2+s0], $0x80, v10, vm15, $0xb8;
	[tilespmem:$0x18800] =	vst v63  }
0x169: {  	s1 =	simm.s32 @!p0 $0x4F00  }
0x16a: {  	[tilespmem:s1], [sflag:$0x1] =	stream.indirect_vreg.gather @!p0 [hbm4b:s13+s0], $0x80, v10, vm15, $0xb8;
	[tilespmem:$0x18800] =	vst v63  }
0x16b: {  	s1 =	simm.s32 @!p0 $0x5700  }
0x16c: {  	[tilespmem:s1], [sflag:$0x1] =	stream.indirect_vreg.gather @!p0 [hbm4b:s14+s0], $0x80, v10, vm15, $0xb8;
	[tilespmem:$0x18800] =	vst v63  }
0x16d: {  	s1 =	simm.s32 @!p0 $0x5F00  }
0x16e: {  	[tilespmem:s1], [sflag:$0x1] =	stream.indirect_vreg.gather @!p0 [hbm4b:s15+s0], $0x80, v10, vm15, $0xb8;
	[tilespmem:$0x18800] =	vst v63  }
0x16f: {  	s1 =	simm.s32 @!p0 $0x6700  }
0x170: {  	[tilespmem:s1], [sflag:$0x1] =	stream.indirect_vreg.gather @!p0 [hbm4b:s16+s0], $0x80, v10, vm15, $0xb8;
	[tilespmem:$0x18800] =	vst v63  }
0x171: {  	s1 =	simm.s32 @!p0 $0x6F00  }
0x172: {  	[tilespmem:s1], [sflag:$0x1] =	stream.indirect_vreg.gather @!p0 [hbm4b:s17+s0], $0x80, v10, vm15, $0xb8;
	[tilespmem:$0x18800] =	vst v63  }
0x173: {  	s1 =	simm.s32 @!p0 $0x7700  }
0x174: {  	[tilespmem:s1], [sflag:$0x1] =	stream.indirect_vreg.gather @!p0 [hbm4b:s18+s0], $0x80, v10, vm15, $0xb8;
	[tilespmem:$0x18800] =	vst v63  }
0x175: {  	s1 =	simm.s32 @!p0 $0x7F00  }
0x176: {  	[tilespmem:s1], [sflag:$0x1] =	stream.indirect_vreg.gather @!p0 [hbm4b:s20+s0], $0x80, v10, vm15, $0xb8;
	[tilespmem:$0x18800] =	vst v63  }
0x177: {  	_ =	swait.ge [sflag:s30], $0x4000  }
0x178: {  	[sflag:s30] =	ssyncset.done $0x0  }
0x179: {  	[sflag:s30] =	ssyncadd.s32 $0xFFFFC000  }
0x17a: {  	s4 =	simm.s32 $0x0;
	s0 =	simm.s32 $0x0;
	_ =	swait.ge [sflag:s30], $0x4000  }
0x17b: {  	s1 =	sand.u32 $0x380, s4;
	s5 =	sand.u32 $0x3800, s0;
	[sflag:s30] =	ssyncset.done $0x0  }
0x17c: {  	s25 =	sor.u32 s1, s5;
	[sflag:s30] =	ssyncadd.s32 $0xFFFFC000  }
0x17d: {  	v57 =	vld [tilespmem:s25+$0xCB20]  }
0x17e: {  	v39 =	vld [tilespmem:s25+$0x8B20]  }
0x17f: {  	v10 =	vld [tilespmem:s25+$0xCB10]  }
0x180: {  	v40 =	vld [tilespmem:s25+$0xCB30]  }
0x181: {  	v41 =	vld [tilespmem:s25+$0xCB00]  }
0x182: {  	v42 =	vld [tilespmem:s25+$0xC720]  }
0x183: {  	v43 =	vld [tilespmem:s25+$0x8B00]  }
0x184: {  	v44 =	vld [tilespmem:s25+$0x8720]  }
0x185: {  	s22 =	sand.u32 $0x7, s0;
	v45 =	vld [tilespmem:s25+$0x8B30]  }
0x186: {  	s1 =	sshll.u32 s22, $0xB;
	v18 =	vld [tilespmem:s25+$0xC710]  }
0x187: {  	s1 =	sadd.s32 $0x0, s1;
	v19 =	vld [tilespmem:s25+$0x8710]  }
0x188: {  	v23 =	vsub.f32 v23, v13;
	s23 =	sor.u32 $0x470, s1;
	v13 =	vld [tilespmem:s25+$0xCB60]  }
0x189: {  	v32 =	vadd.f32 v32, v15;
	v15 =	vmul.f32 v34, v34;
	v31 =	vsub.f32 v31, v36;
	v58 =	vld [tilespmem:s23+$0xC700]  }
0x18a: {  	v26 =	vsub.f32 v29, v26;
	v23 =	vmul.f32 v23, v23;
	v29 =	vsub.f32 v30, v35;
	v30 =	vld [tilespmem:s23+$0x8700]  }
0x18b: {  	v11 =	vadd.f32 v15, v11;
	v15 =	vsub.f32 v37, v16;
	v16 =	vmul.f32 v31, v31;
	v31 =	vld [tilespmem:s25+$0xC760]  }
0x18c: {  	v59 =	vadd.f32 v27, v12;
	v12 =	vmul.f32 v24, v24;
	v9 =	vadd.f32 v23, v9;
	v23 =	vld [tilespmem:s25+$0x8760]  }
0x18d: {  	v24 =	vsub.f32 v25, v17;
	v28 =	vsub.f32 v33, v28;
	v17 =	vmul.f32 v15, v15;
	v60 =	vld [tilespmem:s25+$0xC750]  }
0x18e: {  	v25 =	vmul.f32 v29, v29;
	v7 =	vadd.f32 v16, v7;
	v16 =	vmul.f32 v26, v26;
	v29 =	vld [tilespmem:s25+$0x8750]  }
0x18f: {  	v24 =	vmul.f32 v24, v24;
	v15 =	vadd.f32 v12, v11;
	v61 =	vld [tilespmem:s25+$0xC740]  }
0x190: {  	v11 =	vadd.f32 v17, v9;
	v17 =	vadd.f32 v16, v32;
	v16 =	vmul.f32 v28, v28;
	v28 =	vld [tilespmem:s25+$0x8740]  }
0x191: {  	v8 =	vadd.f32 v25, v8;
	v27 =	vld [tilespmem:s25+$0xCB40];
	v9 =	vsub.f32 v44, v42  }
0x192: {  	v20 =	vadd.f32 v24, v20;
	v12 =	vadd.f32 v22, v7;
	v62 =	vld [tilespmem:s25+$0xC730]  }
0x193: {  	v8 =	vadd.f32 v21, v8;
	v24 =	vld [tilespmem:s25+$0x8730];
	v25 =	vsub.f32 v39, v57;
	v9 =	vmul.f32 v9, v9  }
0x194: {  	v16 =	vadd.f32 v16, v59;
	v26 =	vld [tilespmem:s25+$0x8B60];
	v21 =	vsub.f32 v23, v31  }
0x195: {  	v33 =	vld [tilespmem:s25+$0x8B50];
	v22 =	vsub.f32 v30, v58;
	v7 =	vadd.f32 v9, v14;
	v9 =	vmul.f32 v25, v25  }
0x196: {  	v31 =	vsub.f32 v28, v61;
	v63 =	vsub.f32 v43, v41;
	v30 =	vld [tilespmem:s25+$0x8700];
	v21 =	vmul.f32 v21, v21  }
0x197: {  	s3 =	sor.u32 $0x70, s1;
	v23 =	vmul.f32 v22, v22;
	v14 =	vld [tilespmem:s25+$0xCB50];
	v7 =	vadd.f32 v9, v7;
	v9 =	vsub.f32 v29, v60  }
0x198: {  	v34 =	vsub.f32 v24, v62;
	v32 =	vmul.f32 v31, v31;
	v22 =	vmul.f32 v63, v63;
	v31 =	vld [tilespmem:s3+$0x8700]  }
0x199: {  	s4 =	simm.s32 $0xFFFFFC10;
	s22 =	simm.s32 $0x800;
	s23 =	simm.s32 $0x1;
	v25 =	vsub.f32 v45, v40;
	v20 =	vadd.f32 v21, v20;
	v29 =	vld [tilespmem:s25+$0x8B40];
	v28 =	vmul.f32 v9, v9  }
.LBB2_10:
0x19a: {  	s1 =	sand.u32 $0x7, s23;
	s2 =	sadd.s32 $0x400, s4;
	v9 =	vld [tilespmem:s25+$0xC700];
	s0 =	sadd.s32 $0x10, s0  }
0x19b: {  	s5 =	sand.u32 $0x3800, s22;
	s1 =	sshll.u32 s1, $0xB;
	s2 =	sand.u32 $0x380, s2;
	v21 =	vmul.f32 v34, v34;
	v24 =	vld [tilespmem:s3+$0xC700]  }
0x19c: {  	p0 =	sne.s32 s22, $0x1F800;
	s1 =	sadd.s32 s1, s0;
	v34 =	vld [tilespmem:s25+$0x8B10];
	s25 =	sor.u32 s2, s5;
	v14 =	vsub.f32 v33, v14  }
0x19d: {  	s22 =	sadd.s32 $0x800, s22;
	v17 =	vadd.f32 v32, v17;
	s3 =	sor.u32 $0x70, s1;
	v33 =	vld [tilespmem:s25+$0xCB20];
	s1 =	sor.u32 $0x470, s1  }
0x19e: {  	v18 =	vsub.f32 v19, v18;
	v19 =	vsub.f32 v29, v27;
	v32 =	vld [tilespmem:s25+$0x8B20]  }
0x19f: {  	v15 =	vadd.f32 v21, v15;
	v21 =	vmul.f32 v25, v25;
	v27 =	vld [tilespmem:s25+$0xCB10];
	v9 =	vsub.f32 v30, v9  }
0x1a0: {  	v18 =	vmul.f32 v18, v18;
	v19 =	vmul.f32 v19, v19;
	v25 =	vld [tilespmem:s25+$0xCB30];
	v24 =	vsub.f32 v31, v24  }
0x1a1: {  	v16 =	vadd.f32 v28, v16;
	v29 =	vld [tilespmem:s25+$0xCB00];
	v9 =	vmul.f32 v9, v9;
	v34 =	vsub.f32 v34, v10  }
0x1a2: {  	v11 =	vadd.f32 v18, v11;
	v14 =	vmul.f32 v14, v14;
	v28 =	vld [tilespmem:s25+$0xC720];
	v18 =	vmul.f32 v24, v24  }
0x1a3: {  	v13 =	vsub.f32 v26, v13;
	v24 =	vld [tilespmem:s25+$0x8B00];
	v30 =	vsub.f32 v32, v33;
	v31 =	vmul.f32 v34, v34  }
0x1a4: {  	v15 =	vadd.f32 v21, v15;
	v26 =	vld [tilespmem:s25+$0x8720];
	v12 =	vadd.f32 v18, v12;
	v10 =	vmov v27  }
0x1a5: {  	v13 =	vmul.f32 v13, v13;
	v17 =	vadd.f32 v19, v17;
	v21 =	vld [tilespmem:s25+$0x8B30];
	v11 =	vadd.f32 v31, v11  }
0x1a6: {  	v8 =	vadd.f32 v9, v8;
	v18 =	vld [tilespmem:s25+$0xC710];
	v12 =	vadd.f32 v23, v12  }
0x1a7: {  	v16 =	vadd.f32 v14, v16;
	v9 =	vadd.f32 v13, v20;
	v19 =	vld [tilespmem:s25+$0x8710]  }
0x1a8: {  	v8 =	vadd.f32 v22, v8;
	v13 =	vld [tilespmem:s25+$0xCB60]  }
0x1a9: {  	v14 =	vsub.f32 v26, v28;
	v20 =	vld [tilespmem:s1+$0xC700]  }
0x1aa: {  	v25 =	vsub.f32 v21, v25;
	v21 =	vld [tilespmem:s1+$0x8700]  }
0x1ab: {  	v14 =	vmul.f32 v14, v14;
	v22 =	vld [tilespmem:s25+$0xC760]  }
0x1ac: {  	v23 =	vld [tilespmem:s25+$0x8760]  }
0x1ad: {  	v26 =	vmul.f32 v30, v30;
	v7 =	vadd.f32 v14, v7;
	v14 =	vld [tilespmem:s25+$0xC750]  }
0x1ae: {  	v28 =	vld [tilespmem:s25+$0x8750]  }
0x1af: {  	v30 =	vld [tilespmem:s25+$0xC740];
	v7 =	vadd.f32 v26, v7  }
0x1b0: {  	v26 =	vld [tilespmem:s25+$0x8740]  }
0x1b1: {  	v22 =	vsub.f32 v23, v22;
	v27 =	vld [tilespmem:s25+$0xCB40]  }
0x1b2: {  	v31 =	vld [tilespmem:s25+$0xC730]  }
0x1b3: {  	v20 =	vsub.f32 v21, v20;
	v28 =	vsub.f32 v28, v14;
	v22 =	vmul.f32 v22, v22;
	v14 =	vld [tilespmem:s25+$0xCB50]  }
0x1b4: {  	v21 =	vld [tilespmem:s25+$0x8730]  }
.Ltmp4:
0x1b5: {  	v24 =	vsub.f32 v24, v29;
	v23 =	vmul.f32 v20, v20;
	v30 =	vsub.f32 v26, v30;
	v26 =	vld [tilespmem:s25+$0x8B60];
	(pc) =	sbr.rel @p0 .LBB2_10-.Ltmp4, $4  }
0x1b6: {  	v28 =	vmul.f32 v28, v28;
	v20 =	vadd.f32 v22, v9;
	v29 =	vld [tilespmem:s25+$0x8B40]  }
0x1b7: {  	v22 =	vmul.f32 v24, v24;
	v32 =	vmul.f32 v30, v30;
	v33 =	vld [tilespmem:s25+$0x8B50]  }
0x1b8: {  	v30 =	vld [tilespmem:s25+$0x8700]  }
0x1b9: {  	s23 =	sadd.s32 $0x1, s23;
	s4 =	sadd.s32 $0x10, s4;
	v34 =	vsub.f32 v21, v31;
	v31 =	vld [tilespmem:s3+$0x8700]  }
0x1ba: {  	s0 =	sadd.s32 $0x4, s21  }
0x1bb: {  	p0 =	sge.s32 s0, s19  }
0x1bc: {  	s0 =	sshll.u32 @!p0 s0, $0x5  }
0x1bd: {  	s0 =	sshra.s32 @!p0 s0, $0x2  }
0x1be: {  	v9 =	vld.msk @!p0 [tilespmem:s0+$0x480], $0xff;
	_ =	sdelay $0x4  }
0x1bf: {  	v21 =	vshll.u32 @!p0 v9, $0x4  }
0x1c0: {  	v24 =	vlaneseq.u32 @!p0;
	v9 =	vand.u32 @!p0 $0x7, v9;
	v21 =	vand.u32 @!p0 $0xFFFFFF80, v21  }
0x1c1: {  	v9 =	vor.u32 @!p0 v9, v21;
	v21 =	vand.u32 @!p0 $0x7, v24;
	v24 =	vshrl.u32 @!p0 v24, $0x3  }
0x1c2: {  	v9 =	vperm.xlane @!p0 v9, v21;
	v24 =	vmul.u32 @!p0 $0x8, v24;
	_ =	sdelay $0x1  }
0x1c3: {  	v9 =	vadd.s32 @!p0 v24, v9;
	_ =	sdelay $0x2  }
0x1c4: {  	v35 =	vld [tilespmem:s25+$0xC700]  }
0x1c5: {  	v36 =	vld [tilespmem:s3+$0xC700];
	s3 =	rddreg [dreg:$0x0];
	vm15 =	vmmov @!p0 $0xffff;
	s1 =	simm.s32 @!p0 $0x0;
	s2 =	simm.s32 @!p0 $0x8700  }
0x1c6: {  	v37 =	vld [tilespmem:s25+$0x8B10];
	[tilespmem:s2], [sflag:$0x2] =	stream.indirect_vreg.gather @!p0 [hbm4b:s3+s1], $0x80, v9, vm15, $0xb8  }
0x1c7: {  	s2 =	simm.s32 @!p0 $0x8F00  }
0x1c8: {  	[tilespmem:s2], [sflag:$0x2] =	stream.indirect_vreg.gather @!p0 [hbm4b:s6+s1], $0x80, v9, vm15, $0xb8;
	[tilespmem:$0x18800] =	vst v63  }
0x1c9: {  	s2 =	simm.s32 @!p0 $0x9700  }
0x1ca: {  	[tilespmem:s2], [sflag:$0x2] =	stream.indirect_vreg.gather @!p0 [hbm4b:s7+s1], $0x80, v9, vm15, $0xb8;
	[tilespmem:$0x18800] =	vst v63  }
0x1cb: {  	s2 =	simm.s32 @!p0 $0x9F00  }
0x1cc: {  	[tilespmem:s2], [sflag:$0x2] =	stream.indirect_vreg.gather @!p0 [hbm4b:s8+s1], $0x80, v9, vm15, $0xb8;
	[tilespmem:$0x18800] =	vst v63  }
0x1cd: {  	s2 =	simm.s32 @!p0 $0xA700  }
0x1ce: {  	[tilespmem:s2], [sflag:$0x2] =	stream.indirect_vreg.gather @!p0 [hbm4b:s9+s1], $0x80, v9, vm15, $0xb8;
	[tilespmem:$0x18800] =	vst v63  }
0x1cf: {  	s2 =	simm.s32 @!p0 $0xAF00  }
0x1d0: {  	[tilespmem:s2], [sflag:$0x2] =	stream.indirect_vreg.gather @!p0 [hbm4b:s10+s1], $0x80, v9, vm15, $0xb8;
	[tilespmem:$0x18800] =	vst v63  }
0x1d1: {  	s2 =	simm.s32 @!p0 $0xB700  }
0x1d2: {  	[tilespmem:s2], [sflag:$0x2] =	stream.indirect_vreg.gather @!p0 [hbm4b:s11+s1], $0x80, v9, vm15, $0xb8;
	[tilespmem:$0x18800] =	vst v63  }
0x1d3: {  	s2 =	simm.s32 @!p0 $0xBF00  }
0x1d4: {  	[tilespmem:s2], [sflag:$0x2] =	stream.indirect_vreg.gather @!p0 [hbm4b:s12+s1], $0x80, v9, vm15, $0xb8;
	[tilespmem:$0x18800] =	vst v63  }
0x1d5: {  	v9 =	vld.msk @!p0 [tilespmem:s0+$0x480], $0xff;
	_ =	sdelay $0x4  }
0x1d6: {  	v38 =	vshll.u32 @!p0 v9, $0x4  }
0x1d7: {  	v9 =	vand.u32 @!p0 $0x7, v9;
	v38 =	vand.u32 @!p0 $0xFFFFFF80, v38  }
0x1d8: {  	v9 =	vor.u32 @!p0 v9, v38  }
0x1d9: {  	v9 =	vperm.xlane @!p0 v9, v21;
	_ =	sdelay $0x1  }
0x1da: {  	v9 =	vadd.s32 @!p0 v24, v9;
	_ =	sdelay $0x3  }
0x1db: {  	s2 =	rddreg [dreg:$0x1];
	s0 =	simm.s32 @!p0 $0xC700  }
0x1dc: {  	[tilespmem:s0], [sflag:$0x2] =	stream.indirect_vreg.gather @!p0 [hbm4b:s2+s1], $0x80, v9, vm15, $0xb8;
	[tilespmem:$0x18800] =	vst v63  }
0x1dd: {  	s0 =	simm.s32 @!p0 $0xCF00  }
0x1de: {  	[tilespmem:s0], [sflag:$0x2] =	stream.indirect_vreg.gather @!p0 [hbm4b:s13+s1], $0x80, v9, vm15, $0xb8;
	[tilespmem:$0x18800] =	vst v63  }
0x1df: {  	s0 =	simm.s32 @!p0 $0xD700  }
0x1e0: {  	[tilespmem:s0], [sflag:$0x2] =	stream.indirect_vreg.gather @!p0 [hbm4b:s14+s1], $0x80, v9, vm15, $0xb8;
	[tilespmem:$0x18800] =	vst v63  }
0x1e1: {  	s0 =	simm.s32 @!p0 $0xDF00  }
0x1e2: {  	[tilespmem:s0], [sflag:$0x2] =	stream.indirect_vreg.gather @!p0 [hbm4b:s15+s1], $0x80, v9, vm15, $0xb8;
	[tilespmem:$0x18800] =	vst v63  }
0x1e3: {  	s0 =	simm.s32 @!p0 $0xE700  }
0x1e4: {  	[tilespmem:s0], [sflag:$0x2] =	stream.indirect_vreg.gather @!p0 [hbm4b:s16+s1], $0x80, v9, vm15, $0xb8;
	[tilespmem:$0x18800] =	vst v63  }
0x1e5: {  	s0 =	simm.s32 @!p0 $0xEF00  }
0x1e6: {  	[tilespmem:s0], [sflag:$0x2] =	stream.indirect_vreg.gather @!p0 [hbm4b:s17+s1], $0x80, v9, vm15, $0xb8;
	[tilespmem:$0x18800] =	vst v63  }
0x1e7: {  	s0 =	simm.s32 @!p0 $0xF700  }
0x1e8: {  	[tilespmem:s0], [sflag:$0x2] =	stream.indirect_vreg.gather @!p0 [hbm4b:s18+s1], $0x80, v9, vm15, $0xb8;
	[tilespmem:$0x18800] =	vst v63  }
0x1e9: {  	s0 =	simm.s32 @!p0 $0xFF00  }
0x1ea: {  	[tilespmem:s0], [sflag:$0x2] =	stream.indirect_vreg.gather @!p0 [hbm4b:s20+s1], $0x80, v9, vm15, $0xb8;
	[tilespmem:$0x18800] =	vst v63  }
0x1eb: {  	_ =	swait.ge [sflag:s31], $0x4000  }
0x1ec: {  	[sflag:s31] =	ssyncset.done $0x0  }
0x1ed: {  	[sflag:s31] =	ssyncadd.s32 $0xFFFFC000  }
0x1ee: {  	s4 =	simm.s32 $0x0;
	s0 =	simm.s32 $0x0;
	_ =	swait.ge [sflag:s31], $0x4000  }
0x1ef: {  	s1 =	sand.u32 $0x380, s4;
	s5 =	sand.u32 $0x3800, s0;
	[sflag:s31] =	ssyncset.done $0x0  }
0x1f0: {  	s25 =	sor.u32 s1, s5;
	[sflag:s31] =	ssyncadd.s32 $0xFFFFC000  }
0x1f1: {  	v58 =	vld [tilespmem:s25+$0x14B20]  }
0x1f2: {  	v39 =	vld [tilespmem:s25+$0x10B20]  }
0x1f3: {  	v9 =	vld [tilespmem:s25+$0x14B10]  }
0x1f4: {  	v40 =	vld [tilespmem:s25+$0x14B30]  }
0x1f5: {  	v41 =	vld [tilespmem:s25+$0x14B00]  }
0x1f6: {  	v42 =	vld [tilespmem:s25+$0x14720]  }
0x1f7: {  	v43 =	vld [tilespmem:s25+$0x10B00]  }
0x1f8: {  	v44 =	vld [tilespmem:s25+$0x10720]  }
0x1f9: {  	s22 =	sand.u32 $0x7, s0;
	v45 =	vld [tilespmem:s25+$0x10B30]  }
0x1fa: {  	s1 =	sshll.u32 s22, $0xB;
	v21 =	vld [tilespmem:s25+$0x14710]  }
0x1fb: {  	s1 =	sadd.s32 $0x0, s1;
	v24 =	vld [tilespmem:s25+$0x10710]  }
0x1fc: {  	v18 =	vsub.f32 v19, v18;
	v33 =	vsub.f32 v33, v14;
	s23 =	sor.u32 $0x470, s1;
	v14 =	vld [tilespmem:s25+$0x14B60]  }
0x1fd: {  	v17 =	vadd.f32 v32, v17;
	v19 =	vmul.f32 v34, v34;
	v31 =	vsub.f32 v31, v36;
	v59 =	vld [tilespmem:s23+$0x14700]  }
0x1fe: {  	v27 =	vsub.f32 v29, v27;
	v18 =	vmul.f32 v18, v18;
	v29 =	vsub.f32 v30, v35;
	v30 =	vld [tilespmem:s23+$0x10700]  }
0x1ff: {  	v15 =	vadd.f32 v19, v15;
	v10 =	vsub.f32 v37, v10;
	v19 =	vmul.f32 v31, v31;
	v31 =	vld [tilespmem:s25+$0x14760]  }
0x200: {  	v16 =	vadd.f32 v28, v16;
	v25 =	vmul.f32 v25, v25;
	v11 =	vadd.f32 v18, v11;
	v18 =	vld [tilespmem:s25+$0x10760]  }
0x201: {  	v13 =	vsub.f32 v26, v13;
	v27 =	vmul.f32 v27, v27;
	v10 =	vmul.f32 v10, v10;
	v26 =	vld [tilespmem:s25+$0x14750]  }
0x202: {  	v28 =	vmul.f32 v29, v29;
	v19 =	vadd.f32 v19, v12;
	v12 =	vadd.f32 v25, v15;
	v29 =	vld [tilespmem:s25+$0x10750]  }
0x203: {  	v61 =	vmul.f32 v13, v13;
	v11 =	vadd.f32 v10, v11;
	v15 =	vadd.f32 v27, v17;
	v60 =	vld [tilespmem:s25+$0x14740]  }
0x204: {  	v17 =	vmul.f32 v33, v33;
	v27 =	vadd.f32 v28, v8;
	v28 =	vld [tilespmem:s25+$0x10740];
	v10 =	vsub.f32 v44, v42  }
0x205: {  	v8 =	vadd.f32 v23, v19;
	v25 =	vld [tilespmem:s25+$0x14B40]  }
0x206: {  	v13 =	vadd.f32 v17, v16;
	v16 =	vadd.f32 v61, v20;
	v63 =	vld [tilespmem:s25+$0x14730];
	v10 =	vmul.f32 v10, v10  }
0x207: {  	v23 =	vld [tilespmem:s25+$0x14B50];
	v62 =	vsub.f32 v39, v58;
	v18 =	vsub.f32 v18, v31  }
0x208: {  	v10 =	vadd.f32 v10, v7;
	v7 =	vadd.f32 v22, v27;
	v27 =	vld [tilespmem:s25+$0x10730]  }
0x209: {  	v20 =	vld [tilespmem:s25+$0x10B60];
	v19 =	vsub.f32 v45, v40;
	v31 =	vsub.f32 v43, v41;
	v17 =	vmul.f32 v62, v62  }
0x20a: {  	v18 =	vmul.f32 v18, v18;
	v22 =	vsub.f32 v29, v26;
	v26 =	vld [tilespmem:s25+$0x10B40];
	v29 =	vsub.f32 v28, v60  }
0x20b: {  	v10 =	vadd.f32 v17, v10;
	v17 =	vsub.f32 v30, v59;
	v30 =	vld [tilespmem:s25+$0x10B50]  }
0x20c: {  	s3 =	sor.u32 $0x70, s1;
	v16 =	vadd.f32 v18, v16;
	v28 =	vld [tilespmem:s25+$0x10700];
	v18 =	vmul.f32 v31, v31;
	v22 =	vmul.f32 v22, v22  }
0x20d: {  	s4 =	simm.s32 $0xFFFFFC10;
	s22 =	simm.s32 $0x800;
	s23 =	simm.s32 $0x1;
	v29 =	vmul.f32 v29, v29;
	v17 =	vmul.f32 v17, v17;
	v31 =	vsub.f32 v27, v63;
	v27 =	vld [tilespmem:s3+$0x10700]  }
.LBB2_12:
0x20e: {  	s1 =	sand.u32 $0x7, s23;
	s2 =	sadd.s32 $0x400, s4;
	v32 =	vld [tilespmem:s25+$0x14700];
	s0 =	sadd.s32 $0x10, s0  }
0x20f: {  	s5 =	sand.u32 $0x3800, s22;
	s1 =	sshll.u32 s1, $0xB;
	s2 =	sand.u32 $0x380, s2;
	v31 =	vmul.f32 v31, v31;
	v33 =	vld [tilespmem:s3+$0x14700]  }
0x210: {  	p0 =	sne.s32 s22, $0x1F800;
	s1 =	sadd.s32 s1, s0;
	v34 =	vld [tilespmem:s25+$0x10B10];
	s25 =	sor.u32 s2, s5;
	v23 =	vsub.f32 v30, v23  }
0x211: {  	s22 =	sadd.s32 $0x800, s22;
	v15 =	vadd.f32 v29, v15;
	s3 =	sor.u32 $0x70, s1;
	v30 =	vld [tilespmem:s25+$0x14B20];
	s1 =	sor.u32 $0x470, s1  }
0x212: {  	v21 =	vsub.f32 v24, v21;
	v24 =	vsub.f32 v26, v25;
	v29 =	vld [tilespmem:s25+$0x10B20]  }
0x213: {  	v19 =	vmul.f32 v19, v19;
	v12 =	vadd.f32 v31, v12;
	v25 =	vld [tilespmem:s25+$0x14B10];
	v26 =	vsub.f32 v28, v32  }
0x214: {  	v21 =	vmul.f32 v21, v21;
	v24 =	vmul.f32 v24, v24;
	v28 =	vld [tilespmem:s25+$0x14B30];
	v27 =	vsub.f32 v27, v33  }
0x215: {  	v13 =	vadd.f32 v22, v13;
	v31 =	vld [tilespmem:s25+$0x14B00];
	v26 =	vmul.f32 v26, v26;
	v32 =	vsub.f32 v34, v9  }
0x216: {  	v11 =	vadd.f32 v21, v11;
	v23 =	vmul.f32 v23, v23;
	v22 =	vld [tilespmem:s25+$0x14720];
	v21 =	vmul.f32 v27, v27  }
0x217: {  	v14 =	vsub.f32 v20, v14;
	v27 =	vld [tilespmem:s25+$0x10B00];
	v29 =	vsub.f32 v29, v30;
	v30 =	vmul.f32 v32, v32  }
0x218: {  	v12 =	vadd.f32 v19, v12;
	v20 =	vld [tilespmem:s25+$0x10720];
	v8 =	vadd.f32 v21, v8;
	v9 =	vmov v25  }
0x219: {  	v14 =	vmul.f32 v14, v14;
	v15 =	vadd.f32 v24, v15;
	v19 =	vld [tilespmem:s25+$0x10B30];
	v11 =	vadd.f32 v30, v11  }
0x21a: {  	v7 =	vadd.f32 v26, v7;
	v21 =	vld [tilespmem:s25+$0x14710];
	v8 =	vadd.f32 v17, v8  }
0x21b: {  	v16 =	vadd.f32 v14, v16;
	v13 =	vadd.f32 v23, v13;
	v24 =	vld [tilespmem:s25+$0x10710]  }
0x21c: {  	v7 =	vadd.f32 v18, v7;
	v14 =	vld [tilespmem:s25+$0x14B60]  }
0x21d: {  	v17 =	vsub.f32 v20, v22;
	v18 =	vld [tilespmem:s1+$0x14700]  }
0x21e: {  	v19 =	vsub.f32 v19, v28;
	v20 =	vld [tilespmem:s1+$0x10700]  }
0x21f: {  	v17 =	vmul.f32 v17, v17;
	v22 =	vld [tilespmem:s25+$0x14760]  }
0x220: {  	v23 =	vld [tilespmem:s25+$0x10760]  }
0x221: {  	v25 =	vmul.f32 v29, v29;
	v10 =	vadd.f32 v17, v10;
	v17 =	vld [tilespmem:s25+$0x14750]  }
0x222: {  	v26 =	vld [tilespmem:s25+$0x10750]  }
0x223: {  	v28 =	vld [tilespmem:s25+$0x14740];
	v10 =	vadd.f32 v25, v10  }
0x224: {  	v29 =	vld [tilespmem:s25+$0x10740]  }
0x225: {  	v22 =	vsub.f32 v23, v22;
	v25 =	vld [tilespmem:s25+$0x14B40]  }
0x226: {  	v32 =	vld [tilespmem:s25+$0x14730]  }
0x227: {  	v26 =	vsub.f32 v26, v17;
	v30 =	vmul.f32 v22, v22;
	v23 =	vld [tilespmem:s25+$0x14B50];
	v17 =	vsub.f32 v20, v18  }
0x228: {  	v33 =	vld [tilespmem:s25+$0x10730]  }
.Ltmp5:
0x229: {  	v27 =	vsub.f32 v27, v31;
	v18 =	vsub.f32 v29, v28;
	v20 =	vld [tilespmem:s25+$0x10B60];
	v17 =	vmul.f32 v17, v17;
	(pc) =	sbr.rel @p0 .LBB2_12-.Ltmp5, $4  }
0x22a: {  	v22 =	vmul.f32 v26, v26;
	v16 =	vadd.f32 v30, v16;
	v26 =	vld [tilespmem:s25+$0x10B40]  }
0x22b: {  	v29 =	vmul.f32 v18, v18;
	v18 =	vmul.f32 v27, v27;
	v30 =	vld [tilespmem:s25+$0x10B50]  }
0x22c: {  	v28 =	vld [tilespmem:s25+$0x10700]  }
0x22d: {  	s23 =	sadd.s32 $0x1, s23;
	s4 =	sadd.s32 $0x10, s4;
	v31 =	vsub.f32 v33, v32;
	v27 =	vld [tilespmem:s3+$0x10700]  }
0x22e: {  	s0 =	sadd.s32 $0x5, s21  }
0x22f: {  	p0 =	sge.s32 s0, s19  }
0x230: {  	s0 =	sshll.u32 @!p0 s0, $0x5  }
0x231: {  	s0 =	sshra.s32 @!p0 s0, $0x2  }
0x232: {  	v32 =	vld.msk @!p0 [tilespmem:s0+$0x480], $0xff;
	_ =	sdelay $0x4  }
0x233: {  	v33 =	vshll.u32 @!p0 v32, $0x4  }
0x234: {  	v34 =	vlaneseq.u32 @!p0;
	v32 =	vand.u32 @!p0 $0x7, v32;
	v33 =	vand.u32 @!p0 $0xFFFFFF80, v33  }
0x235: {  	v32 =	vor.u32 @!p0 v32, v33;
	v33 =	vand.u32 @!p0 $0x7, v34;
	v34 =	vshrl.u32 @!p0 v34, $0x3  }
0x236: {  	v32 =	vperm.xlane @!p0 v32, v33;
	v34 =	vmul.u32 @!p0 $0x8, v34;
	_ =	sdelay $0x1  }
0x237: {  	v32 =	vadd.s32 @!p0 v34, v32;
	_ =	sdelay $0x2  }
0x238: {  	v35 =	vld [tilespmem:s25+$0x14700]  }
0x239: {  	v36 =	vld [tilespmem:s3+$0x14700];
	s3 =	rddreg [dreg:$0x0];
	vm15 =	vmmov @!p0 $0xffff;
	s1 =	simm.s32 @!p0 $0x0;
	s2 =	simm.s32 @!p0 $0x10700  }
0x23a: {  	v37 =	vld [tilespmem:s25+$0x10B10];
	[tilespmem:s2], [sflag:$0x3] =	stream.indirect_vreg.gather @!p0 [hbm4b:s3+s1], $0x80, v32, vm15, $0xb8  }
0x23b: {  	s2 =	simm.s32 @!p0 $0x10F00  }
0x23c: {  	[tilespmem:s2], [sflag:$0x3] =	stream.indirect_vreg.gather @!p0 [hbm4b:s6+s1], $0x80, v32, vm15, $0xb8;
	[tilespmem:$0x18800] =	vst v63  }
0x23d: {  	s2 =	simm.s32 @!p0 $0x11700  }
0x23e: {  	[tilespmem:s2], [sflag:$0x3] =	stream.indirect_vreg.gather @!p0 [hbm4b:s7+s1], $0x80, v32, vm15, $0xb8;
	[tilespmem:$0x18800] =	vst v63  }
0x23f: {  	s2 =	simm.s32 @!p0 $0x11F00  }
0x240: {  	[tilespmem:s2], [sflag:$0x3] =	stream.indirect_vreg.gather @!p0 [hbm4b:s8+s1], $0x80, v32, vm15, $0xb8;
	[tilespmem:$0x18800] =	vst v63  }
0x241: {  	s2 =	simm.s32 @!p0 $0x12700  }
0x242: {  	[tilespmem:s2], [sflag:$0x3] =	stream.indirect_vreg.gather @!p0 [hbm4b:s9+s1], $0x80, v32, vm15, $0xb8;
	[tilespmem:$0x18800] =	vst v63  }
0x243: {  	s2 =	simm.s32 @!p0 $0x12F00  }
0x244: {  	[tilespmem:s2], [sflag:$0x3] =	stream.indirect_vreg.gather @!p0 [hbm4b:s10+s1], $0x80, v32, vm15, $0xb8;
	[tilespmem:$0x18800] =	vst v63  }
0x245: {  	s2 =	simm.s32 @!p0 $0x13700  }
0x246: {  	[tilespmem:s2], [sflag:$0x3] =	stream.indirect_vreg.gather @!p0 [hbm4b:s11+s1], $0x80, v32, vm15, $0xb8;
	[tilespmem:$0x18800] =	vst v63  }
0x247: {  	s2 =	simm.s32 @!p0 $0x13F00  }
0x248: {  	[tilespmem:s2], [sflag:$0x3] =	stream.indirect_vreg.gather @!p0 [hbm4b:s12+s1], $0x80, v32, vm15, $0xb8;
	[tilespmem:$0x18800] =	vst v63  }
0x249: {  	v32 =	vld.msk @!p0 [tilespmem:s0+$0x480], $0xff;
	_ =	sdelay $0x4  }
0x24a: {  	v38 =	vshll.u32 @!p0 v32, $0x4  }
0x24b: {  	v32 =	vand.u32 @!p0 $0x7, v32;
	v38 =	vand.u32 @!p0 $0xFFFFFF80, v38  }
0x24c: {  	v32 =	vor.u32 @!p0 v32, v38  }
0x24d: {  	v32 =	vperm.xlane @!p0 v32, v33;
	_ =	sdelay $0x1  }
0x24e: {  	v32 =	vadd.s32 @!p0 v34, v32;
	_ =	sdelay $0x3  }
0x24f: {  	s2 =	rddreg [dreg:$0x1];
	s0 =	simm.s32 @!p0 $0x14700  }
0x250: {  	[tilespmem:s0], [sflag:$0x3] =	stream.indirect_vreg.gather @!p0 [hbm4b:s2+s1], $0x80, v32, vm15, $0xb8;
	[tilespmem:$0x18800] =	vst v63  }
0x251: {  	s0 =	simm.s32 @!p0 $0x14F00  }
0x252: {  	[tilespmem:s0], [sflag:$0x3] =	stream.indirect_vreg.gather @!p0 [hbm4b:s13+s1], $0x80, v32, vm15, $0xb8;
	[tilespmem:$0x18800] =	vst v63  }
0x253: {  	s0 =	simm.s32 @!p0 $0x15700  }
0x254: {  	[tilespmem:s0], [sflag:$0x3] =	stream.indirect_vreg.gather @!p0 [hbm4b:s14+s1], $0x80, v32, vm15, $0xb8;
	[tilespmem:$0x18800] =	vst v63  }
0x255: {  	s0 =	simm.s32 @!p0 $0x15F00  }
0x256: {  	[tilespmem:s0], [sflag:$0x3] =	stream.indirect_vreg.gather @!p0 [hbm4b:s15+s1], $0x80, v32, vm15, $0xb8;
	[tilespmem:$0x18800] =	vst v63  }
0x257: {  	s0 =	simm.s32 @!p0 $0x16700  }
0x258: {  	[tilespmem:s0], [sflag:$0x3] =	stream.indirect_vreg.gather @!p0 [hbm4b:s16+s1], $0x80, v32, vm15, $0xb8;
	[tilespmem:$0x18800] =	vst v63  }
0x259: {  	v15 =	vadd.f32 v29, v15;
	v21 =	vsub.f32 v24, v21;
	s0 =	simm.s32 @!p0 $0x16F00  }
0x25a: {  	v19 =	vmul.f32 v19, v19;
	v13 =	vadd.f32 v22, v13;
	[tilespmem:s0], [sflag:$0x3] =	stream.indirect_vreg.gather @!p0 [hbm4b:s17+s1], $0x80, v32, vm15, $0xb8;
	[tilespmem:$0x18800] =	vst v63  }
0x25b: {  	v14 =	vsub.f32 v20, v14;
	v59 =	vmul.f32 v31, v31;
	v60 =	vsub.f32 v26, v25;
	s0 =	simm.s32 @!p0 $0x17700  }
0x25c: {  	v23 =	vsub.f32 v30, v23;
	v21 =	vmul.f32 v21, v21;
	[tilespmem:s0], [sflag:$0x3] =	stream.indirect_vreg.gather @!p0 [hbm4b:s18+s1], $0x80, v32, vm15, $0xb8;
	[tilespmem:$0x18800] =	vst v63  }
0x25d: {  	s24 =	sadd.s32 $0x1, s24;
	s25 =	rddreg [dreg:$0xd];
	v14 =	vmul.f32 v14, v14;
	v12 =	vadd.f32 v59, v12;
	v24 =	vmul.f32 v60, v60;
	s0 =	simm.s32 @!p0 $0x17F00  }
0x25e: {  	v61 =	vsub.f32 v28, v35;
	v62 =	vsub.f32 v27, v36;
	[tilespmem:s0], [sflag:$0x3] =	stream.indirect_vreg.gather @!p0 [hbm4b:s20+s1], $0x80, v32, vm15, $0xb8;
	[tilespmem:$0x18800] =	vst v63  }
0x25f: {  	v21 =	vadd.f32 v21, v11;
	v23 =	vmul.f32 v23, v23;
	v9 =	vsub.f32 v37, v9;
	p0 =	sne.s32 s24, s25  }
.Ltmp6:
0x260: {  	v11 =	vadd.f32 v19, v12;
	v25 =	vmul.f32 v61, v61;
	v63 =	vmul.f32 v62, v62;
	(pc) =	sbr.rel @p0 .LBB2_7-.Ltmp6, $4  }
0x261: {  	v15 =	vadd.f32 v24, v15;
	v19 =	vadd.f32 v14, v16;
	v9 =	vmul.f32 v9, v9  }
0x262: {  	v8 =	vadd.f32 v63, v8;
	v20 =	vadd.f32 v25, v7  }
0x263: {  	v12 =	vadd.f32 v23, v13;
	v9 =	vadd.f32 v9, v21  }
0x264: {  	v7 =	vadd.f32 v17, v8;
	v8 =	vadd.f32 v18, v20  }
0x265: {  	_ = 	snop  }
0x266: {  	v8 =	vadd.f32 v9, v8;
	_ =	sdelay $0x1  }
0x267: {  	v8 =	vadd.f32 v10, v8;
	_ =	sdelay $0x1  }
0x268: {  	v8 =	vadd.f32 v11, v8;
	_ =	sdelay $0x1  }
0x269: {  	v8 =	vadd.f32 v15, v8;
	_ =	sdelay $0x1  }
0x26a: {  	v8 =	vadd.f32 v12, v8;
	_ =	sdelay $0x1  }
0x26b: {  	v8 =	vadd.f32 v19, v8  }
0x26c: {  	s22 =	simm.s32 $0x0;
	s19 =	simm.s32 $0x4;
	s21 =	simm.s32 $0x700  }
0x26d: {  	s23 =	simm.s32 $0xF00;
	s24 =	simm.s32 $0x1700;
	s25 =	simm.s32 $0x1F00;
	v7 =	vadd.f32 v7, v8  }
.LBB2_15:
0x26e: {  	s0 =	simm.s32 $0x0;
	s2 =	rddreg [dreg:$0x8]  }
0x26f: {  	[tilespmem:s21], [sflag:$0x4] =	stream.linear.gather [hbm4b:s2+s0], $0x80, $0x38;
	[tilespmem:$0x18800] =	vst v63  }
0x270: {  	s3 =	simm.s32 $0xB00;
	s1 =	sadd.s32 $0x80, s2  }
0x271: {  	[tilespmem:s3], [sflag:$0x4] =	stream.linear.gather [hbm4b:s1+s0], $0x80, $0x38;
	[tilespmem:$0x18800] =	vst v63  }
0x272: {  	s3 =	sadd.s32 $0x100, s2  }
0x273: {  	[tilespmem:s23], [sflag:$0x4] =	stream.linear.gather [hbm4b:s3+s0], $0x80, $0x38;
	[tilespmem:$0x18800] =	vst v63  }
0x274: {  	s5 =	simm.s32 $0x1300;
	s4 =	sadd.s32 $0x180, s2  }
0x275: {  	[tilespmem:s5], [sflag:$0x4] =	stream.linear.gather [hbm4b:s4+s0], $0x80, $0x38;
	[tilespmem:$0x18800] =	vst v63  }
0x276: {  	s3 =	sadd.s32 $0x200, s2  }
0x277: {  	[tilespmem:s24], [sflag:$0x4] =	stream.linear.gather [hbm4b:s3+s0], $0x80, $0x38;
	[tilespmem:$0x18800] =	vst v63  }
0x278: {  	s4 =	sadd.s32 $0x280, s2;
	s5 =	simm.s32 $0x1B00  }
0x279: {  	[tilespmem:s5], [sflag:$0x4] =	stream.linear.gather [hbm4b:s4+s0], $0x80, $0x38;
	[tilespmem:$0x18800] =	vst v63  }
0x27a: {  	s3 =	sadd.s32 $0x300, s2  }
0x27b: {  	[tilespmem:s25], [sflag:$0x4] =	stream.linear.gather [hbm4b:s3+s0], $0x80, $0x38;
	[tilespmem:$0x18800] =	vst v63  }
0x27c: {  	s4 =	sadd.s32 $0x380, s2;
	s5 =	simm.s32 $0x2300  }
0x27d: {  	[tilespmem:s5], [sflag:$0x4] =	stream.linear.gather [hbm4b:s4+s0], $0x80, $0x38;
	[tilespmem:$0x18800] =	vst v63  }
0x27e: {  	s4 =	sadd.s32 $0x400, s2;
	s5 =	simm.s32 $0x2700  }
0x27f: {  	[tilespmem:s5], [sflag:$0x4] =	stream.linear.gather [hbm4b:s4+s0], $0x80, $0x38;
	[tilespmem:$0x18800] =	vst v63  }
0x280: {  	s4 =	sadd.s32 $0x480, s2;
	s5 =	simm.s32 $0x2B00  }
0x281: {  	[tilespmem:s5], [sflag:$0x4] =	stream.linear.gather [hbm4b:s4+s0], $0x80, $0x38;
	[tilespmem:$0x18800] =	vst v63  }
0x282: {  	s4 =	sadd.s32 $0x500, s2;
	s5 =	simm.s32 $0x2F00  }
0x283: {  	[tilespmem:s5], [sflag:$0x4] =	stream.linear.gather [hbm4b:s4+s0], $0x80, $0x38;
	[tilespmem:$0x18800] =	vst v63  }
0x284: {  	s4 =	sadd.s32 $0x580, s2;
	s5 =	simm.s32 $0x3300  }
0x285: {  	[tilespmem:s5], [sflag:$0x4] =	stream.linear.gather [hbm4b:s4+s0], $0x80, $0x38;
	[tilespmem:$0x18800] =	vst v63  }
0x286: {  	s4 =	sadd.s32 $0x600, s2;
	s5 =	simm.s32 $0x3700  }
0x287: {  	[tilespmem:s5], [sflag:$0x4] =	stream.linear.gather [hbm4b:s4+s0], $0x80, $0x38;
	[tilespmem:$0x18800] =	vst v63  }
0x288: {  	s4 =	sadd.s32 $0x680, s2;
	s5 =	simm.s32 $0x3B00  }
0x289: {  	[tilespmem:s5], [sflag:$0x4] =	stream.linear.gather [hbm4b:s4+s0], $0x80, $0x38;
	[tilespmem:$0x18800] =	vst v63  }
0x28a: {  	s4 =	sadd.s32 $0x700, s2;
	s5 =	simm.s32 $0x3F00  }
0x28b: {  	[tilespmem:s5], [sflag:$0x4] =	stream.linear.gather [hbm4b:s4+s0], $0x80, $0x38;
	[tilespmem:$0x18800] =	vst v63  }
0x28c: {  	s4 =	sadd.s32 $0x780, s2;
	s5 =	simm.s32 $0x4300  }
0x28d: {  	[tilespmem:s5], [sflag:$0x4] =	stream.linear.gather [hbm4b:s4+s0], $0x80, $0x38;
	[tilespmem:$0x18800] =	vst v63  }
0x28e: {  	_ =	swait.ge [sflag:s19], $0x800  }
0x28f: {  	[sflag:s19] =	ssyncset.done $0x0  }
0x290: {  	s3 =	simm.s32 $0x4700;
	s2 =	rddreg [dreg:$0x9];
	[sflag:s19] =	ssyncadd.s32 $0xFFFFF800  }
0x291: {  	[tilespmem:s3], [sflag:$0x4] =	stream.linear.gather [hbm4b:s2+s0], $0x80, $0x38;
	[tilespmem:$0x18800] =	vst v63  }
0x292: {  	s5 =	simm.s32 $0x4B00;
	s4 =	sadd.s32 $0x80, s2  }
0x293: {  	[tilespmem:s5], [sflag:$0x4] =	stream.linear.gather [hbm4b:s4+s0], $0x80, $0x38;
	[tilespmem:$0x18800] =	vst v63  }
0x294: {  	s4 =	sadd.s32 $0x100, s2;
	s5 =	simm.s32 $0x4F00  }
0x295: {  	[tilespmem:s5], [sflag:$0x4] =	stream.linear.gather [hbm4b:s4+s0], $0x80, $0x38;
	[tilespmem:$0x18800] =	vst v63  }
0x296: {  	s4 =	sadd.s32 $0x180, s2;
	s5 =	simm.s32 $0x5300  }
0x297: {  	[tilespmem:s5], [sflag:$0x4] =	stream.linear.gather [hbm4b:s4+s0], $0x80, $0x38;
	[tilespmem:$0x18800] =	vst v63  }
0x298: {  	s4 =	sadd.s32 $0x200, s2;
	s5 =	simm.s32 $0x5700  }
0x299: {  	[tilespmem:s5], [sflag:$0x4] =	stream.linear.gather [hbm4b:s4+s0], $0x80, $0x38;
	[tilespmem:$0x18800] =	vst v63  }
0x29a: {  	s4 =	sadd.s32 $0x280, s2;
	s5 =	simm.s32 $0x5B00  }
0x29b: {  	[tilespmem:s5], [sflag:$0x4] =	stream.linear.gather [hbm4b:s4+s0], $0x80, $0x38;
	[tilespmem:$0x18800] =	vst v63  }
0x29c: {  	s4 =	sadd.s32 $0x300, s2;
	s5 =	simm.s32 $0x5F00  }
0x29d: {  	[tilespmem:s5], [sflag:$0x4] =	stream.linear.gather [hbm4b:s4+s0], $0x80, $0x38;
	[tilespmem:$0x18800] =	vst v63  }
0x29e: {  	s4 =	sadd.s32 $0x380, s2;
	s5 =	simm.s32 $0x6300  }
0x29f: {  	[tilespmem:s5], [sflag:$0x4] =	stream.linear.gather [hbm4b:s4+s0], $0x80, $0x38;
	[tilespmem:$0x18800] =	vst v63  }
0x2a0: {  	s4 =	sadd.s32 $0x400, s2;
	s5 =	simm.s32 $0x6700  }
0x2a1: {  	[tilespmem:s5], [sflag:$0x4] =	stream.linear.gather [hbm4b:s4+s0], $0x80, $0x38;
	[tilespmem:$0x18800] =	vst v63  }
0x2a2: {  	s4 =	sadd.s32 $0x480, s2;
	s5 =	simm.s32 $0x6B00  }
0x2a3: {  	[tilespmem:s5], [sflag:$0x4] =	stream.linear.gather [hbm4b:s4+s0], $0x80, $0x38;
	[tilespmem:$0x18800] =	vst v63  }
0x2a4: {  	s4 =	sadd.s32 $0x500, s2;
	s5 =	simm.s32 $0x6F00  }
0x2a5: {  	[tilespmem:s5], [sflag:$0x4] =	stream.linear.gather [hbm4b:s4+s0], $0x80, $0x38;
	[tilespmem:$0x18800] =	vst v63  }
0x2a6: {  	s4 =	sadd.s32 $0x580, s2;
	s5 =	simm.s32 $0x7300  }
0x2a7: {  	[tilespmem:s5], [sflag:$0x4] =	stream.linear.gather [hbm4b:s4+s0], $0x80, $0x38;
	[tilespmem:$0x18800] =	vst v63  }
0x2a8: {  	s4 =	sadd.s32 $0x600, s2;
	s5 =	simm.s32 $0x7700  }
0x2a9: {  	[tilespmem:s5], [sflag:$0x4] =	stream.linear.gather [hbm4b:s4+s0], $0x80, $0x38;
	[tilespmem:$0x18800] =	vst v63  }
0x2aa: {  	s4 =	sadd.s32 $0x680, s2;
	s5 =	simm.s32 $0x7B00  }
0x2ab: {  	[tilespmem:s5], [sflag:$0x4] =	stream.linear.gather [hbm4b:s4+s0], $0x80, $0x38;
	[tilespmem:$0x18800] =	vst v63  }
0x2ac: {  	s4 =	sadd.s32 $0x700, s2;
	s5 =	simm.s32 $0x7F00  }
0x2ad: {  	[tilespmem:s5], [sflag:$0x4] =	stream.linear.gather [hbm4b:s4+s0], $0x80, $0x38;
	[tilespmem:$0x18800] =	vst v63  }
0x2ae: {  	s3 =	sadd.s32 $0x780, s2;
	s4 =	simm.s32 $0x8300  }
0x2af: {  	[tilespmem:s4], [sflag:$0x4] =	stream.linear.gather [hbm4b:s3+s0], $0x80, $0x38;
	[tilespmem:$0x18800] =	vst v63  }
0x2b0: {  	_ =	swait.ge [sflag:s19], $0x800  }
0x2b1: {  	[sflag:s19] =	ssyncset.done $0x0  }
0x2b2: {  	s5 =	simm.s32 $0x0;
	[sflag:s19] =	ssyncadd.s32 $0xFFFFF800  }
0x2b3: {  	v8 =	vld [tilespmem:s5+$0x700]  }
0x2b4: {  	v9 =	vld [tilespmem:s5+$0x4700]  }
0x2b5: {  	v10 =	vld [tilespmem:s5+$0x710]  }
0x2b6: {  	v11 =	vld [tilespmem:s5+$0x4710]  }
0x2b7: {  	v12 =	vld [tilespmem:s5+$0x720]  }
0x2b8: {  	v13 =	vld [tilespmem:s5+$0x4720]  }
0x2b9: {  	v14 =	vld [tilespmem:s5+$0x4730];
	v8 =	vsub.f32 v8, v9  }
0x2ba: {  	v9 =	vld [tilespmem:s5+$0x730]  }
0x2bb: {  	v15 =	vld [tilespmem:s5+$0x4740];
	v10 =	vsub.f32 v10, v11;
	v8 =	vmul.f32 v8, v8  }
0x2bc: {  	v11 =	vld [tilespmem:s5+$0x740]  }
0x2bd: {  	v6 =	vadd.f32 v8, v6;
	v8 =	vmul.f32 v10, v10;
	v10 =	vsub.f32 v12, v13;
	v12 =	vld [tilespmem:s5+$0x750]  }
0x2be: {  	v13 =	vld [tilespmem:s5+$0x4750]  }
0x2bf: {  	v9 =	vsub.f32 v9, v14;
	v14 =	vld [tilespmem:s5+$0x4760];
	v6 =	vadd.f32 v8, v6;
	v8 =	vmul.f32 v10, v10  }
0x2c0: {  	v10 =	vld [tilespmem:s5+$0x760]  }
0x2c1: {  	v6 =	vadd.f32 v8, v6;
	v8 =	vmul.f32 v9, v9;
	v9 =	vsub.f32 v11, v15;
	v11 =	vld [tilespmem:s5+$0x770]  }
0x2c2: {  	v15 =	vld [tilespmem:s5+$0x4770]  }
0x2c3: {  	v6 =	vadd.f32 v8, v6;
	v8 =	vmul.f32 v9, v9;
	v9 =	vsub.f32 v12, v13;
	v12 =	vld [tilespmem:s5+$0xB00]  }
0x2c4: {  	v13 =	vld [tilespmem:s5+$0x4B00]  }
0x2c5: {  	v6 =	vadd.f32 v8, v6;
	v8 =	vmul.f32 v9, v9;
	v9 =	vsub.f32 v10, v14;
	v10 =	vld [tilespmem:s5+$0xB10]  }
0x2c6: {  	v14 =	vld [tilespmem:s5+$0x4B10]  }
0x2c7: {  	v6 =	vadd.f32 v8, v6;
	v8 =	vmul.f32 v9, v9;
	v9 =	vsub.f32 v11, v15;
	v11 =	vld [tilespmem:s5+$0xB20]  }
0x2c8: {  	v15 =	vld [tilespmem:s5+$0x4B20]  }
0x2c9: {  	v6 =	vadd.f32 v8, v6;
	v8 =	vmul.f32 v9, v9;
	v9 =	vsub.f32 v12, v13;
	v12 =	vld [tilespmem:s5+$0xB30]  }
0x2ca: {  	v13 =	vld [tilespmem:s5+$0x4B30]  }
0x2cb: {  	v16 =	vld [tilespmem:s5+$0x4B40];
	v6 =	vadd.f32 v8, v6;
	v8 =	vmul.f32 v9, v9;
	v9 =	vsub.f32 v10, v14  }
0x2cc: {  	v14 =	vld [tilespmem:s5+$0xB40]  }
0x2cd: {  	v17 =	vld [tilespmem:s5+$0x4B50];
	v6 =	vadd.f32 v8, v6;
	v8 =	vmul.f32 v9, v9;
	v9 =	vsub.f32 v11, v15  }
0x2ce: {  	v15 =	vld [tilespmem:s5+$0xB50]  }
0x2cf: {  	v10 =	vld [tilespmem:s5+$0x4B60];
	v11 =	vsub.f32 v12, v13;
	v8 =	vadd.f32 v8, v6;
	v9 =	vmul.f32 v9, v9  }
0x2d0: {  	v6 =	vld [tilespmem:s5+$0xB60]  }
0x2d1: {  	v13 =	vmul.f32 v11, v11;
	v14 =	vsub.f32 v14, v16;
	v11 =	vld [tilespmem:s5+$0x4B70];
	v12 =	vadd.f32 v9, v8  }
0x2d2: {  	s0 =	simm.s32 $0x800;
	v8 =	vld [tilespmem:s5+$0xB70]  }
0x2d3: {  	s3 =	simm.s32 $0x4000;
	v9 =	vld [tilespmem:s0+$0x700];
	v12 =	vadd.f32 v13, v12;
	v13 =	vmul.f32 v14, v14;
	v14 =	vsub.f32 v15, v17  }
.LBB2_16:
0x2d4: {  	p0 =	sne.s32 s3, $0xE000;
	v15 =	vld [tilespmem:s0+$0x4700]  }
0x2d5: {  	v16 =	vld [tilespmem:s0+$0x710];
	v12 =	vadd.f32 v13, v12;
	v13 =	vmul.f32 v14, v14;
	v6 =	vsub.f32 v6, v10  }
0x2d6: {  	v10 =	vld [tilespmem:s0+$0x4710]  }
0x2d7: {  	v14 =	vld [tilespmem:s0+$0x720];
	v12 =	vadd.f32 v13, v12;
	v6 =	vmul.f32 v6, v6;
	v8 =	vsub.f32 v8, v11  }
0x2d8: {  	v11 =	vld [tilespmem:s0+$0x4720]  }
0x2d9: {  	v9 =	vsub.f32 v9, v15;
	v13 =	vld [tilespmem:s0+$0x730];
	v6 =	vadd.f32 v6, v12;
	v8 =	vmul.f32 v8, v8  }
0x2da: {  	v12 =	vld [tilespmem:s0+$0x4730]  }
0x2db: {  	v9 =	vmul.f32 v9, v9;
	v10 =	vsub.f32 v16, v10;
	v15 =	vld [tilespmem:s0+$0x740];
	v6 =	vadd.f32 v8, v6  }
0x2dc: {  	v8 =	vld [tilespmem:s0+$0x4740]  }
0x2dd: {  	v6 =	vadd.f32 v9, v6;
	v9 =	vmul.f32 v10, v10;
	v10 =	vsub.f32 v14, v11;
	v11 =	vld [tilespmem:s0+$0x750]  }
0x2de: {  	v14 =	vld [tilespmem:s0+$0x4750]  }
0x2df: {  	v6 =	vadd.f32 v9, v6;
	v9 =	vmul.f32 v10, v10;
	v10 =	vsub.f32 v13, v12;
	v12 =	vld [tilespmem:s0+$0x760]  }
0x2e0: {  	v13 =	vld [tilespmem:s0+$0x4760]  }
0x2e1: {  	v6 =	vadd.f32 v9, v6;
	v9 =	vmul.f32 v10, v10;
	v8 =	vsub.f32 v15, v8;
	v10 =	vld [tilespmem:s0+$0x770]  }
0x2e2: {  	v15 =	vld [tilespmem:s0+$0x4770]  }
0x2e3: {  	v6 =	vadd.f32 v9, v6;
	v8 =	vmul.f32 v8, v8;
	v9 =	vsub.f32 v11, v14;
	v11 =	vld [tilespmem:s0+$0xB00]  }
0x2e4: {  	v14 =	vld [tilespmem:s0+$0x4B00]  }
0x2e5: {  	v6 =	vadd.f32 v8, v6;
	v8 =	vmul.f32 v9, v9;
	v9 =	vsub.f32 v12, v13;
	v12 =	vld [tilespmem:s0+$0xB10]  }
0x2e6: {  	v13 =	vld [tilespmem:s0+$0x4B10]  }
0x2e7: {  	v6 =	vadd.f32 v8, v6;
	v8 =	vmul.f32 v9, v9;
	v9 =	vsub.f32 v10, v15;
	v10 =	vld [tilespmem:s0+$0xB20]  }
0x2e8: {  	v15 =	vld [tilespmem:s0+$0x4B20]  }
0x2e9: {  	v6 =	vadd.f32 v8, v6;
	v8 =	vmul.f32 v9, v9;
	v9 =	vsub.f32 v11, v14;
	v11 =	vld [tilespmem:s0+$0xB30]  }
0x2ea: {  	v14 =	vld [tilespmem:s0+$0x4B30]  }
0x2eb: {  	v6 =	vadd.f32 v8, v6;
	v8 =	vmul.f32 v9, v9;
	v9 =	vsub.f32 v12, v13;
	v12 =	vld [tilespmem:s0+$0xB40]  }
0x2ec: {  	v13 =	vld [tilespmem:s0+$0x4B40]  }
0x2ed: {  	v6 =	vadd.f32 v8, v6;
	v8 =	vmul.f32 v9, v9;
	v9 =	vsub.f32 v10, v15;
	v15 =	vld [tilespmem:s0+$0xB50]  }
0x2ee: {  	v16 =	vld [tilespmem:s0+$0x4B50]  }
.Ltmp7:
0x2ef: {  	v8 =	vadd.f32 v8, v6;
	v9 =	vmul.f32 v9, v9;
	v11 =	vsub.f32 v11, v14;
	v6 =	vld [tilespmem:s0+$0xB60];
	(pc) =	sbr.rel @p0 .LBB2_16-.Ltmp7, $4  }
0x2f0: {  	v10 =	vld [tilespmem:s0+$0x4B60]  }
0x2f1: {  	v14 =	vadd.f32 v9, v8;
	v17 =	vmul.f32 v11, v11;
	v13 =	vsub.f32 v12, v13;
	v8 =	vld [tilespmem:s0+$0xB70]  }
0x2f2: {  	v11 =	vld [tilespmem:s0+$0x4B70];
	s0 =	sshra.s32 s3, $0x2  }
0x2f3: {  	s3 =	sadd.s32 $0x2000, s3;
	v9 =	vld [tilespmem:s0+$0x700];
	v12 =	vadd.f32 v17, v14;
	v13 =	vmul.f32 v13, v13;
	v14 =	vsub.f32 v15, v16  }
0x2f4: {  	v15 =	vld [tilespmem:s0+$0x4700]  }
0x2f5: {  	v16 =	vld [tilespmem:s0+$0x710];
	v12 =	vadd.f32 v13, v12;
	v53 =	vmul.f32 v14, v14;
	v6 =	vsub.f32 v6, v10  }
0x2f6: {  	v54 =	vld [tilespmem:s0+$0x4710]  }
0x2f7: {  	v55 =	vld [tilespmem:s0+$0x720];
	v12 =	vadd.f32 v53, v12;
	v6 =	vmul.f32 v6, v6;
	v8 =	vsub.f32 v8, v11  }
0x2f8: {  	v56 =	vld [tilespmem:s0+$0x4720]  }
0x2f9: {  	v57 =	vld [tilespmem:s0+$0x730];
	v9 =	vsub.f32 v9, v15;
	v6 =	vadd.f32 v6, v12;
	v8 =	vmul.f32 v8, v8  }
0x2fa: {  	v58 =	vld [tilespmem:s0+$0x4730]  }
0x2fb: {  	v59 =	vld [tilespmem:s0+$0x740];
	v10 =	vsub.f32 v16, v54;
	v9 =	vmul.f32 v9, v9;
	v6 =	vadd.f32 v8, v6  }
0x2fc: {  	v60 =	vld [tilespmem:s0+$0x4740]  }
0x2fd: {  	v63 =	vld [tilespmem:s0+$0x750];
	v62 =	vsub.f32 v55, v56;
	v61 =	vmul.f32 v10, v10;
	v6 =	vadd.f32 v9, v6  }
0x2fe: {  	v18 =	vld [tilespmem:s0+$0x4750]  }
0x2ff: {  	v21 =	vld [tilespmem:s0+$0x760];
	v20 =	vsub.f32 v57, v58;
	v19 =	vmul.f32 v62, v62;
	v6 =	vadd.f32 v61, v6  }
0x300: {  	v22 =	vld [tilespmem:s0+$0x4760]  }
0x301: {  	v24 =	vld [tilespmem:s0+$0x770];
	v23 =	vmul.f32 v20, v20;
	v8 =	vsub.f32 v59, v60;
	v6 =	vadd.f32 v19, v6  }
0x302: {  	v25 =	vld [tilespmem:s0+$0x4770]  }
0x303: {  	v27 =	vld [tilespmem:s0+$0xB00];
	v26 =	vsub.f32 v63, v18;
	v8 =	vmul.f32 v8, v8;
	v6 =	vadd.f32 v23, v6  }
0x304: {  	v28 =	vld [tilespmem:s0+$0x4B00]  }
0x305: {  	v31 =	vld [tilespmem:s0+$0xB10];
	v30 =	vsub.f32 v21, v22;
	v29 =	vmul.f32 v26, v26;
	v6 =	vadd.f32 v8, v6  }
0x306: {  	v32 =	vld [tilespmem:s0+$0x4B10]  }
0x307: {  	v35 =	vld [tilespmem:s0+$0xB20];
	v34 =	vsub.f32 v24, v25;
	v33 =	vmul.f32 v30, v30;
	v6 =	vadd.f32 v29, v6  }
0x308: {  	v36 =	vld [tilespmem:s0+$0x4B20]  }
0x309: {  	v39 =	vld [tilespmem:s0+$0xB30];
	v38 =	vsub.f32 v27, v28;
	v37 =	vmul.f32 v34, v34;
	v6 =	vadd.f32 v33, v6  }
0x30a: {  	v40 =	vld [tilespmem:s0+$0x4B30]  }
0x30b: {  	v43 =	vld [tilespmem:s0+$0xB40];
	v42 =	vsub.f32 v31, v32;
	v41 =	vmul.f32 v38, v38;
	v6 =	vadd.f32 v37, v6  }
0x30c: {  	v44 =	vld [tilespmem:s0+$0x4B40]  }
0x30d: {  	v47 =	vld [tilespmem:s0+$0xB50];
	v46 =	vsub.f32 v35, v36;
	v45 =	vmul.f32 v42, v42;
	v6 =	vadd.f32 v41, v6  }
0x30e: {  	v48 =	vld [tilespmem:s0+$0x4B50]  }
0x30f: {  	v51 =	vld [tilespmem:s0+$0xB60];
	v50 =	vsub.f32 v39, v40;
	v49 =	vmul.f32 v46, v46;
	v6 =	vadd.f32 v45, v6  }
0x310: {  	v52 =	vld [tilespmem:s0+$0x4B60]  }
0x311: {  	v54 =	vsub.f32 v43, v44;
	v55 =	vld [tilespmem:s0+$0xB70];
	v53 =	vmul.f32 v50, v50;
	v6 =	vadd.f32 v49, v6  }
0x312: {  	v56 =	vld [tilespmem:s0+$0x4B70]  }
0x313: {  	v58 =	vsub.f32 v47, v48;
	v57 =	vmul.f32 v54, v54;
	v6 =	vadd.f32 v53, v6;
	_ =	sdelay $0x1  }
0x314: {  	v59 =	vmul.f32 v58, v58;
	v60 =	vsub.f32 v51, v52;
	v6 =	vadd.f32 v57, v6;
	_ =	sdelay $0x1  }
0x315: {  	s5 =	rddreg [dreg:$0xd];
	v62 =	vsub.f32 v55, v56;
	v61 =	vmul.f32 v60, v60;
	v6 =	vadd.f32 v59, v6  }
0x316: {  	s0 =	smul.u32 $0x18, s5  }
0x317: {  	s1 =	rddreg [dreg:$0xc];
	v63 =	vmul.f32 v62, v62;
	v6 =	vadd.f32 v61, v6  }
0x318: {  	s0 =	ssub.s32 s0, s1  }
0x319: {  	s0 =	scvt.s32.f32 s0;
	v6 =	vadd.f32 v63, v6;
	_ =	sdelay $0x1  }
0x31a: {  	v6 =	vmul.f32 s0, v6;
	_ =	sdelay $0x1  }
0x31b: {  	s1 =	scvt.s32.f32 s1;
	v6 =	vsub.f32 v7, v6;
	_ =	sdelay $0x1  }
0x31c: {  	[tilespmem:$0x18700] =	vst v6;
	v6 =	vmov s1  }
0x31d: {  	s2 =	rddreg [dreg:$0x6];
	s3 =	simm.s32 $0x18700;
	[tilespmem:$0x18780] =	vst v6  }
0x31e: {  	[hbm4b:s2+s22] =	stream.linear.scatter [tilespmem:s3], [sflag:$0x4], $0x100, $0x38;
	[tilespmem:$0x18800] =	vst v63  }
0x31f: {  	_ =	swait.ge [sflag:s19], $0x100  }
0x320: {  	s4 =	rddreg [dreg:$0xb]  }
0x321: {  	s5 =	rddreg [dreg:$0xa];
	s1 =	sadd.s32 $0x1, s4  }
0x322: {  	p0 =	sne.s32 s1, s5  }
.Ltmp8:
0x323: {  	_ = 	snop;
	(pc) =	sbr.rel @p0 .LBB2_1-.Ltmp8, $3  }
0x324: {  	_ =	sdelay $0x1  }
0x325: {  	[sflag:s19] =	ssyncset.done $0x0  }
0x326: {  	[sflag:s19] =	ssyncadd.s32 $0xFFFFFF00  }
0x327: {  	_ =	sfence.sel $0x180000  }
0x328: {  	[bflag:$0x0] =	sbarrier.arrive $0xFFFF  }
0x329: {  	_ =	strace $0x90000047  }
0x32a: {  	s0 =	stileid.u32;
	[bflag:$0x2] =	sbarrier.arrive $0xFFFF  }
0x32b: {  	p0 =	sne.s32 s0, $0x0;
	s0 =	rddreg [dreg:$0x4]  }
0x32c: {  	s0 =	sadd.s32 @!p0 $0x100000, s0  }
0x32d: {  	[sflag:s0] =	ssyncadd.tile.s32 @!p0 $0x1;
	_ =	shalt  }
.Lfunc_end2:
_tile_overlayer_lowered:
.L_overlay_start_2:
0x32e: {  	(tag) =	ssettag $0x2  }
0x32f: {  	s0 =	rddreg [dreg:$0x0];
	s2 =	stileid.u32  }
0x330: {  	s1 =	rddreg [dreg:$0x1];
	p0 =	sne.s32 s2, $0x0  }
0x331: {  	s3 =	rddreg [dreg:$0x2];
	[bflag:$0x3] =	sbarrier.arrive $0xFFFF;
	s2 =	simm.s32 @!p0 $0x1C04  }
0x332: {  	[timem:s3], [sflag:s2] =	dma.local @!p0 [hbm:s0], s1  }
0x333: {  	s0 =	simm.s32 @!p0 $0x4  }
0x334: {  	_ =	swait.ge @!p0 [sflag:s0], s1  }
0x335: {  	s1 =	ssub.s32 @!p0 $0x0, s1;
	[sflag:s0] =	ssyncset.done @!p0 $0x0  }
0x336: {  	[sflag:s0] =	ssyncadd.s32 @!p0 s1  }
0x337: {  	[bflag:$0x3] =	sbarrier.arrive $0xFFFF  }
0x338: {  	_ =	shalt  }

</sc_bundles>
